<compile_context>
chip_gen: v7x
topology: tpu7x:2x2x1
jax: 0.10.2.dev20260603
libtpu: 0.0.44.dev20260713+nightly
codegen_flags: <defaults>
</compile_context>

<pallas_src>
import functools

import jax
import jax.numpy as jnp
from jax import lax
from jax.experimental import pallas as pl
from jax.experimental.pallas import tpu as pltpu
from jax.experimental.pallas import tpu_sc as plsc

N = 10000
E = 320000
F = 128
H = 64
NC, NS = 2, 16
NW = NC * NS
CH = 128
EPAD = 327680
PERW = EPAD // NW
NCH = PERW // CH
NPAD = 10240
TW = 144
BE = 4096


def _tables_body(x_ref, wr_ref, wc_ref, tr_ref, tc_ref):
    x = x_ref[...]
    tr_ref[...] = jnp.dot(x, wr_ref[...], preferred_element_type=jnp.float32)
    tc_ref[...] = jnp.dot(x, wc_ref[...], preferred_element_type=jnp.float32)


def _node_tables(x, Wr, Wc):
    blk = 1000
    return pl.pallas_call(
        _tables_body,
        grid=(N // blk,),
        in_specs=[pl.BlockSpec((blk, F), lambda i: (i, 0)),
                  pl.BlockSpec((F, F), lambda i: (0, 0)),
                  pl.BlockSpec((F, F), lambda i: (0, 0))],
        out_specs=[pl.BlockSpec((blk, F), lambda i: (i, 0)),
                   pl.BlockSpec((blk, F), lambda i: (i, 0))],
        out_shape=[jax.ShapeDtypeStruct((N, F), jnp.float32)] * 2,
    )(x, Wr, Wc)


_SC_PARAMS = pltpu.CompilerParams(use_tc_tiling_on_sc=False)


NCHT = 2 * NCH
NCH0 = 120
NCH1 = NCHT - NCH0


def _sc_gather(tr, tc_, p16, row3, col3):
    mesh = plsc.VectorSubcoreMesh(core_axis_name="c", subcore_axis_name="s")

    @functools.partial(
        pl.kernel, mesh=mesh,
        compiler_params=_SC_PARAMS,
        out_type=[jax.ShapeDtypeStruct((EPAD, F), jnp.float32),
                  jax.ShapeDtypeStruct((EPAD, F), jnp.float32),
                  jax.ShapeDtypeStruct((EPAD, 128), jnp.float32)],
        scratch_types=[pltpu.VMEM((NCH0, CH), jnp.int32),
                       pltpu.VMEM((NCH0, CH), jnp.int32),
                       pltpu.VMEM((CH, F), jnp.float32),
                       pltpu.VMEM((CH, F), jnp.float32),
                       pltpu.VMEM((CH, 16), jnp.float32),
                       pltpu.VMEM((CH, 16), jnp.float32),
                       pltpu.VMEM((CH, F), jnp.float32),
                       pltpu.VMEM((CH, F), jnp.float32),
                       pltpu.VMEM((CH, 16), jnp.float32),
                       pltpu.VMEM((CH, 16), jnp.float32),
                       pltpu.SemaphoreType.DMA,
                       pltpu.SemaphoreType.DMA,
                       pltpu.SemaphoreType.DMA,
                       pltpu.SemaphoreType.DMA,
                       pltpu.SemaphoreType.DMA,
                       pltpu.SemaphoreType.DMA,
                       pltpu.SemaphoreType.DMA,
                       pltpu.SemaphoreType.DMA,
                       pltpu.SemaphoreType.DMA,
                       pltpu.SemaphoreType.DMA,
                       pltpu.SemaphoreType.DMA,
                       pltpu.SemaphoreType.DMA,
                       pltpu.SemaphoreType.DMA],
    )
    def k(tr_hbm, tc_hbm, p16_hbm, row_hbm, col_hbm, gr_hbm, gc_hbm, q_hbm,
          idxr, idxc, br0, bc0, pr0, pc0, br1, bc1, pr1, pc1,
          gsr0, gsc0, gpr0, gpc0, gsr1, gsc1, gpr1, gpc1,
          wsr0, wsq0, wsr1, wsq1, isem):
        cid = lax.axis_index("c")
        sid = lax.axis_index("s")
        pair_base = sid * (NCHT * CH)
        bufs = ((br0, bc0, pr0, pc0, gsr0, gsc0, gpr0, gpc0, wsr0, wsq0),
                (br1, bc1, pr1, pc1, gsr1, gsc1, gpr1, gpc1, wsr1, wsq1))

        def pipeline(nch, chunk0, ebase):
            pltpu.async_copy(row_hbm.at[sid, pl.ds(chunk0, nch)],
                             idxr.at[pl.ds(0, nch)], isem).wait()
            pltpu.async_copy(col_hbm.at[sid, pl.ds(chunk0, nch)],
                             idxc.at[pl.ds(0, nch)], isem).wait()

            def _gather_copies(j, p):
                br, bc, pr, pc, gsr, gsc, gpr, gpc = bufs[p][:8]
                return (
                    pltpu.make_async_copy(tr_hbm.at[idxr.at[j]], br, gsr),
                    pltpu.make_async_copy(tc_hbm.at[idxc.at[j]], bc, gsc),
                    pltpu.make_async_copy(p16_hbm.at[idxr.at[j]], pr, gpr),
                    pltpu.make_async_copy(p16_hbm.at[idxc.at[j]], pc, gpc),
                )

            def start_gather(j, p):
                for c in _gather_copies(j, p):
                    c.start()

            def wait_gather(j, p):
                for c in _gather_copies(j, p):
                    c.wait()

            def _write_copies(j, p):
                br, bc, pr, pc = bufs[p][:4]
                wsr, wsq = bufs[p][8:]
                off = ebase + j * CH
                rows = pl.ds(off, CH)
                return (
                    pltpu.make_async_copy(br, gr_hbm.at[rows], wsr),
                    pltpu.make_async_copy(bc, gc_hbm.at[rows], wsr),
                    pltpu.make_async_copy(
                        pr, q_hbm.at[rows, pl.ds(0, 16)], wsq),
                    pltpu.make_async_copy(
                        pc, q_hbm.at[rows, pl.ds(16, 16)], wsq),
                )

            def start_write(j, p):
                for c in _write_copies(j, p):
                    c.start()

            def wait_write(j, p):
                for c in _write_copies(j, p):
                    c.wait()

            start_gather(0, 0)
            start_gather(1, 1)
            wait_gather(0, 0)
            start_write(0, 0)
            wait_gather(1, 1)
            start_write(1, 1)

            @pl.loop(1, nch // 2)
            def _(i):
                j0 = 2 * i
                for p in range(2):
                    j = j0 + p
                    wait_write(j, p)
                    start_gather(j, p)
                    wait_gather(j, p)
                    start_write(j, p)

            wait_write(nch - 2, 0)
            wait_write(nch - 1, 1)

        @pl.when(cid == 0)
        def _():
            pipeline(NCH0, 0, pair_base)

        @pl.when(cid == 1)
        def _():
            pipeline(NCH1, NCH0, pair_base + NCH0 * CH)

    return k(tr, tc_, p16, row3, col3)


def _edge_body(gr_ref, gc_ref, q_ref, on_ref, wd_ref, wm_ref, ba_ref, bb_ref,
               v_ref):
    q = q_ref[...]
    d3 = q[:, 0:16] - q[:, 16:32]
    dist2 = jnp.dot(d3 * d3, on_ref[...],
                    preferred_element_type=jnp.float32)
    dist16 = jnp.sqrt(dist2)
    distwd = jnp.dot(dist16, wd_ref[...],
                     preferred_element_type=jnp.float32)
    h = gr_ref[...] + gc_ref[...] + distwd + ba_ref[0:1, :]
    s = h * jax.nn.sigmoid(h)
    mes = jnp.dot(s, wm_ref[...],
                  preferred_element_type=jnp.float32) + bb_ref[0:1, :]
    rmax = 4.5
    t = jnp.clip(dist16, 0.0, rmax) / rmax
    t2 = t * t
    t4 = t2 * t2
    t5 = t4 * t
    t6 = t5 * t
    t7 = t6 * t
    coe = 1.0 - 21.0 * t5 + 35.0 * t6 - 15.0 * t7
    fac = (coe / (dist16 + 1e-6)) * mes
    d3pair = jnp.concatenate([d3[:, 0:8], d3[:, 0:8]], axis=1)
    v_ref[...] = d3pair * fac


def _edge_math(gr, gc, q, ones16, WD, WM, BA, BB):
    return pl.pallas_call(
        _edge_body,
        grid=(EPAD // BE,),
        in_specs=[pl.BlockSpec((BE, F), lambda i: (i, 0)),
                  pl.BlockSpec((BE, F), lambda i: (i, 0)),
                  pl.BlockSpec((BE, 128), lambda i: (i, 0)),
                  pl.BlockSpec((16, 16), lambda i: (0, 0)),
                  pl.BlockSpec((16, 128), lambda i: (0, 0)),
                  pl.BlockSpec((128, 16), lambda i: (0, 0)),
                  pl.BlockSpec((8, 128), lambda i: (0, 0)),
                  pl.BlockSpec((8, 16), lambda i: (0, 0))],
        out_specs=pl.BlockSpec((BE, 16), lambda i: (i, 0)),
        out_shape=jax.ShapeDtypeStruct((EPAD, 16), jnp.float32),
    )(gr, gc, q, ones16, WD, WM, BA, BB)


def _sc_scatter(v, col3):
    mesh = plsc.VectorSubcoreMesh(core_axis_name="c", subcore_axis_name="s")
    ZR = NPAD // NS

    @functools.partial(
        pl.kernel, mesh=mesh,
        compiler_params=_SC_PARAMS,
        out_type=jax.ShapeDtypeStruct((NC, NPAD, 16), jnp.float32),
        scratch_types=[pltpu.VMEM((CH, 16), jnp.float32),
                       pltpu.VMEM((CH, 16), jnp.float32),
                       pltpu.VMEM((NCH, CH), jnp.int32),
                       pltpu.VMEM_SHARED((NPAD, 16), jnp.float32),
                       pltpu.SemaphoreType.DMA,
                       pltpu.SemaphoreType.DMA,
                       pltpu.SemaphoreType.DMA,
                       pltpu.SemaphoreType.DMA,
                       pltpu.SemaphoreType.DMA],
    )
    def k(v_hbm, col_hbm, out_hbm, vb0, vb1, idxbuf, acc,
          ls0, ls1, ss0, ss1, isem):
        cid = lax.axis_index("c")
        sid = lax.axis_index("s")
        wid = sid * NC + cid
        base = wid * PERW

        @pl.loop(0, CH)
        def _(i):
            vb0[i, :] = jnp.zeros((16,), jnp.float32)

        @pl.loop(0, ZR // CH)
        def _(j):
            pltpu.sync_copy(vb0, acc.at[pl.ds(sid * ZR + j * CH, CH)])

        pltpu.async_copy(col_hbm.at[wid], idxbuf, isem).wait()
        plsc.subcore_barrier()

        bufs = ((vb0, ls0, ss0), (vb1, ls1, ss1))

        def start_load(j, p):
            vb, ls, _ = bufs[p]
            off = base + j * CH
            pltpu.make_async_copy(v_hbm.at[pl.ds(off, CH)], vb, ls).start()

        def wait_load(j, p):
            vb, ls, _ = bufs[p]
            off = base + j * CH
            pltpu.make_async_copy(v_hbm.at[pl.ds(off, CH)], vb, ls).wait()

        def start_scatter(j, p):
            vb, _, ss = bufs[p]
            pltpu.async_copy(vb, acc.at[idxbuf.at[j]], ss, add=True)

        def wait_scatter(j, p):
            vb, _, ss = bufs[p]
            pltpu.make_async_copy(vb, acc.at[idxbuf.at[j]], ss).wait()

        start_load(0, 0)
        start_load(1, 1)

        @pl.loop(0, NCH // 2)
        def _(i):
            j0 = 2 * i
            for p in range(2):
                j = j0 + p
                wait_load(j, p)
                start_scatter(j, p)
                wait_scatter(j, p)

                @pl.when(j + 2 < NCH)
                def _():
                    start_load(j + 2, p)

        plsc.subcore_barrier()
        pltpu.sync_copy(acc.at[pl.ds(sid * ZR, ZR)],
                        out_hbm.at[cid, pl.ds(sid * ZR, ZR)])

    return k(v, col3)


def _fin_body(p_ref, o_ref):
    p = p_ref[0] + p_ref[1]
    eps = 1e-6
    v1 = p[:, 0:3]
    v2 = p[:, 8:11]
    v1n = jnp.sqrt(jnp.sum(v1 * v1, axis=1, keepdims=True))
    one = jnp.ones_like(v1n)
    zero = jnp.zeros_like(v1n)
    default = jnp.concatenate([one, zero, zero], axis=1)
    n1 = jnp.where(v1n > eps, v1 / (v1n + eps), default)
    n2p = v2 - jnp.sum(n1 * v2, axis=1, keepdims=True) * n1
    n2n = jnp.sqrt(jnp.sum(n2p * n2p, axis=1, keepdims=True))
    fb = jnp.concatenate([-n1[:, 1:2], n1[:, 0:1], zero], axis=1)
    fb = fb - jnp.sum(n1 * fb, axis=1, keepdims=True) * n1
    fbn = jnp.sqrt(jnp.sum(fb * fb, axis=1, keepdims=True))
    fb = fb / (fbn + eps)
    n2 = jnp.where(n2n > eps, n2p / (n2n + eps), fb)
    c0 = n1[:, 1:2] * n2[:, 2:3] - n1[:, 2:3] * n2[:, 1:2]
    c1 = n1[:, 2:3] * n2[:, 0:1] - n1[:, 0:1] * n2[:, 2:3]
    c2 = n1[:, 0:1] * n2[:, 1:2] - n1[:, 1:2] * n2[:, 0:1]
    n3 = jnp.concatenate([c0, c1, c2], axis=1)
    n3n = jnp.sqrt(jnp.sum(n3 * n3, axis=1, keepdims=True))
    n3 = n3 / (n3n + eps)
    pad7 = jnp.zeros((p.shape[0], 7), jnp.float32)
    o_ref[...] = jnp.concatenate(
        [n1[:, 0:1], n2[:, 0:1], n3[:, 0:1],
         n1[:, 1:2], n2[:, 1:2], n3[:, 1:2],
         n1[:, 2:3], n2[:, 2:3], n3[:, 2:3], pad7], axis=1)


def _finalize(p):
    blk = 1024
    return pl.pallas_call(
        _fin_body,
        grid=(NPAD // blk,),
        in_specs=[pl.BlockSpec((NC, blk, 16), lambda i: (0, i, 0))],
        out_specs=pl.BlockSpec((blk, 16), lambda i: (i, 0)),
        out_shape=jax.ShapeDtypeStruct((NPAD, 16), jnp.float32),
    )(p)


def kernel(x, pos, edge_index, W1a, b1a, W1b, b1b, W2a, b2a, W2b, b2b):
    Wr = jnp.concatenate([W1a[:F], W2a[:F]], axis=1)
    Wc = jnp.concatenate([W1a[F:2 * F], W2a[F:2 * F]], axis=1)
    ones16 = jnp.ones((16, 16), jnp.float32)
    wd128 = jnp.concatenate([W1a[2 * F], W2a[2 * F]])
    WD = jnp.tile(wd128[None, :] / 16.0, (16, 1))
    WM = jnp.zeros((128, 16), jnp.float32)
    WM = WM.at[0:H, 0:8].set(jnp.tile(W1b, (1, 8)))
    WM = WM.at[H:2 * H, 8:16].set(jnp.tile(W2b, (1, 8)))
    BA = jnp.zeros((8, 128), jnp.float32)
    BA = BA.at[0, 0:H].set(b1a)
    BA = BA.at[0, H:2 * H].set(b2a)
    BB = jnp.zeros((8, 16), jnp.float32)
    BB = BB.at[0, 0:8].set(b1b[0])
    BB = BB.at[0, 8:16].set(b2b[0])
    padlen = EPAD - E
    row = jnp.concatenate([edge_index[0], jnp.zeros((padlen,), jnp.int32)])
    col = jnp.concatenate([edge_index[1], jnp.zeros((padlen,), jnp.int32)])
    rowg = row.reshape(NS, NCHT, CH)
    colg = col.reshape(NS, NCHT, CH)
    col3 = col.reshape(NW, NCH, CH)
    p16 = jnp.pad(pos, ((0, 0), (0, 13)))
    tr, tc_ = _node_tables(x, Wr, Wc)
    gr, gc, q = _sc_gather(tr, tc_, p16, rowg, colg)
    v = _edge_math(gr, gc, q, ones16, WD, WM, BA, BB)
    p = _sc_scatter(v, col3)
    o = _finalize(p)
    return o[:N, :9].reshape(N, 3, 3)

# --- scband reference (transcript-rebuilt; emitter-appended) ---
"""Pipeline reference for scband-equivariant-layer-62646392979719 (READ-ONLY COPY).

The authoritative reference and input builder live on the scoring server;
editing this copy changes nothing except your own understanding.
"""

import jax, jax.numpy as jnp
import numpy as np

N = 10000
E = 320000
F = 128
H = 64

def silu(v):
    return v * jax.nn.sigmoid(v)

def setup_inputs(seed: int = 0):
    key = jax.random.key(seed)
    ks = jax.random.split(key, 12)
    x = jax.random.normal(ks[0], (N, F), dtype=jnp.float32)
    pos = jax.random.normal(ks[1], (N, 3), dtype=jnp.float32)
    edge_index = jax.random.randint(ks[2], (2, E), 0, N, dtype=jnp.int32)
    Din = 2 * F + 1
    W1a = jax.random.normal(ks[3], (Din, H), dtype=jnp.float32) * 0.05
    b1a = jnp.zeros((H,), dtype=jnp.float32)
    W1b = jax.random.normal(ks[4], (H, 1), dtype=jnp.float32) * 0.05
    b1b = jnp.zeros((1,), dtype=jnp.float32)
    W2a = jax.random.normal(ks[5], (Din, H), dtype=jnp.float32) * 0.05
    b2a = jnp.zeros((H,), dtype=jnp.float32)
    W2b = jax.random.normal(ks[6], (H, 1), dtype=jnp.float32) * 0.05
    b2b = jnp.zeros((1,), dtype=jnp.float32)
    return {"x": x, "pos": pos, "edge_index": edge_index,
            "W1a": W1a, "b1a": b1a, "W1b": W1b, "b1b": b1b,
            "W2a": W2a, "b2a": b2a, "W2b": W2b, "b2b": b2b}

def reference(x, pos, edge_index, W1a, b1a, W1b, b1b, W2a, b2a, W2b, b2b):
    eps = 1e-6
    row = edge_index[0]
    col = edge_index[1]
    pos_i = pos[row]
    pos_j = pos[col]
    direction = pos_i - pos_j
    dist = jnp.linalg.norm(direction, axis=-1, keepdims=True)
    x_ij = jnp.concatenate([x[row], x[col], dist], axis=-1)
    mes1 = silu(x_ij @ W1a + b1a) @ W1b + b1b
    mes2 = silu(x_ij @ W2a + b2a) @ W2b + b2b
    p = 5.0
    r_max = 4.5
    t = jnp.clip(dist, 0.0, r_max) / r_max
    coe = 1.0 - (p + 1.0) * (p + 2.0) / 2.0 * t ** p + p * (p + 2.0) * t ** (p + 1.0) - p * (p + 1.0) / 2.0 * t ** (p + 2.0)
    dn = jnp.linalg.norm(direction, axis=-1, keepdims=True)
    norm_vec = direction / (dn + eps)
    vec1 = norm_vec * coe * mes1
    vec2 = norm_vec * coe * mes2
    v1 = jnp.zeros((x.shape[0], 3), dtype=x.dtype).at[col].add(vec1)
    v2 = jnp.zeros((x.shape[0], 3), dtype=x.dtype).at[col].add(vec2)
    # gram_schmidt_batch
    v1n = jnp.linalg.norm(v1, axis=-1, keepdims=True)
    mask1 = (v1n > eps).astype(v1.dtype)
    default = jnp.broadcast_to(jnp.array([1.0, 0.0, 0.0], dtype=v1.dtype), v1.shape)
    n1 = jnp.where(mask1 > 0.5, v1 / (v1n + eps), default)
    n2_prime = v2 - (n1 * v2).sum(axis=-1, keepdims=True) * n1
    n2n = jnp.linalg.norm(n2_prime, axis=-1, keepdims=True)
    mask2 = (n2n > eps).astype(v1.dtype)
    fallback = jnp.stack([-n1[:, 1], n1[:, 0], jnp.zeros_like(n1[:, 0])], axis=1)
    fallback = fallback - (n1 * fallback).sum(axis=-1, keepdims=True) * n1
    fn = jnp.linalg.norm(fallback, axis=-1, keepdims=True)
    fallback = fallback / (fn + eps)
    n2 = jnp.where(mask2 > 0.5, n2_prime / (n2n + eps), fallback)
    n3 = jnp.cross(n1, n2)
    n3n = jnp.linalg.norm(n3, axis=-1, keepdims=True)
    n3 = n3 / (n3n + eps)
    return jnp.stack([n1, n2, n3], axis=-1)

if __name__ == "__main__":
    import jax
    _d = setup_inputs()
    print(jax.jit(kernel)(*tuple(_d.values())))

</pallas_src>

<mosaic_0001>
#map = affine_map<(d0, d1) -> (0, 0)>
#map1 = affine_map<(d0, d1) -> (0, 0, 0)>
module attributes {stable_mosaic.version = 14 : i64} {
  func.func @k(%arg0: i32, %arg1: i32, %arg2: memref<327680x16xf32, #tpu.memory_space<hbm>>, %arg3: memref<32x80x128xi32, #tpu.memory_space<hbm>>, %arg4: memref<2x10240x16xf32, #tpu.memory_space<hbm>>, %arg5: memref<128x16xf32, #tpu.memory_space<vmem>>, %arg6: memref<128x16xf32, #tpu.memory_space<vmem>>, %arg7: memref<80x128xi32, #tpu.memory_space<vmem>>, %arg8: memref<10240x16xf32, #tpu.memory_space<vmem_shared>>, %arg9: memref<!tpu.dma_semaphore, #tpu.memory_space<semaphore_mem>>, %arg10: memref<!tpu.dma_semaphore, #tpu.memory_space<semaphore_mem>>, %arg11: memref<!tpu.dma_semaphore, #tpu.memory_space<semaphore_mem>>, %arg12: memref<!tpu.dma_semaphore, #tpu.memory_space<semaphore_mem>>, %arg13: memref<!tpu.dma_semaphore, #tpu.memory_space<semaphore_mem>>) attributes {dimension_semantics = [#tpu.dimension_semantics<core_parallel>, #tpu.dimension_semantics<subcore_parallel>], iteration_bounds = array<i64: 2, 16>, scalar_prefetch = 0 : i64, scratch_operands = 9 : i64, tpu.core_type = #tpu.core_type<sc_vector_subcore>, window_params = [{transform_indices = #map}, {transform_indices = #map1}, {transform_indices = #map1}]} {
    %mul3A = arith.constant 2 : i32
    %mul3A_0 = arith.muli %arg1, %mul3A : i32
    %add3A = arith.addi %mul3A_0, %arg0 : i32
    %mul3A_1 = arith.constant 10240 : i32
    %mul3A_2 = arith.muli %add3A, %mul3A_1 : i32
    %scan3A = arith.constant 0 : i32
    %scan3A_3 = arith.constant 128 : i32
    %scan3A_4 = arith.addi %scan3A, %scan3A_3 : i32
    %scan3A_5 = arith.constant 1 : i32
    scf.for %scan3A_48 = %scan3A to %scan3A_4 step %scan3A_5  : i32 {
      %mul3A_49 = arith.constant 1 : i32
      %mul3A_50 = arith.muli %scan3A_48, %mul3A_49 : i32
      %add3A_51 = arith.constant 0 : i32
      %add3A_52 = arith.addi %add3A_51, %mul3A_50 : i32
      %broadcast_in_dim3A = arith.constant 0.000000e+00 : f32
      %broadcast_in_dim3A_53 = vector.broadcast %broadcast_in_dim3A : f32 to vector<16xf32>
      %swap3A = arith.index_cast %add3A_52 : i32 to index
      %swap3A_54 = arith.constant 0 : index
      %swap3A_55 = tpu.vector_load %arg5[%swap3A, %swap3A_54] {strides = array<i32>} : memref<128x16xf32, #tpu.memory_space<vmem>>, vector<1x16xf32>,
      %swap3A_56 = vector.shape_cast %swap3A_55 : vector<1x16xf32> to vector<16xf32>
      %swap3A_57 = vector.shape_cast %broadcast_in_dim3A_53 : vector<16xf32> to vector<1x16xf32>
      tpu.vector_store %arg5[%swap3A, %swap3A_54], %swap3A_57 {strides = array<i32>} : memref<128x16xf32, #tpu.memory_space<vmem>>, vector<1x16xf32>,
    }
    %scan3A_6 = arith.constant 128 : i32
    %scan3A_7 = arith.constant 0 : i32
    %scan3A_8 = arith.constant 5 : i32
    %scan3A_9 = arith.addi %scan3A_7, %scan3A_8 : i32
    %scan3A_10 = arith.constant 1 : i32
    scf.for %scan3A_48 = %scan3A_7 to %scan3A_9 step %scan3A_10  : i32 {
      %mul3A_49 = arith.constant 1 : i32
      %mul3A_50 = arith.muli %scan3A_48, %mul3A_49 : i32
      %add3A_51 = arith.constant 0 : i32
      %add3A_52 = arith.addi %add3A_51, %mul3A_50 : i32
      %mul3A_53 = arith.constant 640 : i32
      %mul3A_54 = arith.muli %arg1, %mul3A_53 : i32
      %mul3A_55 = arith.constant 128 : i32
      %mul3A_56 = arith.muli %add3A_52, %mul3A_55 : i32
      %add3A_57 = arith.addi %mul3A_54, %mul3A_56 : i32
      "tpu.region"() ({
        %run_scoped3A = tpu.sem_alloc : memref<!tpu.dma_semaphore, #tpu.memory_space<semaphore_mem>>
        %dma_start3A_58 = arith.constant 0 : i32
        %dma_start3A_59 = tpu.memref_slice %arg8[%add3A_57, %dma_start3A_58] : memref<10240x16xf32, #tpu.memory_space<vmem_shared>> -> memref<128x16xf32, #tpu.memory_space<vmem_shared>>
        %dma_start3A_60 = arith.constant 0 : i32
        %dma_start3A_61 = tpu.memref_slice %arg8[%add3A_57, %dma_start3A_60] : memref<10240x16xf32, #tpu.memory_space<vmem_shared>> -> memref<128x16xf32, #tpu.memory_space<vmem_shared>>
        tpu.enqueue_dma source(%arg5 : memref<128x16xf32, #tpu.memory_space<vmem>>) target(%dma_start3A_61 : memref<128x16xf32, #tpu.memory_space<vmem_shared>>) target_semaphore(%run_scoped3A : memref<!tpu.dma_semaphore, #tpu.memory_space<semaphore_mem>>)
        %dma_wait3A_62 = arith.constant 0 : i32
        %dma_wait3A_63 = tpu.memref_slice %arg8[%add3A_57, %dma_wait3A_62] : memref<10240x16xf32, #tpu.memory_space<vmem_shared>> -> memref<128x16xf32, #tpu.memory_space<vmem_shared>>
        %dma_wait3A_64 = arith.constant 0 : i32
        %dma_wait3A_65 = tpu.memref_slice %arg8[%add3A_57, %dma_wait3A_64] : memref<10240x16xf32, #tpu.memory_space<vmem_shared>> -> memref<128x16xf32, #tpu.memory_space<vmem_shared>>
        tpu.wait_dma2 semaphore(%run_scoped3A : memref<!tpu.dma_semaphore, #tpu.memory_space<semaphore_mem>>) src(%arg5 : memref<128x16xf32, #tpu.memory_space<vmem>>) dst(%dma_wait3A_65 : memref<128x16xf32, #tpu.memory_space<vmem_shared>>)
        tpu.yield
      }) : () -> ()
    }
    %scan3A_11 = arith.constant 5 : i32
    %dma_start3A = arith.constant 0 : i32
    %dma_start3A_12 = arith.constant 0 : i32
    %dma_start3A_13 = tpu.memref_slice %arg3[%add3A, %dma_start3A, %dma_start3A_12] : memref<32x80x128xi32, #tpu.memory_space<hbm>> -> memref<1x80x128xi32, #tpu.memory_space<hbm>>
    %dma_start3A_14 = tpu.memref_squeeze %dma_start3A_13 : memref<1x80x128xi32, #tpu.memory_space<hbm>> -> memref<80x128xi32, #tpu.memory_space<hbm>>
    %dma_start3A_15 = arith.constant 0 : i32
    %dma_start3A_16 = arith.constant 0 : i32
    %dma_start3A_17 = tpu.memref_slice %arg3[%add3A, %dma_start3A_15, %dma_start3A_16] : memref<32x80x128xi32, #tpu.memory_space<hbm>> -> memref<1x80x128xi32, #tpu.memory_space<hbm>>
    %dma_start3A_18 = tpu.memref_squeeze %dma_start3A_17 : memref<1x80x128xi32, #tpu.memory_space<hbm>> -> memref<80x128xi32, #tpu.memory_space<hbm>>
    tpu.enqueue_dma source(%dma_start3A_18 : memref<80x128xi32, #tpu.memory_space<hbm>>) target(%arg7 : memref<80x128xi32, #tpu.memory_space<vmem>>) target_semaphore(%arg13 : memref<!tpu.dma_semaphore, #tpu.memory_space<semaphore_mem>>)
    %dma_wait3A = arith.constant 0 : i32
    %dma_wait3A_19 = arith.constant 0 : i32
    %dma_wait3A_20 = tpu.memref_slice %arg3[%add3A, %dma_wait3A, %dma_wait3A_19] : memref<32x80x128xi32, #tpu.memory_space<hbm>> -> memref<1x80x128xi32, #tpu.memory_space<hbm>>
    %dma_wait3A_21 = tpu.memref_squeeze %dma_wait3A_20 : memref<1x80x128xi32, #tpu.memory_space<hbm>> -> memref<80x128xi32, #tpu.memory_space<hbm>>
    %dma_wait3A_22 = arith.constant 0 : i32
    %dma_wait3A_23 = arith.constant 0 : i32
    %dma_wait3A_24 = tpu.memref_slice %arg3[%add3A, %dma_wait3A_22, %dma_wait3A_23] : memref<32x80x128xi32, #tpu.memory_space<hbm>> -> memref<1x80x128xi32, #tpu.memory_space<hbm>>
    %dma_wait3A_25 = tpu.memref_squeeze %dma_wait3A_24 : memref<1x80x128xi32, #tpu.memory_space<hbm>> -> memref<80x128xi32, #tpu.memory_space<hbm>>
    tpu.wait_dma2 semaphore(%arg13 : memref<!tpu.dma_semaphore, #tpu.memory_space<semaphore_mem>>) src(%dma_wait3A_25 : memref<80x128xi32, #tpu.memory_space<hbm>>) dst(%arg7 : memref<80x128xi32, #tpu.memory_space<vmem>>)
    %barrier3A = arith.constant 0 : index
    tpu.barrier barrier_id(%barrier3A)
    %add3A_26 = arith.constant 0 : i32
    %add3A_27 = arith.addi %mul3A_2, %add3A_26 : i32
    %dma_start3A_28 = arith.constant 0 : i32
    %dma_start3A_29 = tpu.memref_slice %arg2[%add3A_27, %dma_start3A_28] : memref<327680x16xf32, #tpu.memory_space<hbm>> -> memref<128x16xf32, #tpu.memory_space<hbm>>
    %dma_start3A_30 = arith.constant 0 : i32
    %dma_start3A_31 = tpu.memref_slice %arg2[%add3A_27, %dma_start3A_30] : memref<327680x16xf32, #tpu.memory_space<hbm>> -> memref<128x16xf32, #tpu.memory_space<hbm>>
    tpu.enqueue_dma source(%dma_start3A_31 : memref<128x16xf32, #tpu.memory_space<hbm>>) target(%arg5 : memref<128x16xf32, #tpu.memory_space<vmem>>) target_semaphore(%arg9 : memref<!tpu.dma_semaphore, #tpu.memory_space<semaphore_mem>>)
    %add3A_32 = arith.constant 128 : i32
    %add3A_33 = arith.addi %mul3A_2, %add3A_32 : i32
    %dma_start3A_34 = arith.constant 0 : i32
    %dma_start3A_35 = tpu.memref_slice %arg2[%add3A_33, %dma_start3A_34] : memref<327680x16xf32, #tpu.memory_space<hbm>> -> memref<128x16xf32, #tpu.memory_space<hbm>>
    %dma_start3A_36 = arith.constant 0 : i32
    %dma_start3A_37 = tpu.memref_slice %arg2[%add3A_33, %dma_start3A_36] : memref<327680x16xf32, #tpu.memory_space<hbm>> -> memref<128x16xf32, #tpu.memory_space<hbm>>
    tpu.enqueue_dma source(%dma_start3A_37 : memref<128x16xf32, #tpu.memory_space<hbm>>) target(%arg6 : memref<128x16xf32, #tpu.memory_space<vmem>>) target_semaphore(%arg10 : memref<!tpu.dma_semaphore, #tpu.memory_space<semaphore_mem>>)
    %scan3A_38 = arith.constant 0 : i32
    %scan3A_39 = arith.constant 40 : i32
    %scan3A_40 = arith.addi %scan3A_38, %scan3A_39 : i32
    %scan3A_41 = arith.constant 1 : i32
    scf.for %scan3A_48 = %scan3A_38 to %scan3A_40 step %scan3A_41  : i32 {
      %mul3A_49 = arith.constant 1 : i32
      %mul3A_50 = arith.muli %scan3A_48, %mul3A_49 : i32
      %add3A_51 = arith.constant 0 : i32
      %add3A_52 = arith.addi %add3A_51, %mul3A_50 : i32
      %mul3A_53 = arith.constant 2 : i32
      %mul3A_54 = arith.muli %mul3A_53, %add3A_52 : i32
      %add3A_55 = arith.constant 0 : i32
      %add3A_56 = arith.addi %mul3A_54, %add3A_55 : i32
      %mul3A_57 = arith.constant 128 : i32
      %mul3A_58 = arith.muli %add3A_56, %mul3A_57 : i32
      %add3A_59 = arith.addi %mul3A_2, %mul3A_58 : i32
      %dma_wait3A_60 = arith.constant 0 : i32
      %dma_wait3A_61 = tpu.memref_slice %arg2[%add3A_59, %dma_wait3A_60] : memref<327680x16xf32, #tpu.memory_space<hbm>> -> memref<128x16xf32, #tpu.memory_space<hbm>>
      %dma_wait3A_62 = arith.constant 0 : i32
      %dma_wait3A_63 = tpu.memref_slice %arg2[%add3A_59, %dma_wait3A_62] : memref<327680x16xf32, #tpu.memory_space<hbm>> -> memref<128x16xf32, #tpu.memory_space<hbm>>
      tpu.wait_dma2 semaphore(%arg9 : memref<!tpu.dma_semaphore, #tpu.memory_space<semaphore_mem>>) src(%dma_wait3A_63 : memref<128x16xf32, #tpu.memory_space<hbm>>) dst(%arg5 : memref<128x16xf32, #tpu.memory_space<vmem>>)
      %dma_start3A_64 = arith.constant 0 : i32
      %dma_start3A_65 = tpu.memref_slice %arg7[%add3A_56, %dma_start3A_64] : memref<80x128xi32, #tpu.memory_space<vmem>> -> memref<1x128xi32, #tpu.memory_space<vmem>>
      %dma_start3A_66 = tpu.memref_squeeze %dma_start3A_65 : memref<1x128xi32, #tpu.memory_space<vmem>> -> memref<128xi32, #tpu.memory_space<vmem>>
      %dma_start3A_67 = arith.constant 0 : i32
      %dma_start3A_68 = arith.constant 0 : i32
      %dma_start3A_69 = tpu.memref_slice %arg8[%dma_start3A_67, %dma_start3A_68] : memref<10240x16xf32, #tpu.memory_space<vmem_shared>> -> memref<10240x16xf32, #tpu.memory_space<vmem_shared>>
      tpu.enqueue_indirect_dma source(%arg5 : memref<128x16xf32, #tpu.memory_space<vmem>>) target(%dma_start3A_69 : memref<10240x16xf32, #tpu.memory_space<vmem_shared>>) offsets(%dma_start3A_66 : memref<128xi32, #tpu.memory_space<vmem>>) semaphore(%arg11 : memref<!tpu.dma_semaphore, #tpu.memory_space<semaphore_mem>>) {add = true}
      %dma_wait3A_70 = arith.constant 0 : i32
      %dma_wait3A_71 = tpu.memref_slice %arg7[%add3A_56, %dma_wait3A_70] : memref<80x128xi32, #tpu.memory_space<vmem>> -> memref<1x128xi32, #tpu.memory_space<vmem>>
      %dma_wait3A_72 = tpu.memref_squeeze %dma_wait3A_71 : memref<1x128xi32, #tpu.memory_space<vmem>> -> memref<128xi32, #tpu.memory_space<vmem>>
      %dma_wait3A_73 = arith.constant 0 : i32
      %dma_wait3A_74 = arith.constant 0 : i32
      %dma_wait3A_75 = tpu.memref_slice %arg8[%dma_wait3A_73, %dma_wait3A_74] : memref<10240x16xf32, #tpu.memory_space<vmem_shared>> -> memref<10240x16xf32, #tpu.memory_space<vmem_shared>>
      tpu.wait_indirect_dma semaphore(%arg11 : memref<!tpu.dma_semaphore, #tpu.memory_space<semaphore_mem>>) src(%arg5 : memref<128x16xf32, #tpu.memory_space<vmem>>) dst(%dma_wait3A_75 : memref<10240x16xf32, #tpu.memory_space<vmem_shared>>)
      %add3A_76 = arith.constant 2 : i32
      %add3A_77 = arith.addi %add3A_56, %add3A_76 : i32
      %lt3A = arith.constant 80 : i32
      %lt3A_78 = arith.cmpi slt, %add3A_77, %lt3A : i32
      %convert_element_type3A = arith.extui %lt3A_78 : i1 to i32
      %cond3A = arith.constant 0 : i32
      %cond3A_79 = arith.cmpi ne, %convert_element_type3A, %cond3A : i32
      scf.if %cond3A_79 {
        %add3A_108 = arith.constant 2 : i32
        %add3A_109 = arith.addi %add3A_56, %add3A_108 : i32
        %mul3A_110 = arith.constant 128 : i32
        %mul3A_111 = arith.muli %add3A_109, %mul3A_110 : i32
        %add3A_112 = arith.addi %mul3A_2, %mul3A_111 : i32
        %dma_start3A_113 = arith.constant 0 : i32
        %dma_start3A_114 = tpu.memref_slice %arg2[%add3A_112, %dma_start3A_113] : memref<327680x16xf32, #tpu.memory_space<hbm>> -> memref<128x16xf32, #tpu.memory_space<hbm>>
        %dma_start3A_115 = arith.constant 0 : i32
        %dma_start3A_116 = tpu.memref_slice %arg2[%add3A_112, %dma_start3A_115] : memref<327680x16xf32, #tpu.memory_space<hbm>> -> memref<128x16xf32, #tpu.memory_space<hbm>>
        tpu.enqueue_dma source(%dma_start3A_116 : memref<128x16xf32, #tpu.memory_space<hbm>>) target(%arg5 : memref<128x16xf32, #tpu.memory_space<vmem>>) target_semaphore(%arg9 : memref<!tpu.dma_semaphore, #tpu.memory_space<semaphore_mem>>)
      } else {
      }
      %add3A_80 = arith.constant 1 : i32
      %add3A_81 = arith.addi %mul3A_54, %add3A_80 : i32
      %mul3A_82 = arith.constant 128 : i32
      %mul3A_83 = arith.muli %add3A_81, %mul3A_82 : i32
      %add3A_84 = arith.addi %mul3A_2, %mul3A_83 : i32
      %dma_wait3A_85 = arith.constant 0 : i32
      %dma_wait3A_86 = tpu.memref_slice %arg2[%add3A_84, %dma_wait3A_85] : memref<327680x16xf32, #tpu.memory_space<hbm>> -> memref<128x16xf32, #tpu.memory_space<hbm>>
      %dma_wait3A_87 = arith.constant 0 : i32
      %dma_wait3A_88 = tpu.memref_slice %arg2[%add3A_84, %dma_wait3A_87] : memref<327680x16xf32, #tpu.memory_space<hbm>> -> memref<128x16xf32, #tpu.memory_space<hbm>>
      tpu.wait_dma2 semaphore(%arg10 : memref<!tpu.dma_semaphore, #tpu.memory_space<semaphore_mem>>) src(%dma_wait3A_88 : memref<128x16xf32, #tpu.memory_space<hbm>>) dst(%arg6 : memref<128x16xf32, #tpu.memory_space<vmem>>)
      %dma_start3A_89 = arith.constant 0 : i32
      %dma_start3A_90 = tpu.memref_slice %arg7[%add3A_81, %dma_start3A_89] : memref<80x128xi32, #tpu.memory_space<vmem>> -> memref<1x128xi32, #tpu.memory_space<vmem>>
      %dma_start3A_91 = tpu.memref_squeeze %dma_start3A_90 : memref<1x128xi32, #tpu.memory_space<vmem>> -> memref<128xi32, #tpu.memory_space<vmem>>
      %dma_start3A_92 = arith.constant 0 : i32
      %dma_start3A_93 = arith.constant 0 : i32
      %dma_start3A_94 = tpu.memref_slice %arg8[%dma_start3A_92, %dma_start3A_93] : memref<10240x16xf32, #tpu.memory_space<vmem_shared>> -> memref<10240x16xf32, #tpu.memory_space<vmem_shared>>
      tpu.enqueue_indirect_dma source(%arg6 : memref<128x16xf32, #tpu.memory_space<vmem>>) target(%dma_start3A_94 : memref<10240x16xf32, #tpu.memory_space<vmem_shared>>) offsets(%dma_start3A_91 : memref<128xi32, #tpu.memory_space<vmem>>) semaphore(%arg12 : memref<!tpu.dma_semaphore, #tpu.memory_space<semaphore_mem>>) {add = true}
      %dma_wait3A_95 = arith.constant 0 : i32
      %dma_wait3A_96 = tpu.memref_slice %arg7[%add3A_81, %dma_wait3A_95] : memref<80x128xi32, #tpu.memory_space<vmem>> -> memref<1x128xi32, #tpu.memory_space<vmem>>
      %dma_wait3A_97 = tpu.memref_squeeze %dma_wait3A_96 : memref<1x128xi32, #tpu.memory_space<vmem>> -> memref<128xi32, #tpu.memory_space<vmem>>
      %dma_wait3A_98 = arith.constant 0 : i32
      %dma_wait3A_99 = arith.constant 0 : i32
      %dma_wait3A_100 = tpu.memref_slice %arg8[%dma_wait3A_98, %dma_wait3A_99] : memref<10240x16xf32, #tpu.memory_space<vmem_shared>> -> memref<10240x16xf32, #tpu.memory_space<vmem_shared>>
      tpu.wait_indirect_dma semaphore(%arg12 : memref<!tpu.dma_semaphore, #tpu.memory_space<semaphore_mem>>) src(%arg6 : memref<128x16xf32, #tpu.memory_space<vmem>>) dst(%dma_wait3A_100 : memref<10240x16xf32, #tpu.memory_space<vmem_shared>>)
      %add3A_101 = arith.constant 2 : i32
      %add3A_102 = arith.addi %add3A_81, %add3A_101 : i32
      %lt3A_103 = arith.constant 80 : i32
      %lt3A_104 = arith.cmpi slt, %add3A_102, %lt3A_103 : i32
      %convert_element_type3A_105 = arith.extui %lt3A_104 : i1 to i32
      %cond3A_106 = arith.constant 0 : i32
      %cond3A_107 = arith.cmpi ne, %convert_element_type3A_105, %cond3A_106 : i32
      scf.if %cond3A_107 {
        %add3A_108 = arith.constant 2 : i32
        %add3A_109 = arith.addi %add3A_81, %add3A_108 : i32
        %mul3A_110 = arith.constant 128 : i32
        %mul3A_111 = arith.muli %add3A_109, %mul3A_110 : i32
        %add3A_112 = arith.addi %mul3A_2, %mul3A_111 : i32
        %dma_start3A_113 = arith.constant 0 : i32
        %dma_start3A_114 = tpu.memref_slice %arg2[%add3A_112, %dma_start3A_113] : memref<327680x16xf32, #tpu.memory_space<hbm>> -> memref<128x16xf32, #tpu.memory_space<hbm>>
        %dma_start3A_115 = arith.constant 0 : i32
        %dma_start3A_116 = tpu.memref_slice %arg2[%add3A_112, %dma_start3A_115] : memref<327680x16xf32, #tpu.memory_space<hbm>> -> memref<128x16xf32, #tpu.memory_space<hbm>>
        tpu.enqueue_dma source(%dma_start3A_116 : memref<128x16xf32, #tpu.memory_space<hbm>>) target(%arg6 : memref<128x16xf32, #tpu.memory_space<vmem>>) target_semaphore(%arg10 : memref<!tpu.dma_semaphore, #tpu.memory_space<semaphore_mem>>)
      } else {
      }
    }
    %scan3A_42 = arith.constant 40 : i32
    %barrier3A_43 = arith.constant 0 : index
    tpu.barrier barrier_id(%barrier3A_43)
    %mul3A_44 = arith.constant 640 : i32
    %mul3A_45 = arith.muli %arg1, %mul3A_44 : i32
    %mul3A_46 = arith.constant 640 : i32
    %mul3A_47 = arith.muli %arg1, %mul3A_46 : i32
    "tpu.region"() ({
      %run_scoped3A = tpu.sem_alloc : memref<!tpu.dma_semaphore, #tpu.memory_space<semaphore_mem>>
      %dma_start3A_48 = arith.constant 0 : i32
      %dma_start3A_49 = tpu.memref_slice %arg4[%arg0, %mul3A_47, %dma_start3A_48] : memref<2x10240x16xf32, #tpu.memory_space<hbm>> -> memref<1x640x16xf32, #tpu.memory_space<hbm>>
      %dma_start3A_50 = tpu.memref_squeeze %dma_start3A_49 : memref<1x640x16xf32, #tpu.memory_space<hbm>> -> memref<640x16xf32, #tpu.memory_space<hbm>>
      %dma_start3A_51 = arith.constant 0 : i32
      %dma_start3A_52 = tpu.memref_slice %arg8[%mul3A_45, %dma_start3A_51] : memref<10240x16xf32, #tpu.memory_space<vmem_shared>> -> memref<640x16xf32, #tpu.memory_space<vmem_shared>>
      tpu.enqueue_dma source(%dma_start3A_52 : memref<640x16xf32, #tpu.memory_space<vmem_shared>>) target(%dma_start3A_50 : memref<640x16xf32, #tpu.memory_space<hbm>>) target_semaphore(%run_scoped3A : memref<!tpu.dma_semaphore, #tpu.memory_space<semaphore_mem>>)
      %dma_wait3A_53 = arith.constant 0 : i32
      %dma_wait3A_54 = tpu.memref_slice %arg4[%arg0, %mul3A_47, %dma_wait3A_53] : memref<2x10240x16xf32, #tpu.memory_space<hbm>> -> memref<1x640x16xf32, #tpu.memory_space<hbm>>
      %dma_wait3A_55 = tpu.memref_squeeze %dma_wait3A_54 : memref<1x640x16xf32, #tpu.memory_space<hbm>> -> memref<640x16xf32, #tpu.memory_space<hbm>>
      %dma_wait3A_56 = arith.constant 0 : i32
      %dma_wait3A_57 = tpu.memref_slice %arg8[%mul3A_45, %dma_wait3A_56] : memref<10240x16xf32, #tpu.memory_space<vmem_shared>> -> memref<640x16xf32, #tpu.memory_space<vmem_shared>>
      tpu.wait_dma2 semaphore(%run_scoped3A : memref<!tpu.dma_semaphore, #tpu.memory_space<semaphore_mem>>) src(%dma_wait3A_57 : memref<640x16xf32, #tpu.memory_space<vmem_shared>>) dst(%dma_wait3A_55 : memref<640x16xf32, #tpu.memory_space<hbm>>)
      tpu.yield
    }) : () -> ()
    return
  }
}

#map = affine_map<(d0, d1) -> (0, 0)>
#map1 = affine_map<(d0, d1) -> (0, 0, 0)>
module attributes {stable_mosaic.version = 14 : i64} {
  func.func @k(%arg0: i32, %arg1: i32, %arg2: memref<10000x128xf32, #tpu.memory_space<hbm>>, %arg3: memref<10000x128xf32, #tpu.memory_space<hbm>>, %arg4: memref<10000x16xf32, #tpu.memory_space<hbm>>, %arg5: memref<16x160x128xi32, #tpu.memory_space<hbm>>, %arg6: memref<16x160x128xi32, #tpu.memory_space<hbm>>, %arg7: memref<327680x128xf32, #tpu.memory_space<hbm>>, %arg8: memref<327680x128xf32, #tpu.memory_space<hbm>>, %arg9: memref<327680x128xf32, #tpu.memory_space<hbm>>, %arg10: memref<120x128xi32, #tpu.memory_space<vmem>>, %arg11: memref<120x128xi32, #tpu.memory_space<vmem>>, %arg12: memref<128x128xf32, #tpu.memory_space<vmem>>, %arg13: memref<128x128xf32, #tpu.memory_space<vmem>>, %arg14: memref<128x16xf32, #tpu.memory_space<vmem>>, %arg15: memref<128x16xf32, #tpu.memory_space<vmem>>, %arg16: memref<128x128xf32, #tpu.memory_space<vmem>>, %arg17: memref<128x128xf32, #tpu.memory_space<vmem>>, %arg18: memref<128x16xf32, #tpu.memory_space<vmem>>, %arg19: memref<128x16xf32, #tpu.memory_space<vmem>>, %arg20: memref<!tpu.dma_semaphore, #tpu.memory_space<semaphore_mem>>, %arg21: memref<!tpu.dma_semaphore, #tpu.memory_space<semaphore_mem>>, %arg22: memref<!tpu.dma_semaphore, #tpu.memory_space<semaphore_mem>>, %arg23: memref<!tpu.dma_semaphore, #tpu.memory_space<semaphore_mem>>, %arg24: memref<!tpu.dma_semaphore, #tpu.memory_space<semaphore_mem>>, %arg25: memref<!tpu.dma_semaphore, #tpu.memory_space<semaphore_mem>>, %arg26: memref<!tpu.dma_semaphore, #tpu.memory_space<semaphore_mem>>, %arg27: memref<!tpu.dma_semaphore, #tpu.memory_space<semaphore_mem>>, %arg28: memref<!tpu.dma_semaphore, #tpu.memory_space<semaphore_mem>>, %arg29: memref<!tpu.dma_semaphore, #tpu.memory_space<semaphore_mem>>, %arg30: memref<!tpu.dma_semaphore, #tpu.memory_space<semaphore_mem>>, %arg31: memref<!tpu.dma_semaphore, #tpu.memory_space<semaphore_mem>>, %arg32: memref<!tpu.dma_semaphore, #tpu.memory_space<semaphore_mem>>) attributes {dimension_semantics = [#tpu.dimension_semantics<core_parallel>, #tpu.dimension_semantics<subcore_parallel>], iteration_bounds = array<i64: 2, 16>, scalar_prefetch = 0 : i64, scratch_operands = 23 : i64, tpu.core_type = #tpu.core_type<sc_vector_subcore>, window_params = [{transform_indices = #map}, {transform_indices = #map}, {transform_indices = #map}, {transform_indices = #map1}, {transform_indices = #map1}, {transform_indices = #map}, {transform_indices = #map}, {transform_indices = #map}]} {
    %mul3A = arith.constant 20480 : i32
    %mul3A_0 = arith.muli %arg1, %mul3A : i32
    %eq3A = arith.constant 0 : i32
    %eq3A_1 = arith.cmpi eq, %arg0, %eq3A : i32
    %convert_element_type3A = arith.extui %eq3A_1 : i1 to i32
    %cond3A = arith.constant 0 : i32
    %cond3A_2 = arith.cmpi ne, %convert_element_type3A, %cond3A : i32
    scf.if %cond3A_2 {
      %dma_start3A = arith.constant 0 : i32
      %dma_start3A_8 = arith.constant 0 : i32
      %dma_start3A_9 = tpu.memref_slice %arg10[%dma_start3A, %dma_start3A_8] : memref<120x128xi32, #tpu.memory_space<vmem>> -> memref<120x128xi32, #tpu.memory_space<vmem>>
      %dma_start3A_10 = arith.constant 0 : i32
      %dma_start3A_11 = arith.constant 0 : i32
      %dma_start3A_12 = tpu.memref_slice %arg5[%arg1, %dma_start3A_10, %dma_start3A_11] : memref<16x160x128xi32, #tpu.memory_space<hbm>> -> memref<1x120x128xi32, #tpu.memory_space<hbm>>
      %dma_start3A_13 = tpu.memref_squeeze %dma_start3A_12 : memref<1x120x128xi32, #tpu.memory_space<hbm>> -> memref<120x128xi32, #tpu.memory_space<hbm>>
      %dma_start3A_14 = arith.constant 0 : i32
      %dma_start3A_15 = arith.constant 0 : i32
      %dma_start3A_16 = tpu.memref_slice %arg10[%dma_start3A_14, %dma_start3A_15] : memref<120x128xi32, #tpu.memory_space<vmem>> -> memref<120x128xi32, #tpu.memory_space<vmem>>
      %dma_start3A_17 = arith.constant 0 : i32
      %dma_start3A_18 = arith.constant 0 : i32
      %dma_start3A_19 = tpu.memref_slice %arg5[%arg1, %dma_start3A_17, %dma_start3A_18] : memref<16x160x128xi32, #tpu.memory_space<hbm>> -> memref<1x120x128xi32, #tpu.memory_space<hbm>>
      %dma_start3A_20 = tpu.memref_squeeze %dma_start3A_19 : memref<1x120x128xi32, #tpu.memory_space<hbm>> -> memref<120x128xi32, #tpu.memory_space<hbm>>
      tpu.enqueue_dma source(%dma_start3A_20 : memref<120x128xi32, #tpu.memory_space<hbm>>) target(%dma_start3A_16 : memref<120x128xi32, #tpu.memory_space<vmem>>) target_semaphore(%arg32 : memref<!tpu.dma_semaphore, #tpu.memory_space<semaphore_mem>>)
      %dma_wait3A = arith.constant 0 : i32
      %dma_wait3A_21 = arith.constant 0 : i32
      %dma_wait3A_22 = tpu.memref_slice %arg10[%dma_wait3A, %dma_wait3A_21] : memref<120x128xi32, #tpu.memory_space<vmem>> -> memref<120x128xi32, #tpu.memory_space<vmem>>
      %dma_wait3A_23 = arith.constant 0 : i32
      %dma_wait3A_24 = arith.constant 0 : i32
      %dma_wait3A_25 = tpu.memref_slice %arg5[%arg1, %dma_wait3A_23, %dma_wait3A_24] : memref<16x160x128xi32, #tpu.memory_space<hbm>> -> memref<1x120x128xi32, #tpu.memory_space<hbm>>
      %dma_wait3A_26 = tpu.memref_squeeze %dma_wait3A_25 : memref<1x120x128xi32, #tpu.memory_space<hbm>> -> memref<120x128xi32, #tpu.memory_space<hbm>>
      %dma_wait3A_27 = arith.constant 0 : i32
      %dma_wait3A_28 = arith.constant 0 : i32
      %dma_wait3A_29 = tpu.memref_slice %arg10[%dma_wait3A_27, %dma_wait3A_28] : memref<120x128xi32, #tpu.memory_space<vmem>> -> memref<120x128xi32, #tpu.memory_space<vmem>>
      %dma_wait3A_30 = arith.constant 0 : i32
      %dma_wait3A_31 = arith.constant 0 : i32
      %dma_wait3A_32 = tpu.memref_slice %arg5[%arg1, %dma_wait3A_30, %dma_wait3A_31] : memref<16x160x128xi32, #tpu.memory_space<hbm>> -> memref<1x120x128xi32, #tpu.memory_space<hbm>>
      %dma_wait3A_33 = tpu.memref_squeeze %dma_wait3A_32 : memref<1x120x128xi32, #tpu.memory_space<hbm>> -> memref<120x128xi32, #tpu.memory_space<hbm>>
      tpu.wait_dma2 semaphore(%arg32 : memref<!tpu.dma_semaphore, #tpu.memory_space<semaphore_mem>>) src(%dma_wait3A_33 : memref<120x128xi32, #tpu.memory_space<hbm>>) dst(%dma_wait3A_29 : memref<120x128xi32, #tpu.memory_space<vmem>>)
      %dma_start3A_34 = arith.constant 0 : i32
      %dma_start3A_35 = arith.constant 0 : i32
      %dma_start3A_36 = tpu.memref_slice %arg11[%dma_start3A_34, %dma_start3A_35] : memref<120x128xi32, #tpu.memory_space<vmem>> -> memref<120x128xi32, #tpu.memory_space<vmem>>
      %dma_start3A_37 = arith.constant 0 : i32
      %dma_start3A_38 = arith.constant 0 : i32
      %dma_start3A_39 = tpu.memref_slice %arg6[%arg1, %dma_start3A_37, %dma_start3A_38] : memref<16x160x128xi32, #tpu.memory_space<hbm>> -> memref<1x120x128xi32, #tpu.memory_space<hbm>>
      %dma_start3A_40 = tpu.memref_squeeze %dma_start3A_39 : memref<1x120x128xi32, #tpu.memory_space<hbm>> -> memref<120x128xi32, #tpu.memory_space<hbm>>
      %dma_start3A_41 = arith.constant 0 : i32
      %dma_start3A_42 = arith.constant 0 : i32
      %dma_start3A_43 = tpu.memref_slice %arg11[%dma_start3A_41, %dma_start3A_42] : memref<120x128xi32, #tpu.memory_space<vmem>> -> memref<120x128xi32, #tpu.memory_space<vmem>>
      %dma_start3A_44 = arith.constant 0 : i32
      %dma_start3A_45 = arith.constant 0 : i32
      %dma_start3A_46 = tpu.memref_slice %arg6[%arg1, %dma_start3A_44, %dma_start3A_45] : memref<16x160x128xi32, #tpu.memory_space<hbm>> -> memref<1x120x128xi32, #tpu.memory_space<hbm>>
      %dma_start3A_47 = tpu.memref_squeeze %dma_start3A_46 : memref<1x120x128xi32, #tpu.memory_space<hbm>> -> memref<120x128xi32, #tpu.memory_space<hbm>>
      tpu.enqueue_dma source(%dma_start3A_47 : memref<120x128xi32, #tpu.memory_space<hbm>>) target(%dma_start3A_43 : memref<120x128xi32, #tpu.memory_space<vmem>>) target_semaphore(%arg32 : memref<!tpu.dma_semaphore, #tpu.memory_space<semaphore_mem>>)
      %dma_wait3A_48 = arith.constant 0 : i32
      %dma_wait3A_49 = arith.constant 0 : i32
      %dma_wait3A_50 = tpu.memref_slice %arg11[%dma_wait3A_48, %dma_wait3A_49] : memref<120x128xi32, #tpu.memory_space<vmem>> -> memref<120x128xi32, #tpu.memory_space<vmem>>
      %dma_wait3A_51 = arith.constant 0 : i32
      %dma_wait3A_52 = arith.constant 0 : i32
      %dma_wait3A_53 = tpu.memref_slice %arg6[%arg1, %dma_wait3A_51, %dma_wait3A_52] : memref<16x160x128xi32, #tpu.memory_space<hbm>> -> memref<1x120x128xi32, #tpu.memory_space<hbm>>
      %dma_wait3A_54 = tpu.memref_squeeze %dma_wait3A_53 : memref<1x120x128xi32, #tpu.memory_space<hbm>> -> memref<120x128xi32, #tpu.memory_space<hbm>>
      %dma_wait3A_55 = arith.constant 0 : i32
      %dma_wait3A_56 = arith.constant 0 : i32
      %dma_wait3A_57 = tpu.memref_slice %arg11[%dma_wait3A_55, %dma_wait3A_56] : memref<120x128xi32, #tpu.memory_space<vmem>> -> memref<120x128xi32, #tpu.memory_space<vmem>>
      %dma_wait3A_58 = arith.constant 0 : i32
      %dma_wait3A_59 = arith.constant 0 : i32
      %dma_wait3A_60 = tpu.memref_slice %arg6[%arg1, %dma_wait3A_58, %dma_wait3A_59] : memref<16x160x128xi32, #tpu.memory_space<hbm>> -> memref<1x120x128xi32, #tpu.memory_space<hbm>>
      %dma_wait3A_61 = tpu.memref_squeeze %dma_wait3A_60 : memref<1x120x128xi32, #tpu.memory_space<hbm>> -> memref<120x128xi32, #tpu.memory_space<hbm>>
      tpu.wait_dma2 semaphore(%arg32 : memref<!tpu.dma_semaphore, #tpu.memory_space<semaphore_mem>>) src(%dma_wait3A_61 : memref<120x128xi32, #tpu.memory_space<hbm>>) dst(%dma_wait3A_57 : memref<120x128xi32, #tpu.memory_space<vmem>>)
      %dma_start3A_62 = arith.constant 0 : i32
      %dma_start3A_63 = arith.constant 0 : i32
      %dma_start3A_64 = tpu.memref_slice %arg10[%dma_start3A_62, %dma_start3A_63] : memref<120x128xi32, #tpu.memory_space<vmem>> -> memref<1x128xi32, #tpu.memory_space<vmem>>
      %dma_start3A_65 = tpu.memref_squeeze %dma_start3A_64 : memref<1x128xi32, #tpu.memory_space<vmem>> -> memref<128xi32, #tpu.memory_space<vmem>>
      %dma_start3A_66 = arith.constant 0 : i32
      %dma_start3A_67 = arith.constant 0 : i32
      %dma_start3A_68 = tpu.memref_slice %arg2[%dma_start3A_66, %dma_start3A_67] : memref<10000x128xf32, #tpu.memory_space<hbm>> -> memref<10000x128xf32, #tpu.memory_space<hbm>>
      tpu.enqueue_indirect_dma source(%dma_start3A_68 : memref<10000x128xf32, #tpu.memory_space<hbm>>) target(%arg12 : memref<128x128xf32, #tpu.memory_space<vmem>>) offsets(%dma_start3A_65 : memref<128xi32, #tpu.memory_space<vmem>>) semaphore(%arg20 : memref<!tpu.dma_semaphore, #tpu.memory_space<semaphore_mem>>)
      %dma_start3A_69 = arith.constant 0 : i32
      %dma_start3A_70 = arith.constant 0 : i32
      %dma_start3A_71 = tpu.memref_slice %arg11[%dma_start3A_69, %dma_start3A_70] : memref<120x128xi32, #tpu.memory_space<vmem>> -> memref<1x128xi32, #tpu.memory_space<vmem>>
      %dma_start3A_72 = tpu.memref_squeeze %dma_start3A_71 : memref<1x128xi32, #tpu.memory_space<vmem>> -> memref<128xi32, #tpu.memory_space<vmem>>
      %dma_start3A_73 = arith.constant 0 : i32
      %dma_start3A_74 = arith.constant 0 : i32
      %dma_start3A_75 = tpu.memref_slice %arg3[%dma_start3A_73, %dma_start3A_74] : memref<10000x128xf32, #tpu.memory_space<hbm>> -> memref<10000x128xf32, #tpu.memory_space<hbm>>
      tpu.enqueue_indirect_dma source(%dma_start3A_75 : memref<10000x128xf32, #tpu.memory_space<hbm>>) target(%arg13 : memref<128x128xf32, #tpu.memory_space<vmem>>) offsets(%dma_start3A_72 : memref<128xi32, #tpu.memory_space<vmem>>) semaphore(%arg21 : memref<!tpu.dma_semaphore, #tpu.memory_space<semaphore_mem>>)
      %dma_start3A_76 = arith.constant 0 : i32
      %dma_start3A_77 = arith.constant 0 : i32
      %dma_start3A_78 = tpu.memref_slice %arg10[%dma_start3A_76, %dma_start3A_77] : memref<120x128xi32, #tpu.memory_space<vmem>> -> memref<1x128xi32, #tpu.memory_space<vmem>>
      %dma_start3A_79 = tpu.memref_squeeze %dma_start3A_78 : memref<1x128xi32, #tpu.memory_space<vmem>> -> memref<128xi32, #tpu.memory_space<vmem>>
      %dma_start3A_80 = arith.constant 0 : i32
      %dma_start3A_81 = arith.constant 0 : i32
      %dma_start3A_82 = tpu.memref_slice %arg4[%dma_start3A_80, %dma_start3A_81] : memref<10000x16xf32, #tpu.memory_space<hbm>> -> memref<10000x16xf32, #tpu.memory_space<hbm>>
      tpu.enqueue_indirect_dma source(%dma_start3A_82 : memref<10000x16xf32, #tpu.memory_space<hbm>>) target(%arg14 : memref<128x16xf32, #tpu.memory_space<vmem>>) offsets(%dma_start3A_79 : memref<128xi32, #tpu.memory_space<vmem>>) semaphore(%arg22 : memref<!tpu.dma_semaphore, #tpu.memory_space<semaphore_mem>>)
      %dma_start3A_83 = arith.constant 0 : i32
      %dma_start3A_84 = arith.constant 0 : i32
      %dma_start3A_85 = tpu.memref_slice %arg11[%dma_start3A_83, %dma_start3A_84] : memref<120x128xi32, #tpu.memory_space<vmem>> -> memref<1x128xi32, #tpu.memory_space<vmem>>
      %dma_start3A_86 = tpu.memref_squeeze %dma_start3A_85 : memref<1x128xi32, #tpu.memory_space<vmem>> -> memref<128xi32, #tpu.memory_space<vmem>>
      %dma_start3A_87 = arith.constant 0 : i32
      %dma_start3A_88 = arith.constant 0 : i32
      %dma_start3A_89 = tpu.memref_slice %arg4[%dma_start3A_87, %dma_start3A_88] : memref<10000x16xf32, #tpu.memory_space<hbm>> -> memref<10000x16xf32, #tpu.memory_space<hbm>>
      tpu.enqueue_indirect_dma source(%dma_start3A_89 : memref<10000x16xf32, #tpu.memory_space<hbm>>) target(%arg15 : memref<128x16xf32, #tpu.memory_space<vmem>>) offsets(%dma_start3A_86 : memref<128xi32, #tpu.memory_space<vmem>>) semaphore(%arg23 : memref<!tpu.dma_semaphore, #tpu.memory_space<semaphore_mem>>)
      %dma_start3A_90 = arith.constant 1 : i32
      %dma_start3A_91 = arith.constant 0 : i32
      %dma_start3A_92 = tpu.memref_slice %arg10[%dma_start3A_90, %dma_start3A_91] : memref<120x128xi32, #tpu.memory_space<vmem>> -> memref<1x128xi32, #tpu.memory_space<vmem>>
      %dma_start3A_93 = tpu.memref_squeeze %dma_start3A_92 : memref<1x128xi32, #tpu.memory_space<vmem>> -> memref<128xi32, #tpu.memory_space<vmem>>
      %dma_start3A_94 = arith.constant 0 : i32
      %dma_start3A_95 = arith.constant 0 : i32
      %dma_start3A_96 = tpu.memref_slice %arg2[%dma_start3A_94, %dma_start3A_95] : memref<10000x128xf32, #tpu.memory_space<hbm>> -> memref<10000x128xf32, #tpu.memory_space<hbm>>
      tpu.enqueue_indirect_dma source(%dma_start3A_96 : memref<10000x128xf32, #tpu.memory_space<hbm>>) target(%arg16 : memref<128x128xf32, #tpu.memory_space<vmem>>) offsets(%dma_start3A_93 : memref<128xi32, #tpu.memory_space<vmem>>) semaphore(%arg24 : memref<!tpu.dma_semaphore, #tpu.memory_space<semaphore_mem>>)
      %dma_start3A_97 = arith.constant 1 : i32
      %dma_start3A_98 = arith.constant 0 : i32
      %dma_start3A_99 = tpu.memref_slice %arg11[%dma_start3A_97, %dma_start3A_98] : memref<120x128xi32, #tpu.memory_space<vmem>> -> memref<1x128xi32, #tpu.memory_space<vmem>>
      %dma_start3A_100 = tpu.memref_squeeze %dma_start3A_99 : memref<1x128xi32, #tpu.memory_space<vmem>> -> memref<128xi32, #tpu.memory_space<vmem>>
      %dma_start3A_101 = arith.constant 0 : i32
      %dma_start3A_102 = arith.constant 0 : i32
      %dma_start3A_103 = tpu.memref_slice %arg3[%dma_start3A_101, %dma_start3A_102] : memref<10000x128xf32, #tpu.memory_space<hbm>> -> memref<10000x128xf32, #tpu.memory_space<hbm>>
      tpu.enqueue_indirect_dma source(%dma_start3A_103 : memref<10000x128xf32, #tpu.memory_space<hbm>>) target(%arg17 : memref<128x128xf32, #tpu.memory_space<vmem>>) offsets(%dma_start3A_100 : memref<128xi32, #tpu.memory_space<vmem>>) semaphore(%arg25 : memref<!tpu.dma_semaphore, #tpu.memory_space<semaphore_mem>>)
      %dma_start3A_104 = arith.constant 1 : i32
      %dma_start3A_105 = arith.constant 0 : i32
      %dma_start3A_106 = tpu.memref_slice %arg10[%dma_start3A_104, %dma_start3A_105] : memref<120x128xi32, #tpu.memory_space<vmem>> -> memref<1x128xi32, #tpu.memory_space<vmem>>
      %dma_start3A_107 = tpu.memref_squeeze %dma_start3A_106 : memref<1x128xi32, #tpu.memory_space<vmem>> -> memref<128xi32, #tpu.memory_space<vmem>>
      %dma_start3A_108 = arith.constant 0 : i32
      %dma_start3A_109 = arith.constant 0 : i32
      %dma_start3A_110 = tpu.memref_slice %arg4[%dma_start3A_108, %dma_start3A_109] : memref<10000x16xf32, #tpu.memory_space<hbm>> -> memref<10000x16xf32, #tpu.memory_space<hbm>>
      tpu.enqueue_indirect_dma source(%dma_start3A_110 : memref<10000x16xf32, #tpu.memory_space<hbm>>) target(%arg18 : memref<128x16xf32, #tpu.memory_space<vmem>>) offsets(%dma_start3A_107 : memref<128xi32, #tpu.memory_space<vmem>>) semaphore(%arg26 : memref<!tpu.dma_semaphore, #tpu.memory_space<semaphore_mem>>)
      %dma_start3A_111 = arith.constant 1 : i32
      %dma_start3A_112 = arith.constant 0 : i32
      %dma_start3A_113 = tpu.memref_slice %arg11[%dma_start3A_111, %dma_start3A_112] : memref<120x128xi32, #tpu.memory_space<vmem>> -> memref<1x128xi32, #tpu.memory_space<vmem>>
      %dma_start3A_114 = tpu.memref_squeeze %dma_start3A_113 : memref<1x128xi32, #tpu.memory_space<vmem>> -> memref<128xi32, #tpu.memory_space<vmem>>
      %dma_start3A_115 = arith.constant 0 : i32
      %dma_start3A_116 = arith.constant 0 : i32
      %dma_start3A_117 = tpu.memref_slice %arg4[%dma_start3A_115, %dma_start3A_116] : memref<10000x16xf32, #tpu.memory_space<hbm>> -> memref<10000x16xf32, #tpu.memory_space<hbm>>
      tpu.enqueue_indirect_dma source(%dma_start3A_117 : memref<10000x16xf32, #tpu.memory_space<hbm>>) target(%arg19 : memref<128x16xf32, #tpu.memory_space<vmem>>) offsets(%dma_start3A_114 : memref<128xi32, #tpu.memory_space<vmem>>) semaphore(%arg27 : memref<!tpu.dma_semaphore, #tpu.memory_space<semaphore_mem>>)
      %dma_wait3A_118 = arith.constant 0 : i32
      %dma_wait3A_119 = arith.constant 0 : i32
      %dma_wait3A_120 = tpu.memref_slice %arg10[%dma_wait3A_118, %dma_wait3A_119] : memref<120x128xi32, #tpu.memory_space<vmem>> -> memref<1x128xi32, #tpu.memory_space<vmem>>
      %dma_wait3A_121 = tpu.memref_squeeze %dma_wait3A_120 : memref<1x128xi32, #tpu.memory_space<vmem>> -> memref<128xi32, #tpu.memory_space<vmem>>
      %dma_wait3A_122 = arith.constant 0 : i32
      %dma_wait3A_123 = arith.constant 0 : i32
      %dma_wait3A_124 = tpu.memref_slice %arg2[%dma_wait3A_122, %dma_wait3A_123] : memref<10000x128xf32, #tpu.memory_space<hbm>> -> memref<10000x128xf32, #tpu.memory_space<hbm>>
      tpu.wait_indirect_dma semaphore(%arg20 : memref<!tpu.dma_semaphore, #tpu.memory_space<semaphore_mem>>) src(%dma_wait3A_124 : memref<10000x128xf32, #tpu.memory_space<hbm>>) dst(%arg12 : memref<128x128xf32, #tpu.memory_space<vmem>>)
      %dma_wait3A_125 = arith.constant 0 : i32
      %dma_wait3A_126 = arith.constant 0 : i32
      %dma_wait3A_127 = tpu.memref_slice %arg11[%dma_wait3A_125, %dma_wait3A_126] : memref<120x128xi32, #tpu.memory_space<vmem>> -> memref<1x128xi32, #tpu.memory_space<vmem>>
      %dma_wait3A_128 = tpu.memref_squeeze %dma_wait3A_127 : memref<1x128xi32, #tpu.memory_space<vmem>> -> memref<128xi32, #tpu.memory_space<vmem>>
      %dma_wait3A_129 = arith.constant 0 : i32
      %dma_wait3A_130 = arith.constant 0 : i32
      %dma_wait3A_131 = tpu.memref_slice %arg3[%dma_wait3A_129, %dma_wait3A_130] : memref<10000x128xf32, #tpu.memory_space<hbm>> -> memref<10000x128xf32, #tpu.memory_space<hbm>>
      tpu.wait_indirect_dma semaphore(%arg21 : memref<!tpu.dma_semaphore, #tpu.memory_space<semaphore_mem>>) src(%dma_wait3A_131 : memref<10000x128xf32, #tpu.memory_space<hbm>>) dst(%arg13 : memref<128x128xf32, #tpu.memory_space<vmem>>)
      %dma_wait3A_132 = arith.constant 0 : i32
      %dma_wait3A_133 = arith.constant 0 : i32
      %dma_wait3A_134 = tpu.memref_slice %arg10[%dma_wait3A_132, %dma_wait3A_133] : memref<120x128xi32, #tpu.memory_space<vmem>> -> memref<1x128xi32, #tpu.memory_space<vmem>>
      %dma_wait3A_135 = tpu.memref_squeeze %dma_wait3A_134 : memref<1x128xi32, #tpu.memory_space<vmem>> -> memref<128xi32, #tpu.memory_space<vmem>>
      %dma_wait3A_136 = arith.constant 0 : i32
      %dma_wait3A_137 = arith.constant 0 : i32
      %dma_wait3A_138 = tpu.memref_slice %arg4[%dma_wait3A_136, %dma_wait3A_137] : memref<10000x16xf32, #tpu.memory_space<hbm>> -> memref<10000x16xf32, #tpu.memory_space<hbm>>
      tpu.wait_indirect_dma semaphore(%arg22 : memref<!tpu.dma_semaphore, #tpu.memory_space<semaphore_mem>>) src(%dma_wait3A_138 : memref<10000x16xf32, #tpu.memory_space<hbm>>) dst(%arg14 : memref<128x16xf32, #tpu.memory_space<vmem>>)
      %dma_wait3A_139 = arith.constant 0 : i32
      %dma_wait3A_140 = arith.constant 0 : i32
      %dma_wait3A_141 = tpu.memref_slice %arg11[%dma_wait3A_139, %dma_wait3A_140] : memref<120x128xi32, #tpu.memory_space<vmem>> -> memref<1x128xi32, #tpu.memory_space<vmem>>
      %dma_wait3A_142 = tpu.memref_squeeze %dma_wait3A_141 : memref<1x128xi32, #tpu.memory_space<vmem>> -> memref<128xi32, #tpu.memory_space<vmem>>
      %dma_wait3A_143 = arith.constant 0 : i32
      %dma_wait3A_144 = arith.constant 0 : i32
      %dma_wait3A_145 = tpu.memref_slice %arg4[%dma_wait3A_143, %dma_wait3A_144] : memref<10000x16xf32, #tpu.memory_space<hbm>> -> memref<10000x16xf32, #tpu.memory_space<hbm>>
      tpu.wait_indirect_dma semaphore(%arg23 : memref<!tpu.dma_semaphore, #tpu.memory_space<semaphore_mem>>) src(%dma_wait3A_145 : memref<10000x16xf32, #tpu.memory_space<hbm>>) dst(%arg15 : memref<128x16xf32, #tpu.memory_space<vmem>>)
      %add3A = arith.constant 0 : i32
      %add3A_146 = arith.addi %mul3A_0, %add3A : i32
      %dma_start3A_147 = arith.constant 0 : i32
      %dma_start3A_148 = tpu.memref_slice %arg7[%add3A_146, %dma_start3A_147] : memref<327680x128xf32, #tpu.memory_space<hbm>> -> memref<128x128xf32, #tpu.memory_space<hbm>>
      %dma_start3A_149 = arith.constant 0 : i32
      %dma_start3A_150 = tpu.memref_slice %arg7[%add3A_146, %dma_start3A_149] : memref<327680x128xf32, #tpu.memory_space<hbm>> -> memref<128x128xf32, #tpu.memory_space<hbm>>
      tpu.enqueue_dma source(%arg12 : memref<128x128xf32, #tpu.memory_space<vmem>>) target(%dma_start3A_150 : memref<128x128xf32, #tpu.memory_space<hbm>>) target_semaphore(%arg28 : memref<!tpu.dma_semaphore, #tpu.memory_space<semaphore_mem>>)
      %dma_start3A_151 = arith.constant 0 : i32
      %dma_start3A_152 = tpu.memref_slice %arg8[%add3A_146, %dma_start3A_151] : memref<327680x128xf32, #tpu.memory_space<hbm>> -> memref<128x128xf32, #tpu.memory_space<hbm>>
      %dma_start3A_153 = arith.constant 0 : i32
      %dma_start3A_154 = tpu.memref_slice %arg8[%add3A_146, %dma_start3A_153] : memref<327680x128xf32, #tpu.memory_space<hbm>> -> memref<128x128xf32, #tpu.memory_space<hbm>>
      tpu.enqueue_dma source(%arg13 : memref<128x128xf32, #tpu.memory_space<vmem>>) target(%dma_start3A_154 : memref<128x128xf32, #tpu.memory_space<hbm>>) target_semaphore(%arg28 : memref<!tpu.dma_semaphore, #tpu.memory_space<semaphore_mem>>)
      %dma_start3A_155 = arith.constant 0 : i32
      %dma_start3A_156 = tpu.memref_slice %arg9[%add3A_146, %dma_start3A_155] : memref<327680x128xf32, #tpu.memory_space<hbm>> -> memref<128x16xf32, #tpu.memory_space<hbm>>
      %dma_start3A_157 = arith.constant 0 : i32
      %dma_start3A_158 = tpu.memref_slice %arg9[%add3A_146, %dma_start3A_157] : memref<327680x128xf32, #tpu.memory_space<hbm>> -> memref<128x16xf32, #tpu.memory_space<hbm>>
      tpu.enqueue_dma source(%arg14 : memref<128x16xf32, #tpu.memory_space<vmem>>) target(%dma_start3A_158 : memref<128x16xf32, #tpu.memory_space<hbm>>) target_semaphore(%arg29 : memref<!tpu.dma_semaphore, #tpu.memory_space<semaphore_mem>>)
      %dma_start3A_159 = arith.constant 16 : i32
      %dma_start3A_160 = tpu.memref_slice %arg9[%add3A_146, %dma_start3A_159] : memref<327680x128xf32, #tpu.memory_space<hbm>> -> memref<128x16xf32, #tpu.memory_space<hbm>>
      %dma_start3A_161 = arith.constant 16 : i32
      %dma_start3A_162 = tpu.memref_slice %arg9[%add3A_146, %dma_start3A_161] : memref<327680x128xf32, #tpu.memory_space<hbm>> -> memref<128x16xf32, #tpu.memory_space<hbm>>
      tpu.enqueue_dma source(%arg15 : memref<128x16xf32, #tpu.memory_space<vmem>>) target(%dma_start3A_162 : memref<128x16xf32, #tpu.memory_space<hbm>>) target_semaphore(%arg29 : memref<!tpu.dma_semaphore, #tpu.memory_space<semaphore_mem>>)
      %dma_wait3A_163 = arith.constant 1 : i32
      %dma_wait3A_164 = arith.constant 0 : i32
      %dma_wait3A_165 = tpu.memref_slice %arg10[%dma_wait3A_163, %dma_wait3A_164] : memref<120x128xi32, #tpu.memory_space<vmem>> -> memref<1x128xi32, #tpu.memory_space<vmem>>
      %dma_wait3A_166 = tpu.memref_squeeze %dma_wait3A_165 : memref<1x128xi32, #tpu.memory_space<vmem>> -> memref<128xi32, #tpu.memory_space<vmem>>
      %dma_wait3A_167 = arith.constant 0 : i32
      %dma_wait3A_168 = arith.constant 0 : i32
      %dma_wait3A_169 = tpu.memref_slice %arg2[%dma_wait3A_167, %dma_wait3A_168] : memref<10000x128xf32, #tpu.memory_space<hbm>> -> memref<10000x128xf32, #tpu.memory_space<hbm>>
      tpu.wait_indirect_dma semaphore(%arg24 : memref<!tpu.dma_semaphore, #tpu.memory_space<semaphore_mem>>) src(%dma_wait3A_169 : memref<10000x128xf32, #tpu.memory_space<hbm>>) dst(%arg16 : memref<128x128xf32, #tpu.memory_space<vmem>>)
      %dma_wait3A_170 = arith.constant 1 : i32
      %dma_wait3A_171 = arith.constant 0 : i32
      %dma_wait3A_172 = tpu.memref_slice %arg11[%dma_wait3A_170, %dma_wait3A_171] : memref<120x128xi32, #tpu.memory_space<vmem>> -> memref<1x128xi32, #tpu.memory_space<vmem>>
      %dma_wait3A_173 = tpu.memref_squeeze %dma_wait3A_172 : memref<1x128xi32, #tpu.memory_space<vmem>> -> memref<128xi32, #tpu.memory_space<vmem>>
      %dma_wait3A_174 = arith.constant 0 : i32
      %dma_wait3A_175 = arith.constant 0 : i32
      %dma_wait3A_176 = tpu.memref_slice %arg3[%dma_wait3A_174, %dma_wait3A_175] : memref<10000x128xf32, #tpu.memory_space<hbm>> -> memref<10000x128xf32, #tpu.memory_space<hbm>>
      tpu.wait_indirect_dma semaphore(%arg25 : memref<!tpu.dma_semaphore, #tpu.memory_space<semaphore_mem>>) src(%dma_wait3A_176 : memref<10000x128xf32, #tpu.memory_space<hbm>>) dst(%arg17 : memref<128x128xf32, #tpu.memory_space<vmem>>)
      %dma_wait3A_177 = arith.constant 1 : i32
      %dma_wait3A_178 = arith.constant 0 : i32
      %dma_wait3A_179 = tpu.memref_slice %arg10[%dma_wait3A_177, %dma_wait3A_178] : memref<120x128xi32, #tpu.memory_space<vmem>> -> memref<1x128xi32, #tpu.memory_space<vmem>>
      %dma_wait3A_180 = tpu.memref_squeeze %dma_wait3A_179 : memref<1x128xi32, #tpu.memory_space<vmem>> -> memref<128xi32, #tpu.memory_space<vmem>>
      %dma_wait3A_181 = arith.constant 0 : i32
      %dma_wait3A_182 = arith.constant 0 : i32
      %dma_wait3A_183 = tpu.memref_slice %arg4[%dma_wait3A_181, %dma_wait3A_182] : memref<10000x16xf32, #tpu.memory_space<hbm>> -> memref<10000x16xf32, #tpu.memory_space<hbm>>
      tpu.wait_indirect_dma semaphore(%arg26 : memref<!tpu.dma_semaphore, #tpu.memory_space<semaphore_mem>>) src(%dma_wait3A_183 : memref<10000x16xf32, #tpu.memory_space<hbm>>) dst(%arg18 : memref<128x16xf32, #tpu.memory_space<vmem>>)
      %dma_wait3A_184 = arith.constant 1 : i32
      %dma_wait3A_185 = arith.constant 0 : i32
      %dma_wait3A_186 = tpu.memref_slice %arg11[%dma_wait3A_184, %dma_wait3A_185] : memref<120x128xi32, #tpu.memory_space<vmem>> -> memref<1x128xi32, #tpu.memory_space<vmem>>
      %dma_wait3A_187 = tpu.memref_squeeze %dma_wait3A_186 : memref<1x128xi32, #tpu.memory_space<vmem>> -> memref<128xi32, #tpu.memory_space<vmem>>
      %dma_wait3A_188 = arith.constant 0 : i32
      %dma_wait3A_189 = arith.constant 0 : i32
      %dma_wait3A_190 = tpu.memref_slice %arg4[%dma_wait3A_188, %dma_wait3A_189] : memref<10000x16xf32, #tpu.memory_space<hbm>> -> memref<10000x16xf32, #tpu.memory_space<hbm>>
      tpu.wait_indirect_dma semaphore(%arg27 : memref<!tpu.dma_semaphore, #tpu.memory_space<semaphore_mem>>) src(%dma_wait3A_190 : memref<10000x16xf32, #tpu.memory_space<hbm>>) dst(%arg19 : memref<128x16xf32, #tpu.memory_space<vmem>>)
      %add3A_191 = arith.constant 128 : i32
      %add3A_192 = arith.addi %mul3A_0, %add3A_191 : i32
      %dma_start3A_193 = arith.constant 0 : i32
      %dma_start3A_194 = tpu.memref_slice %arg7[%add3A_192, %dma_start3A_193] : memref<327680x128xf32, #tpu.memory_space<hbm>> -> memref<128x128xf32, #tpu.memory_space<hbm>>
      %dma_start3A_195 = arith.constant 0 : i32
      %dma_start3A_196 = tpu.memref_slice %arg7[%add3A_192, %dma_start3A_195] : memref<327680x128xf32, #tpu.memory_space<hbm>> -> memref<128x128xf32, #tpu.memory_space<hbm>>
      tpu.enqueue_dma source(%arg16 : memref<128x128xf32, #tpu.memory_space<vmem>>) target(%dma_start3A_196 : memref<128x128xf32, #tpu.memory_space<hbm>>) target_semaphore(%arg30 : memref<!tpu.dma_semaphore, #tpu.memory_space<semaphore_mem>>)
      %dma_start3A_197 = arith.constant 0 : i32
      %dma_start3A_198 = tpu.memref_slice %arg8[%add3A_192, %dma_start3A_197] : memref<327680x128xf32, #tpu.memory_space<hbm>> -> memref<128x128xf32, #tpu.memory_space<hbm>>
      %dma_start3A_199 = arith.constant 0 : i32
      %dma_start3A_200 = tpu.memref_slice %arg8[%add3A_192, %dma_start3A_199] : memref<327680x128xf32, #tpu.memory_space<hbm>> -> memref<128x128xf32, #tpu.memory_space<hbm>>
      tpu.enqueue_dma source(%arg17 : memref<128x128xf32, #tpu.memory_space<vmem>>) target(%dma_start3A_200 : memref<128x128xf32, #tpu.memory_space<hbm>>) target_semaphore(%arg30 : memref<!tpu.dma_semaphore, #tpu.memory_space<semaphore_mem>>)
      %dma_start3A_201 = arith.constant 0 : i32
      %dma_start3A_202 = tpu.memref_slice %arg9[%add3A_192, %dma_start3A_201] : memref<327680x128xf32, #tpu.memory_space<hbm>> -> memref<128x16xf32, #tpu.memory_space<hbm>>
      %dma_start3A_203 = arith.constant 0 : i32
      %dma_start3A_204 = tpu.memref_slice %arg9[%add3A_192, %dma_start3A_203] : memref<327680x128xf32, #tpu.memory_space<hbm>> -> memref<128x16xf32, #tpu.memory_space<hbm>>
      tpu.enqueue_dma source(%arg18 : memref<128x16xf32, #tpu.memory_space<vmem>>) target(%dma_start3A_204 : memref<128x16xf32, #tpu.memory_space<hbm>>) target_semaphore(%arg31 : memref<!tpu.dma_semaphore, #tpu.memory_space<semaphore_mem>>)
      %dma_start3A_205 = arith.constant 16 : i32
      %dma_start3A_206 = tpu.memref_slice %arg9[%add3A_192, %dma_start3A_205] : memref<327680x128xf32, #tpu.memory_space<hbm>> -> memref<128x16xf32, #tpu.memory_space<hbm>>
      %dma_start3A_207 = arith.constant 16 : i32
      %dma_start3A_208 = tpu.memref_slice %arg9[%add3A_192, %dma_start3A_207] : memref<327680x128xf32, #tpu.memory_space<hbm>> -> memref<128x16xf32, #tpu.memory_space<hbm>>
      tpu.enqueue_dma source(%arg19 : memref<128x16xf32, #tpu.memory_space<vmem>>) target(%dma_start3A_208 : memref<128x16xf32, #tpu.memory_space<hbm>>) target_semaphore(%arg31 : memref<!tpu.dma_semaphore, #tpu.memory_space<semaphore_mem>>)
      %scan3A = arith.constant 0 : i32
      %scan3A_209 = arith.constant 59 : i32
      %scan3A_210 = arith.addi %scan3A, %scan3A_209 : i32
      %scan3A_211 = arith.constant 1 : i32
      scf.for %scan3A_249 = %scan3A to %scan3A_210 step %scan3A_211  : i32 {
        %mul3A_250 = arith.constant 1 : i32
        %mul3A_251 = arith.muli %scan3A_249, %mul3A_250 : i32
        %add3A_252 = arith.constant 1 : i32
        %add3A_253 = arith.addi %add3A_252, %mul3A_251 : i32
        %mul3A_254 = arith.constant 2 : i32
        %mul3A_255 = arith.muli %mul3A_254, %add3A_253 : i32
        %add3A_256 = arith.constant 0 : i32
        %add3A_257 = arith.addi %mul3A_255, %add3A_256 : i32
        %mul3A_258 = arith.constant 128 : i32
        %mul3A_259 = arith.muli %add3A_257, %mul3A_258 : i32
        %add3A_260 = arith.addi %mul3A_0, %mul3A_259 : i32
        %dma_wait3A_261 = arith.constant 0 : i32
        %dma_wait3A_262 = tpu.memref_slice %arg7[%add3A_260, %dma_wait3A_261] : memref<327680x128xf32, #tpu.memory_space<hbm>> -> memref<128x128xf32, #tpu.memory_space<hbm>>
        %dma_wait3A_263 = arith.constant 0 : i32
        %dma_wait3A_264 = tpu.memref_slice %arg7[%add3A_260, %dma_wait3A_263] : memref<327680x128xf32, #tpu.memory_space<hbm>> -> memref<128x128xf32, #tpu.memory_space<hbm>>
        tpu.wait_dma2 semaphore(%arg28 : memref<!tpu.dma_semaphore, #tpu.memory_space<semaphore_mem>>) src(%arg12 : memref<128x128xf32, #tpu.memory_space<vmem>>) dst(%dma_wait3A_264 : memref<128x128xf32, #tpu.memory_space<hbm>>)
        %dma_wait3A_265 = arith.constant 0 : i32
        %dma_wait3A_266 = tpu.memref_slice %arg8[%add3A_260, %dma_wait3A_265] : memref<327680x128xf32, #tpu.memory_space<hbm>> -> memref<128x128xf32, #tpu.memory_space<hbm>>
        %dma_wait3A_267 = arith.constant 0 : i32
        %dma_wait3A_268 = tpu.memref_slice %arg8[%add3A_260, %dma_wait3A_267] : memref<327680x128xf32, #tpu.memory_space<hbm>> -> memref<128x128xf32, #tpu.memory_space<hbm>>
        tpu.wait_dma2 semaphore(%arg28 : memref<!tpu.dma_semaphore, #tpu.memory_space<semaphore_mem>>) src(%arg13 : memref<128x128xf32, #tpu.memory_space<vmem>>) dst(%dma_wait3A_268 : memref<128x128xf32, #tpu.memory_space<hbm>>)
        %dma_wait3A_269 = arith.constant 0 : i32
        %dma_wait3A_270 = tpu.memref_slice %arg9[%add3A_260, %dma_wait3A_269] : memref<327680x128xf32, #tpu.memory_space<hbm>> -> memref<128x16xf32, #tpu.memory_space<hbm>>
        %dma_wait3A_271 = arith.constant 0 : i32
        %dma_wait3A_272 = tpu.memref_slice %arg9[%add3A_260, %dma_wait3A_271] : memref<327680x128xf32, #tpu.memory_space<hbm>> -> memref<128x16xf32, #tpu.memory_space<hbm>>
        tpu.wait_dma2 semaphore(%arg29 : memref<!tpu.dma_semaphore, #tpu.memory_space<semaphore_mem>>) src(%arg14 : memref<128x16xf32, #tpu.memory_space<vmem>>) dst(%dma_wait3A_272 : memref<128x16xf32, #tpu.memory_space<hbm>>)
        %dma_wait3A_273 = arith.constant 16 : i32
        %dma_wait3A_274 = tpu.memref_slice %arg9[%add3A_260, %dma_wait3A_273] : memref<327680x128xf32, #tpu.memory_space<hbm>> -> memref<128x16xf32, #tpu.memory_space<hbm>>
        %dma_wait3A_275 = arith.constant 16 : i32
        %dma_wait3A_276 = tpu.memref_slice %arg9[%add3A_260, %dma_wait3A_275] : memref<327680x128xf32, #tpu.memory_space<hbm>> -> memref<128x16xf32, #tpu.memory_space<hbm>>
        tpu.wait_dma2 semaphore(%arg29 : memref<!tpu.dma_semaphore, #tpu.memory_space<semaphore_mem>>) src(%arg15 : memref<128x16xf32, #tpu.memory_space<vmem>>) dst(%dma_wait3A_276 : memref<128x16xf32, #tpu.memory_space<hbm>>)
        %dma_start3A_277 = arith.constant 0 : i32
        %dma_start3A_278 = tpu.memref_slice %arg10[%add3A_257, %dma_start3A_277] : memref<120x128xi32, #tpu.memory_space<vmem>> -> memref<1x128xi32, #tpu.memory_space<vmem>>
        %dma_start3A_279 = tpu.memref_squeeze %dma_start3A_278 : memref<1x128xi32, #tpu.memory_space<vmem>> -> memref<128xi32, #tpu.memory_space<vmem>>
        %dma_start3A_280 = arith.constant 0 : i32
        %dma_start3A_281 = arith.constant 0 : i32
        %dma_start3A_282 = tpu.memref_slice %arg2[%dma_start3A_280, %dma_start3A_281] : memref<10000x128xf32, #tpu.memory_space<hbm>> -> memref<10000x128xf32, #tpu.memory_space<hbm>>
        tpu.enqueue_indirect_dma source(%dma_start3A_282 : memref<10000x128xf32, #tpu.memory_space<hbm>>) target(%arg12 : memref<128x128xf32, #tpu.memory_space<vmem>>) offsets(%dma_start3A_279 : memref<128xi32, #tpu.memory_space<vmem>>) semaphore(%arg20 : memref<!tpu.dma_semaphore, #tpu.memory_space<semaphore_mem>>)
        %dma_start3A_283 = arith.constant 0 : i32
        %dma_start3A_284 = tpu.memref_slice %arg11[%add3A_257, %dma_start3A_283] : memref<120x128xi32, #tpu.memory_space<vmem>> -> memref<1x128xi32, #tpu.memory_space<vmem>>
        %dma_start3A_285 = tpu.memref_squeeze %dma_start3A_284 : memref<1x128xi32, #tpu.memory_space<vmem>> -> memref<128xi32, #tpu.memory_space<vmem>>
        %dma_start3A_286 = arith.constant 0 : i32
        %dma_start3A_287 = arith.constant 0 : i32
        %dma_start3A_288 = tpu.memref_slice %arg3[%dma_start3A_286, %dma_start3A_287] : memref<10000x128xf32, #tpu.memory_space<hbm>> -> memref<10000x128xf32, #tpu.memory_space<hbm>>
        tpu.enqueue_indirect_dma source(%dma_start3A_288 : memref<10000x128xf32, #tpu.memory_space<hbm>>) target(%arg13 : memref<128x128xf32, #tpu.memory_space<vmem>>) offsets(%dma_start3A_285 : memref<128xi32, #tpu.memory_space<vmem>>) semaphore(%arg21 : memref<!tpu.dma_semaphore, #tpu.memory_space<semaphore_mem>>)
        %dma_start3A_289 = arith.constant 0 : i32
        %dma_start3A_290 = tpu.memref_slice %arg10[%add3A_257, %dma_start3A_289] : memref<120x128xi32, #tpu.memory_space<vmem>> -> memref<1x128xi32, #tpu.memory_space<vmem>>
        %dma_start3A_291 = tpu.memref_squeeze %dma_start3A_290 : memref<1x128xi32, #tpu.memory_space<vmem>> -> memref<128xi32, #tpu.memory_space<vmem>>
        %dma_start3A_292 = arith.constant 0 : i32
        %dma_start3A_293 = arith.constant 0 : i32
        %dma_start3A_294 = tpu.memref_slice %arg4[%dma_start3A_292, %dma_start3A_293] : memref<10000x16xf32, #tpu.memory_space<hbm>> -> memref<10000x16xf32, #tpu.memory_space<hbm>>
        tpu.enqueue_indirect_dma source(%dma_start3A_294 : memref<10000x16xf32, #tpu.memory_space<hbm>>) target(%arg14 : memref<128x16xf32, #tpu.memory_space<vmem>>) offsets(%dma_start3A_291 : memref<128xi32, #tpu.memory_space<vmem>>) semaphore(%arg22 : memref<!tpu.dma_semaphore, #tpu.memory_space<semaphore_mem>>)
        %dma_start3A_295 = arith.constant 0 : i32
        %dma_start3A_296 = tpu.memref_slice %arg11[%add3A_257, %dma_start3A_295] : memref<120x128xi32, #tpu.memory_space<vmem>> -> memref<1x128xi32, #tpu.memory_space<vmem>>
        %dma_start3A_297 = tpu.memref_squeeze %dma_start3A_296 : memref<1x128xi32, #tpu.memory_space<vmem>> -> memref<128xi32, #tpu.memory_space<vmem>>
        %dma_start3A_298 = arith.constant 0 : i32
        %dma_start3A_299 = arith.constant 0 : i32
        %dma_start3A_300 = tpu.memref_slice %arg4[%dma_start3A_298, %dma_start3A_299] : memref<10000x16xf32, #tpu.memory_space<hbm>> -> memref<10000x16xf32, #tpu.memory_space<hbm>>
        tpu.enqueue_indirect_dma source(%dma_start3A_300 : memref<10000x16xf32, #tpu.memory_space<hbm>>) target(%arg15 : memref<128x16xf32, #tpu.memory_space<vmem>>) offsets(%dma_start3A_297 : memref<128xi32, #tpu.memory_space<vmem>>) semaphore(%arg23 : memref<!tpu.dma_semaphore, #tpu.memory_space<semaphore_mem>>)
        %dma_wait3A_301 = arith.constant 0 : i32
        %dma_wait3A_302 = tpu.memref_slice %arg10[%add3A_257, %dma_wait3A_301] : memref<120x128xi32, #tpu.memory_space<vmem>> -> memref<1x128xi32, #tpu.memory_space<vmem>>
        %dma_wait3A_303 = tpu.memref_squeeze %dma_wait3A_302 : memref<1x128xi32, #tpu.memory_space<vmem>> -> memref<128xi32, #tpu.memory_space<vmem>>
        %dma_wait3A_304 = arith.constant 0 : i32
        %dma_wait3A_305 = arith.constant 0 : i32
        %dma_wait3A_306 = tpu.memref_slice %arg2[%dma_wait3A_304, %dma_wait3A_305] : memref<10000x128xf32, #tpu.memory_space<hbm>> -> memref<10000x128xf32, #tpu.memory_space<hbm>>
        tpu.wait_indirect_dma semaphore(%arg20 : memref<!tpu.dma_semaphore, #tpu.memory_space<semaphore_mem>>) src(%dma_wait3A_306 : memref<10000x128xf32, #tpu.memory_space<hbm>>) dst(%arg12 : memref<128x128xf32, #tpu.memory_space<vmem>>)
        %dma_wait3A_307 = arith.constant 0 : i32
        %dma_wait3A_308 = tpu.memref_slice %arg11[%add3A_257, %dma_wait3A_307] : memref<120x128xi32, #tpu.memory_space<vmem>> -> memref<1x128xi32, #tpu.memory_space<vmem>>
        %dma_wait3A_309 = tpu.memref_squeeze %dma_wait3A_308 : memref<1x128xi32, #tpu.memory_space<vmem>> -> memref<128xi32, #tpu.memory_space<vmem>>
        %dma_wait3A_310 = arith.constant 0 : i32
        %dma_wait3A_311 = arith.constant 0 : i32
        %dma_wait3A_312 = tpu.memref_slice %arg3[%dma_wait3A_310, %dma_wait3A_311] : memref<10000x128xf32, #tpu.memory_space<hbm>> -> memref<10000x128xf32, #tpu.memory_space<hbm>>
        tpu.wait_indirect_dma semaphore(%arg21 : memref<!tpu.dma_semaphore, #tpu.memory_space<semaphore_mem>>) src(%dma_wait3A_312 : memref<10000x128xf32, #tpu.memory_space<hbm>>) dst(%arg13 : memref<128x128xf32, #tpu.memory_space<vmem>>)
        %dma_wait3A_313 = arith.constant 0 : i32
        %dma_wait3A_314 = tpu.memref_slice %arg10[%add3A_257, %dma_wait3A_313] : memref<120x128xi32, #tpu.memory_space<vmem>> -> memref<1x128xi32, #tpu.memory_space<vmem>>
        %dma_wait3A_315 = tpu.memref_squeeze %dma_wait3A_314 : memref<1x128xi32, #tpu.memory_space<vmem>> -> memref<128xi32, #tpu.memory_space<vmem>>
        %dma_wait3A_316 = arith.constant 0 : i32
        %dma_wait3A_317 = arith.constant 0 : i32
        %dma_wait3A_318 = tpu.memref_slice %arg4[%dma_wait3A_316, %dma_wait3A_317] : memref<10000x16xf32, #tpu.memory_space<hbm>> -> memref<10000x16xf32, #tpu.memory_space<hbm>>
        tpu.wait_indirect_dma semaphore(%arg22 : memref<!tpu.dma_semaphore, #tpu.memory_space<semaphore_mem>>) src(%dma_wait3A_318 : memref<10000x16xf32, #tpu.memory_space<hbm>>) dst(%arg14 : memref<128x16xf32, #tpu.memory_space<vmem>>)
        %dma_wait3A_319 = arith.constant 0 : i32
        %dma_wait3A_320 = tpu.memref_slice %arg11[%add3A_257, %dma_wait3A_319] : memref<120x128xi32, #tpu.memory_space<vmem>> -> memref<1x128xi32, #tpu.memory_space<vmem>>
        %dma_wait3A_321 = tpu.memref_squeeze %dma_wait3A_320 : memref<1x128xi32, #tpu.memory_space<vmem>> -> memref<128xi32, #tpu.memory_space<vmem>>
        %dma_wait3A_322 = arith.constant 0 : i32
        %dma_wait3A_323 = arith.constant 0 : i32
        %dma_wait3A_324 = tpu.memref_slice %arg4[%dma_wait3A_322, %dma_wait3A_323] : memref<10000x16xf32, #tpu.memory_space<hbm>> -> memref<10000x16xf32, #tpu.memory_space<hbm>>
        tpu.wait_indirect_dma semaphore(%arg23 : memref<!tpu.dma_semaphore, #tpu.memory_space<semaphore_mem>>) src(%dma_wait3A_324 : memref<10000x16xf32, #tpu.memory_space<hbm>>) dst(%arg15 : memref<128x16xf32, #tpu.memory_space<vmem>>)
        %mul3A_325 = arith.constant 128 : i32
        %mul3A_326 = arith.muli %add3A_257, %mul3A_325 : i32
        %add3A_327 = arith.addi %mul3A_0, %mul3A_326 : i32
        %dma_start3A_328 = arith.constant 0 : i32
        %dma_start3A_329 = tpu.memref_slice %arg7[%add3A_327, %dma_start3A_328] : memref<327680x128xf32, #tpu.memory_space<hbm>> -> memref<128x128xf32, #tpu.memory_space<hbm>>
        %dma_start3A_330 = arith.constant 0 : i32
        %dma_start3A_331 = tpu.memref_slice %arg7[%add3A_327, %dma_start3A_330] : memref<327680x128xf32, #tpu.memory_space<hbm>> -> memref<128x128xf32, #tpu.memory_space<hbm>>
        tpu.enqueue_dma source(%arg12 : memref<128x128xf32, #tpu.memory_space<vmem>>) target(%dma_start3A_331 : memref<128x128xf32, #tpu.memory_space<hbm>>) target_semaphore(%arg28 : memref<!tpu.dma_semaphore, #tpu.memory_space<semaphore_mem>>)
        %dma_start3A_332 = arith.constant 0 : i32
        %dma_start3A_333 = tpu.memref_slice %arg8[%add3A_327, %dma_start3A_332] : memref<327680x128xf32, #tpu.memory_space<hbm>> -> memref<128x128xf32, #tpu.memory_space<hbm>>
        %dma_start3A_334 = arith.constant 0 : i32
        %dma_start3A_335 = tpu.memref_slice %arg8[%add3A_327, %dma_start3A_334] : memref<327680x128xf32, #tpu.memory_space<hbm>> -> memref<128x128xf32, #tpu.memory_space<hbm>>
        tpu.enqueue_dma source(%arg13 : memref<128x128xf32, #tpu.memory_space<vmem>>) target(%dma_start3A_335 : memref<128x128xf32, #tpu.memory_space<hbm>>) target_semaphore(%arg28 : memref<!tpu.dma_semaphore, #tpu.memory_space<semaphore_mem>>)
        %dma_start3A_336 = arith.constant 0 : i32
        %dma_start3A_337 = tpu.memref_slice %arg9[%add3A_327, %dma_start3A_336] : memref<327680x128xf32, #tpu.memory_space<hbm>> -> memref<128x16xf32, #tpu.memory_space<hbm>>
        %dma_start3A_338 = arith.constant 0 : i32
        %dma_start3A_339 = tpu.memref_slice %arg9[%add3A_327, %dma_start3A_338] : memref<327680x128xf32, #tpu.memory_space<hbm>> -> memref<128x16xf32, #tpu.memory_space<hbm>>
        tpu.enqueue_dma source(%arg14 : memref<128x16xf32, #tpu.memory_space<vmem>>) target(%dma_start3A_339 : memref<128x16xf32, #tpu.memory_space<hbm>>) target_semaphore(%arg29 : memref<!tpu.dma_semaphore, #tpu.memory_space<semaphore_mem>>)
        %dma_start3A_340 = arith.constant 16 : i32
        %dma_start3A_341 = tpu.memref_slice %arg9[%add3A_327, %dma_start3A_340] : memref<327680x128xf32, #tpu.memory_space<hbm>> -> memref<128x16xf32, #tpu.memory_space<hbm>>
        %dma_start3A_342 = arith.constant 16 : i32
        %dma_start3A_343 = tpu.memref_slice %arg9[%add3A_327, %dma_start3A_342] : memref<327680x128xf32, #tpu.memory_space<hbm>> -> memref<128x16xf32, #tpu.memory_space<hbm>>
        tpu.enqueue_dma source(%arg15 : memref<128x16xf32, #tpu.memory_space<vmem>>) target(%dma_start3A_343 : memref<128x16xf32, #tpu.memory_space<hbm>>) target_semaphore(%arg29 : memref<!tpu.dma_semaphore, #tpu.memory_space<semaphore_mem>>)
        %add3A_344 = arith.constant 1 : i32
        %add3A_345 = arith.addi %mul3A_255, %add3A_344 : i32
        %mul3A_346 = arith.constant 128 : i32
        %mul3A_347 = arith.muli %add3A_345, %mul3A_346 : i32
        %add3A_348 = arith.addi %mul3A_0, %mul3A_347 : i32
        %dma_wait3A_349 = arith.constant 0 : i32
        %dma_wait3A_350 = tpu.memref_slice %arg7[%add3A_348, %dma_wait3A_349] : memref<327680x128xf32, #tpu.memory_space<hbm>> -> memref<128x128xf32, #tpu.memory_space<hbm>>
        %dma_wait3A_351 = arith.constant 0 : i32
        %dma_wait3A_352 = tpu.memref_slice %arg7[%add3A_348, %dma_wait3A_351] : memref<327680x128xf32, #tpu.memory_space<hbm>> -> memref<128x128xf32, #tpu.memory_space<hbm>>
        tpu.wait_dma2 semaphore(%arg30 : memref<!tpu.dma_semaphore, #tpu.memory_space<semaphore_mem>>) src(%arg16 : memref<128x128xf32, #tpu.memory_space<vmem>>) dst(%dma_wait3A_352 : memref<128x128xf32, #tpu.memory_space<hbm>>)
        %dma_wait3A_353 = arith.constant 0 : i32
        %dma_wait3A_354 = tpu.memref_slice %arg8[%add3A_348, %dma_wait3A_353] : memref<327680x128xf32, #tpu.memory_space<hbm>> -> memref<128x128xf32, #tpu.memory_space<hbm>>
        %dma_wait3A_355 = arith.constant 0 : i32
        %dma_wait3A_356 = tpu.memref_slice %arg8[%add3A_348, %dma_wait3A_355] : memref<327680x128xf32, #tpu.memory_space<hbm>> -> memref<128x128xf32, #tpu.memory_space<hbm>>
        tpu.wait_dma2 semaphore(%arg30 : memref<!tpu.dma_semaphore, #tpu.memory_space<semaphore_mem>>) src(%arg17 : memref<128x128xf32, #tpu.memory_space<vmem>>) dst(%dma_wait3A_356 : memref<128x128xf32, #tpu.memory_space<hbm>>)
        %dma_wait3A_357 = arith.constant 0 : i32
        %dma_wait3A_358 = tpu.memref_slice %arg9[%add3A_348, %dma_wait3A_357] : memref<327680x128xf32, #tpu.memory_space<hbm>> -> memref<128x16xf32, #tpu.memory_space<hbm>>
        %dma_wait3A_359 = arith.constant 0 : i32
        %dma_wait3A_360 = tpu.memref_slice %arg9[%add3A_348, %dma_wait3A_359] : memref<327680x128xf32, #tpu.memory_space<hbm>> -> memref<128x16xf32, #tpu.memory_space<hbm>>
        tpu.wait_dma2 semaphore(%arg31 : memref<!tpu.dma_semaphore, #tpu.memory_space<semaphore_mem>>) src(%arg18 : memref<128x16xf32, #tpu.memory_space<vmem>>) dst(%dma_wait3A_360 : memref<128x16xf32, #tpu.memory_space<hbm>>)
        %dma_wait3A_361 = arith.constant 16 : i32
        %dma_wait3A_362 = tpu.memref_slice %arg9[%add3A_348, %dma_wait3A_361] : memref<327680x128xf32, #tpu.memory_space<hbm>> -> memref<128x16xf32, #tpu.memory_space<hbm>>
        %dma_wait3A_363 = arith.constant 16 : i32
        %dma_wait3A_364 = tpu.memref_slice %arg9[%add3A_348, %dma_wait3A_363] : memref<327680x128xf32, #tpu.memory_space<hbm>> -> memref<128x16xf32, #tpu.memory_space<hbm>>
        tpu.wait_dma2 semaphore(%arg31 : memref<!tpu.dma_semaphore, #tpu.memory_space<semaphore_mem>>) src(%arg19 : memref<128x16xf32, #tpu.memory_space<vmem>>) dst(%dma_wait3A_364 : memref<128x16xf32, #tpu.memory_space<hbm>>)
        %dma_start3A_365 = arith.constant 0 : i32
        %dma_start3A_366 = tpu.memref_slice %arg10[%add3A_345, %dma_start3A_365] : memref<120x128xi32, #tpu.memory_space<vmem>> -> memref<1x128xi32, #tpu.memory_space<vmem>>
        %dma_start3A_367 = tpu.memref_squeeze %dma_start3A_366 : memref<1x128xi32, #tpu.memory_space<vmem>> -> memref<128xi32, #tpu.memory_space<vmem>>
        %dma_start3A_368 = arith.constant 0 : i32
        %dma_start3A_369 = arith.constant 0 : i32
        %dma_start3A_370 = tpu.memref_slice %arg2[%dma_start3A_368, %dma_start3A_369] : memref<10000x128xf32, #tpu.memory_space<hbm>> -> memref<10000x128xf32, #tpu.memory_space<hbm>>
        tpu.enqueue_indirect_dma source(%dma_start3A_370 : memref<10000x128xf32, #tpu.memory_space<hbm>>) target(%arg16 : memref<128x128xf32, #tpu.memory_space<vmem>>) offsets(%dma_start3A_367 : memref<128xi32, #tpu.memory_space<vmem>>) semaphore(%arg24 : memref<!tpu.dma_semaphore, #tpu.memory_space<semaphore_mem>>)
        %dma_start3A_371 = arith.constant 0 : i32
        %dma_start3A_372 = tpu.memref_slice %arg11[%add3A_345, %dma_start3A_371] : memref<120x128xi32, #tpu.memory_space<vmem>> -> memref<1x128xi32, #tpu.memory_space<vmem>>
        %dma_start3A_373 = tpu.memref_squeeze %dma_start3A_372 : memref<1x128xi32, #tpu.memory_space<vmem>> -> memref<128xi32, #tpu.memory_space<vmem>>
        %dma_start3A_374 = arith.constant 0 : i32
        %dma_start3A_375 = arith.constant 0 : i32
        %dma_start3A_376 = tpu.memref_slice %arg3[%dma_start3A_374, %dma_start3A_375] : memref<10000x128xf32, #tpu.memory_space<hbm>> -> memref<10000x128xf32, #tpu.memory_space<hbm>>
        tpu.enqueue_indirect_dma source(%dma_start3A_376 : memref<10000x128xf32, #tpu.memory_space<hbm>>) target(%arg17 : memref<128x128xf32, #tpu.memory_space<vmem>>) offsets(%dma_start3A_373 : memref<128xi32, #tpu.memory_space<vmem>>) semaphore(%arg25 : memref<!tpu.dma_semaphore, #tpu.memory_space<semaphore_mem>>)
        %dma_start3A_377 = arith.constant 0 : i32
        %dma_start3A_378 = tpu.memref_slice %arg10[%add3A_345, %dma_start3A_377] : memref<120x128xi32, #tpu.memory_space<vmem>> -> memref<1x128xi32, #tpu.memory_space<vmem>>
        %dma_start3A_379 = tpu.memref_squeeze %dma_start3A_378 : memref<1x128xi32, #tpu.memory_space<vmem>> -> memref<128xi32, #tpu.memory_space<vmem>>
        %dma_start3A_380 = arith.constant 0 : i32
        %dma_start3A_381 = arith.constant 0 : i32
        %dma_start3A_382 = tpu.memref_slice %arg4[%dma_start3A_380, %dma_start3A_381] : memref<10000x16xf32, #tpu.memory_space<hbm>> -> memref<10000x16xf32, #tpu.memory_space<hbm>>
        tpu.enqueue_indirect_dma source(%dma_start3A_382 : memref<10000x16xf32, #tpu.memory_space<hbm>>) target(%arg18 : memref<128x16xf32, #tpu.memory_space<vmem>>) offsets(%dma_start3A_379 : memref<128xi32, #tpu.memory_space<vmem>>) semaphore(%arg26 : memref<!tpu.dma_semaphore, #tpu.memory_space<semaphore_mem>>)
        %dma_start3A_383 = arith.constant 0 : i32
        %dma_start3A_384 = tpu.memref_slice %arg11[%add3A_345, %dma_start3A_383] : memref<120x128xi32, #tpu.memory_space<vmem>> -> memref<1x128xi32, #tpu.memory_space<vmem>>
        %dma_start3A_385 = tpu.memref_squeeze %dma_start3A_384 : memref<1x128xi32, #tpu.memory_space<vmem>> -> memref<128xi32, #tpu.memory_space<vmem>>
        %dma_start3A_386 = arith.constant 0 : i32
        %dma_start3A_387 = arith.constant 0 : i32
        %dma_start3A_388 = tpu.memref_slice %arg4[%dma_start3A_386, %dma_start3A_387] : memref<10000x16xf32, #tpu.memory_space<hbm>> -> memref<10000x16xf32, #tpu.memory_space<hbm>>
        tpu.enqueue_indirect_dma source(%dma_start3A_388 : memref<10000x16xf32, #tpu.memory_space<hbm>>) target(%arg19 : memref<128x16xf32, #tpu.memory_space<vmem>>) offsets(%dma_start3A_385 : memref<128xi32, #tpu.memory_space<vmem>>) semaphore(%arg27 : memref<!tpu.dma_semaphore, #tpu.memory_space<semaphore_mem>>)
        %dma_wait3A_389 = arith.constant 0 : i32
        %dma_wait3A_390 = tpu.memref_slice %arg10[%add3A_345, %dma_wait3A_389] : memref<120x128xi32, #tpu.memory_space<vmem>> -> memref<1x128xi32, #tpu.memory_space<vmem>>
        %dma_wait3A_391 = tpu.memref_squeeze %dma_wait3A_390 : memref<1x128xi32, #tpu.memory_space<vmem>> -> memref<128xi32, #tpu.memory_space<vmem>>
        %dma_wait3A_392 = arith.constant 0 : i32
        %dma_wait3A_393 = arith.constant 0 : i32
        %dma_wait3A_394 = tpu.memref_slice %arg2[%dma_wait3A_392, %dma_wait3A_393] : memref<10000x128xf32, #tpu.memory_space<hbm>> -> memref<10000x128xf32, #tpu.memory_space<hbm>>
        tpu.wait_indirect_dma semaphore(%arg24 : memref<!tpu.dma_semaphore, #tpu.memory_space<semaphore_mem>>) src(%dma_wait3A_394 : memref<10000x128xf32, #tpu.memory_space<hbm>>) dst(%arg16 : memref<128x128xf32, #tpu.memory_space<vmem>>)
        %dma_wait3A_395 = arith.constant 0 : i32
        %dma_wait3A_396 = tpu.memref_slice %arg11[%add3A_345, %dma_wait3A_395] : memref<120x128xi32, #tpu.memory_space<vmem>> -> memref<1x128xi32, #tpu.memory_space<vmem>>
        %dma_wait3A_397 = tpu.memref_squeeze %dma_wait3A_396 : memref<1x128xi32, #tpu.memory_space<vmem>> -> memref<128xi32, #tpu.memory_space<vmem>>
        %dma_wait3A_398 = arith.constant 0 : i32
        %dma_wait3A_399 = arith.constant 0 : i32
        %dma_wait3A_400 = tpu.memref_slice %arg3[%dma_wait3A_398, %dma_wait3A_399] : memref<10000x128xf32, #tpu.memory_space<hbm>> -> memref<10000x128xf32, #tpu.memory_space<hbm>>
        tpu.wait_indirect_dma semaphore(%arg25 : memref<!tpu.dma_semaphore, #tpu.memory_space<semaphore_mem>>) src(%dma_wait3A_400 : memref<10000x128xf32, #tpu.memory_space<hbm>>) dst(%arg17 : memref<128x128xf32, #tpu.memory_space<vmem>>)
        %dma_wait3A_401 = arith.constant 0 : i32
        %dma_wait3A_402 = tpu.memref_slice %arg10[%add3A_345, %dma_wait3A_401] : memref<120x128xi32, #tpu.memory_space<vmem>> -> memref<1x128xi32, #tpu.memory_space<vmem>>
        %dma_wait3A_403 = tpu.memref_squeeze %dma_wait3A_402 : memref<1x128xi32, #tpu.memory_space<vmem>> -> memref<128xi32, #tpu.memory_space<vmem>>
        %dma_wait3A_404 = arith.constant 0 : i32
        %dma_wait3A_405 = arith.constant 0 : i32
        %dma_wait3A_406 = tpu.memref_slice %arg4[%dma_wait3A_404, %dma_wait3A_405] : memref<10000x16xf32, #tpu.memory_space<hbm>> -> memref<10000x16xf32, #tpu.memory_space<hbm>>
        tpu.wait_indirect_dma semaphore(%arg26 : memref<!tpu.dma_semaphore, #tpu.memory_space<semaphore_mem>>) src(%dma_wait3A_406 : memref<10000x16xf32, #tpu.memory_space<hbm>>) dst(%arg18 : memref<128x16xf32, #tpu.memory_space<vmem>>)
        %dma_wait3A_407 = arith.constant 0 : i32
        %dma_wait3A_408 = tpu.memref_slice %arg11[%add3A_345, %dma_wait3A_407] : memref<120x128xi32, #tpu.memory_space<vmem>> -> memref<1x128xi32, #tpu.memory_space<vmem>>
        %dma_wait3A_409 = tpu.memref_squeeze %dma_wait3A_408 : memref<1x128xi32, #tpu.memory_space<vmem>> -> memref<128xi32, #tpu.memory_space<vmem>>
        %dma_wait3A_410 = arith.constant 0 : i32
        %dma_wait3A_411 = arith.constant 0 : i32
        %dma_wait3A_412 = tpu.memref_slice %arg4[%dma_wait3A_410, %dma_wait3A_411] : memref<10000x16xf32, #tpu.memory_space<hbm>> -> memref<10000x16xf32, #tpu.memory_space<hbm>>
        tpu.wait_indirect_dma semaphore(%arg27 : memref<!tpu.dma_semaphore, #tpu.memory_space<semaphore_mem>>) src(%dma_wait3A_412 : memref<10000x16xf32, #tpu.memory_space<hbm>>) dst(%arg19 : memref<128x16xf32, #tpu.memory_space<vmem>>)
        %mul3A_413 = arith.constant 128 : i32
        %mul3A_414 = arith.muli %add3A_345, %mul3A_413 : i32
        %add3A_415 = arith.addi %mul3A_0, %mul3A_414 : i32
        %dma_start3A_416 = arith.constant 0 : i32
        %dma_start3A_417 = tpu.memref_slice %arg7[%add3A_415, %dma_start3A_416] : memref<327680x128xf32, #tpu.memory_space<hbm>> -> memref<128x128xf32, #tpu.memory_space<hbm>>
        %dma_start3A_418 = arith.constant 0 : i32
        %dma_start3A_419 = tpu.memref_slice %arg7[%add3A_415, %dma_start3A_418] : memref<327680x128xf32, #tpu.memory_space<hbm>> -> memref<128x128xf32, #tpu.memory_space<hbm>>
        tpu.enqueue_dma source(%arg16 : memref<128x128xf32, #tpu.memory_space<vmem>>) target(%dma_start3A_419 : memref<128x128xf32, #tpu.memory_space<hbm>>) target_semaphore(%arg30 : memref<!tpu.dma_semaphore, #tpu.memory_space<semaphore_mem>>)
        %dma_start3A_420 = arith.constant 0 : i32
        %dma_start3A_421 = tpu.memref_slice %arg8[%add3A_415, %dma_start3A_420] : memref<327680x128xf32, #tpu.memory_space<hbm>> -> memref<128x128xf32, #tpu.memory_space<hbm>>
        %dma_start3A_422 = arith.constant 0 : i32
        %dma_start3A_423 = tpu.memref_slice %arg8[%add3A_415, %dma_start3A_422] : memref<327680x128xf32, #tpu.memory_space<hbm>> -> memref<128x128xf32, #tpu.memory_space<hbm>>
        tpu.enqueue_dma source(%arg17 : memref<128x128xf32, #tpu.memory_space<vmem>>) target(%dma_start3A_423 : memref<128x128xf32, #tpu.memory_space<hbm>>) target_semaphore(%arg30 : memref<!tpu.dma_semaphore, #tpu.memory_space<semaphore_mem>>)
        %dma_start3A_424 = arith.constant 0 : i32
        %dma_start3A_425 = tpu.memref_slice %arg9[%add3A_415, %dma_start3A_424] : memref<327680x128xf32, #tpu.memory_space<hbm>> -> memref<128x16xf32, #tpu.memory_space<hbm>>
        %dma_start3A_426 = arith.constant 0 : i32
        %dma_start3A_427 = tpu.memref_slice %arg9[%add3A_415, %dma_start3A_426] : memref<327680x128xf32, #tpu.memory_space<hbm>> -> memref<128x16xf32, #tpu.memory_space<hbm>>
        tpu.enqueue_dma source(%arg18 : memref<128x16xf32, #tpu.memory_space<vmem>>) target(%dma_start3A_427 : memref<128x16xf32, #tpu.memory_space<hbm>>) target_semaphore(%arg31 : memref<!tpu.dma_semaphore, #tpu.memory_space<semaphore_mem>>)
        %dma_start3A_428 = arith.constant 16 : i32
        %dma_start3A_429 = tpu.memref_slice %arg9[%add3A_415, %dma_start3A_428] : memref<327680x128xf32, #tpu.memory_space<hbm>> -> memref<128x16xf32, #tpu.memory_space<hbm>>
        %dma_start3A_430 = arith.constant 16 : i32
        %dma_start3A_431 = tpu.memref_slice %arg9[%add3A_415, %dma_start3A_430] : memref<327680x128xf32, #tpu.memory_space<hbm>> -> memref<128x16xf32, #tpu.memory_space<hbm>>
        tpu.enqueue_dma source(%arg19 : memref<128x16xf32, #tpu.memory_space<vmem>>) target(%dma_start3A_431 : memref<128x16xf32, #tpu.memory_space<hbm>>) target_semaphore(%arg31 : memref<!tpu.dma_semaphore, #tpu.memory_space<semaphore_mem>>)
      }
      %scan3A_212 = arith.constant 59 : i32
      %add3A_213 = arith.constant 15104 : i32
      %add3A_214 = arith.addi %mul3A_0, %add3A_213 : i32
      %dma_wait3A_215 = arith.constant 0 : i32
      %dma_wait3A_216 = tpu.memref_slice %arg7[%add3A_214, %dma_wait3A_215] : memref<327680x128xf32, #tpu.memory_space<hbm>> -> memref<128x128xf32, #tpu.memory_space<hbm>>
      %dma_wait3A_217 = arith.constant 0 : i32
      %dma_wait3A_218 = tpu.memref_slice %arg7[%add3A_214, %dma_wait3A_217] : memref<327680x128xf32, #tpu.memory_space<hbm>> -> memref<128x128xf32, #tpu.memory_space<hbm>>
      tpu.wait_dma2 semaphore(%arg28 : memref<!tpu.dma_semaphore, #tpu.memory_space<semaphore_mem>>) src(%arg12 : memref<128x128xf32, #tpu.memory_space<vmem>>) dst(%dma_wait3A_218 : memref<128x128xf32, #tpu.memory_space<hbm>>)
      %dma_wait3A_219 = arith.constant 0 : i32
      %dma_wait3A_220 = tpu.memref_slice %arg8[%add3A_214, %dma_wait3A_219] : memref<327680x128xf32, #tpu.memory_space<hbm>> -> memref<128x128xf32, #tpu.memory_space<hbm>>
      %dma_wait3A_221 = arith.constant 0 : i32
      %dma_wait3A_222 = tpu.memref_slice %arg8[%add3A_214, %dma_wait3A_221] : memref<327680x128xf32, #tpu.memory_space<hbm>> -> memref<128x128xf32, #tpu.memory_space<hbm>>
      tpu.wait_dma2 semaphore(%arg28 : memref<!tpu.dma_semaphore, #tpu.memory_space<semaphore_mem>>) src(%arg13 : memref<128x128xf32, #tpu.memory_space<vmem>>) dst(%dma_wait3A_222 : memref<128x128xf32, #tpu.memory_space<hbm>>)
      %dma_wait3A_223 = arith.constant 0 : i32
      %dma_wait3A_224 = tpu.memref_slice %arg9[%add3A_214, %dma_wait3A_223] : memref<327680x128xf32, #tpu.memory_space<hbm>> -> memref<128x16xf32, #tpu.memory_space<hbm>>
      %dma_wait3A_225 = arith.constant 0 : i32
      %dma_wait3A_226 = tpu.memref_slice %arg9[%add3A_214, %dma_wait3A_225] : memref<327680x128xf32, #tpu.memory_space<hbm>> -> memref<128x16xf32, #tpu.memory_space<hbm>>
      tpu.wait_dma2 semaphore(%arg29 : memref<!tpu.dma_semaphore, #tpu.memory_space<semaphore_mem>>) src(%arg14 : memref<128x16xf32, #tpu.memory_space<vmem>>) dst(%dma_wait3A_226 : memref<128x16xf32, #tpu.memory_space<hbm>>)
      %dma_wait3A_227 = arith.constant 16 : i32
      %dma_wait3A_228 = tpu.memref_slice %arg9[%add3A_214, %dma_wait3A_227] : memref<327680x128xf32, #tpu.memory_space<hbm>> -> memref<128x16xf32, #tpu.memory_space<hbm>>
      %dma_wait3A_229 = arith.constant 16 : i32
      %dma_wait3A_230 = tpu.memref_slice %arg9[%add3A_214, %dma_wait3A_229] : memref<327680x128xf32, #tpu.memory_space<hbm>> -> memref<128x16xf32, #tpu.memory_space<hbm>>
      tpu.wait_dma2 semaphore(%arg29 : memref<!tpu.dma_semaphore, #tpu.memory_space<semaphore_mem>>) src(%arg15 : memref<128x16xf32, #tpu.memory_space<vmem>>) dst(%dma_wait3A_230 : memref<128x16xf32, #tpu.memory_space<hbm>>)
      %add3A_231 = arith.constant 15232 : i32
      %add3A_232 = arith.addi %mul3A_0, %add3A_231 : i32
      %dma_wait3A_233 = arith.constant 0 : i32
      %dma_wait3A_234 = tpu.memref_slice %arg7[%add3A_232, %dma_wait3A_233] : memref<327680x128xf32, #tpu.memory_space<hbm>> -> memref<128x128xf32, #tpu.memory_space<hbm>>
      %dma_wait3A_235 = arith.constant 0 : i32
      %dma_wait3A_236 = tpu.memref_slice %arg7[%add3A_232, %dma_wait3A_235] : memref<327680x128xf32, #tpu.memory_space<hbm>> -> memref<128x128xf32, #tpu.memory_space<hbm>>
      tpu.wait_dma2 semaphore(%arg30 : memref<!tpu.dma_semaphore, #tpu.memory_space<semaphore_mem>>) src(%arg16 : memref<128x128xf32, #tpu.memory_space<vmem>>) dst(%dma_wait3A_236 : memref<128x128xf32, #tpu.memory_space<hbm>>)
      %dma_wait3A_237 = arith.constant 0 : i32
      %dma_wait3A_238 = tpu.memref_slice %arg8[%add3A_232, %dma_wait3A_237] : memref<327680x128xf32, #tpu.memory_space<hbm>> -> memref<128x128xf32, #tpu.memory_space<hbm>>
      %dma_wait3A_239 = arith.constant 0 : i32
      %dma_wait3A_240 = tpu.memref_slice %arg8[%add3A_232, %dma_wait3A_239] : memref<327680x128xf32, #tpu.memory_space<hbm>> -> memref<128x128xf32, #tpu.memory_space<hbm>>
      tpu.wait_dma2 semaphore(%arg30 : memref<!tpu.dma_semaphore, #tpu.memory_space<semaphore_mem>>) src(%arg17 : memref<128x128xf32, #tpu.memory_space<vmem>>) dst(%dma_wait3A_240 : memref<128x128xf32, #tpu.memory_space<hbm>>)
      %dma_wait3A_241 = arith.constant 0 : i32
      %dma_wait3A_242 = tpu.memref_slice %arg9[%add3A_232, %dma_wait3A_241] : memref<327680x128xf32, #tpu.memory_space<hbm>> -> memref<128x16xf32, #tpu.memory_space<hbm>>
      %dma_wait3A_243 = arith.constant 0 : i32
      %dma_wait3A_244 = tpu.memref_slice %arg9[%add3A_232, %dma_wait3A_243] : memref<327680x128xf32, #tpu.memory_space<hbm>> -> memref<128x16xf32, #tpu.memory_space<hbm>>
      tpu.wait_dma2 semaphore(%arg31 : memref<!tpu.dma_semaphore, #tpu.memory_space<semaphore_mem>>) src(%arg18 : memref<128x16xf32, #tpu.memory_space<vmem>>) dst(%dma_wait3A_244 : memref<128x16xf32, #tpu.memory_space<hbm>>)
      %dma_wait3A_245 = arith.constant 16 : i32
      %dma_wait3A_246 = tpu.memref_slice %arg9[%add3A_232, %dma_wait3A_245] : memref<327680x128xf32, #tpu.memory_space<hbm>> -> memref<128x16xf32, #tpu.memory_space<hbm>>
      %dma_wait3A_247 = arith.constant 16 : i32
      %dma_wait3A_248 = tpu.memref_slice %arg9[%add3A_232, %dma_wait3A_247] : memref<327680x128xf32, #tpu.memory_space<hbm>> -> memref<128x16xf32, #tpu.memory_space<hbm>>
      tpu.wait_dma2 semaphore(%arg31 : memref<!tpu.dma_semaphore, #tpu.memory_space<semaphore_mem>>) src(%arg19 : memref<128x16xf32, #tpu.memory_space<vmem>>) dst(%dma_wait3A_248 : memref<128x16xf32, #tpu.memory_space<hbm>>)
    } else {
    }
    %eq3A_3 = arith.constant 1 : i32
    %eq3A_4 = arith.cmpi eq, %arg0, %eq3A_3 : i32
    %convert_element_type3A_5 = arith.extui %eq3A_4 : i1 to i32
    %cond3A_6 = arith.constant 0 : i32
    %cond3A_7 = arith.cmpi ne, %convert_element_type3A_5, %cond3A_6 : i32
    scf.if %cond3A_7 {
      %add3A = arith.constant 15360 : i32
      %add3A_8 = arith.addi %mul3A_0, %add3A : i32
      %dma_start3A = arith.constant 0 : i32
      %dma_start3A_9 = arith.constant 0 : i32
      %dma_start3A_10 = tpu.memref_slice %arg10[%dma_start3A, %dma_start3A_9] : memref<120x128xi32, #tpu.memory_space<vmem>> -> memref<40x128xi32, #tpu.memory_space<vmem>>
      %dma_start3A_11 = arith.constant 120 : i32
      %dma_start3A_12 = arith.constant 0 : i32
      %dma_start3A_13 = tpu.memref_slice %arg5[%arg1, %dma_start3A_11, %dma_start3A_12] : memref<16x160x128xi32, #tpu.memory_space<hbm>> -> memref<1x40x128xi32, #tpu.memory_space<hbm>>
      %dma_start3A_14 = tpu.memref_squeeze %dma_start3A_13 : memref<1x40x128xi32, #tpu.memory_space<hbm>> -> memref<40x128xi32, #tpu.memory_space<hbm>>
      %dma_start3A_15 = arith.constant 0 : i32
      %dma_start3A_16 = arith.constant 0 : i32
      %dma_start3A_17 = tpu.memref_slice %arg10[%dma_start3A_15, %dma_start3A_16] : memref<120x128xi32, #tpu.memory_space<vmem>> -> memref<40x128xi32, #tpu.memory_space<vmem>>
      %dma_start3A_18 = arith.constant 120 : i32
      %dma_start3A_19 = arith.constant 0 : i32
      %dma_start3A_20 = tpu.memref_slice %arg5[%arg1, %dma_start3A_18, %dma_start3A_19] : memref<16x160x128xi32, #tpu.memory_space<hbm>> -> memref<1x40x128xi32, #tpu.memory_space<hbm>>
      %dma_start3A_21 = tpu.memref_squeeze %dma_start3A_20 : memref<1x40x128xi32, #tpu.memory_space<hbm>> -> memref<40x128xi32, #tpu.memory_space<hbm>>
      tpu.enqueue_dma source(%dma_start3A_21 : memref<40x128xi32, #tpu.memory_space<hbm>>) target(%dma_start3A_17 : memref<40x128xi32, #tpu.memory_space<vmem>>) target_semaphore(%arg32 : memref<!tpu.dma_semaphore, #tpu.memory_space<semaphore_mem>>)
      %dma_wait3A = arith.constant 0 : i32
      %dma_wait3A_22 = arith.constant 0 : i32
      %dma_wait3A_23 = tpu.memref_slice %arg10[%dma_wait3A, %dma_wait3A_22] : memref<120x128xi32, #tpu.memory_space<vmem>> -> memref<40x128xi32, #tpu.memory_space<vmem>>
      %dma_wait3A_24 = arith.constant 120 : i32
      %dma_wait3A_25 = arith.constant 0 : i32
      %dma_wait3A_26 = tpu.memref_slice %arg5[%arg1, %dma_wait3A_24, %dma_wait3A_25] : memref<16x160x128xi32, #tpu.memory_space<hbm>> -> memref<1x40x128xi32, #tpu.memory_space<hbm>>
      %dma_wait3A_27 = tpu.memref_squeeze %dma_wait3A_26 : memref<1x40x128xi32, #tpu.memory_space<hbm>> -> memref<40x128xi32, #tpu.memory_space<hbm>>
      %dma_wait3A_28 = arith.constant 0 : i32
      %dma_wait3A_29 = arith.constant 0 : i32
      %dma_wait3A_30 = tpu.memref_slice %arg10[%dma_wait3A_28, %dma_wait3A_29] : memref<120x128xi32, #tpu.memory_space<vmem>> -> memref<40x128xi32, #tpu.memory_space<vmem>>
      %dma_wait3A_31 = arith.constant 120 : i32
      %dma_wait3A_32 = arith.constant 0 : i32
      %dma_wait3A_33 = tpu.memref_slice %arg5[%arg1, %dma_wait3A_31, %dma_wait3A_32] : memref<16x160x128xi32, #tpu.memory_space<hbm>> -> memref<1x40x128xi32, #tpu.memory_space<hbm>>
      %dma_wait3A_34 = tpu.memref_squeeze %dma_wait3A_33 : memref<1x40x128xi32, #tpu.memory_space<hbm>> -> memref<40x128xi32, #tpu.memory_space<hbm>>
      tpu.wait_dma2 semaphore(%arg32 : memref<!tpu.dma_semaphore, #tpu.memory_space<semaphore_mem>>) src(%dma_wait3A_34 : memref<40x128xi32, #tpu.memory_space<hbm>>) dst(%dma_wait3A_30 : memref<40x128xi32, #tpu.memory_space<vmem>>)
      %dma_start3A_35 = arith.constant 0 : i32
      %dma_start3A_36 = arith.constant 0 : i32
      %dma_start3A_37 = tpu.memref_slice %arg11[%dma_start3A_35, %dma_start3A_36] : memref<120x128xi32, #tpu.memory_space<vmem>> -> memref<40x128xi32, #tpu.memory_space<vmem>>
      %dma_start3A_38 = arith.constant 120 : i32
      %dma_start3A_39 = arith.constant 0 : i32
      %dma_start3A_40 = tpu.memref_slice %arg6[%arg1, %dma_start3A_38, %dma_start3A_39] : memref<16x160x128xi32, #tpu.memory_space<hbm>> -> memref<1x40x128xi32, #tpu.memory_space<hbm>>
      %dma_start3A_41 = tpu.memref_squeeze %dma_start3A_40 : memref<1x40x128xi32, #tpu.memory_space<hbm>> -> memref<40x128xi32, #tpu.memory_space<hbm>>
      %dma_start3A_42 = arith.constant 0 : i32
      %dma_start3A_43 = arith.constant 0 : i32
      %dma_start3A_44 = tpu.memref_slice %arg11[%dma_start3A_42, %dma_start3A_43] : memref<120x128xi32, #tpu.memory_space<vmem>> -> memref<40x128xi32, #tpu.memory_space<vmem>>
      %dma_start3A_45 = arith.constant 120 : i32
      %dma_start3A_46 = arith.constant 0 : i32
      %dma_start3A_47 = tpu.memref_slice %arg6[%arg1, %dma_start3A_45, %dma_start3A_46] : memref<16x160x128xi32, #tpu.memory_space<hbm>> -> memref<1x40x128xi32, #tpu.memory_space<hbm>>
      %dma_start3A_48 = tpu.memref_squeeze %dma_start3A_47 : memref<1x40x128xi32, #tpu.memory_space<hbm>> -> memref<40x128xi32, #tpu.memory_space<hbm>>
      tpu.enqueue_dma source(%dma_start3A_48 : memref<40x128xi32, #tpu.memory_space<hbm>>) target(%dma_start3A_44 : memref<40x128xi32, #tpu.memory_space<vmem>>) target_semaphore(%arg32 : memref<!tpu.dma_semaphore, #tpu.memory_space<semaphore_mem>>)
      %dma_wait3A_49 = arith.constant 0 : i32
      %dma_wait3A_50 = arith.constant 0 : i32
      %dma_wait3A_51 = tpu.memref_slice %arg11[%dma_wait3A_49, %dma_wait3A_50] : memref<120x128xi32, #tpu.memory_space<vmem>> -> memref<40x128xi32, #tpu.memory_space<vmem>>
      %dma_wait3A_52 = arith.constant 120 : i32
      %dma_wait3A_53 = arith.constant 0 : i32
      %dma_wait3A_54 = tpu.memref_slice %arg6[%arg1, %dma_wait3A_52, %dma_wait3A_53] : memref<16x160x128xi32, #tpu.memory_space<hbm>> -> memref<1x40x128xi32, #tpu.memory_space<hbm>>
      %dma_wait3A_55 = tpu.memref_squeeze %dma_wait3A_54 : memref<1x40x128xi32, #tpu.memory_space<hbm>> -> memref<40x128xi32, #tpu.memory_space<hbm>>
      %dma_wait3A_56 = arith.constant 0 : i32
      %dma_wait3A_57 = arith.constant 0 : i32
      %dma_wait3A_58 = tpu.memref_slice %arg11[%dma_wait3A_56, %dma_wait3A_57] : memref<120x128xi32, #tpu.memory_space<vmem>> -> memref<40x128xi32, #tpu.memory_space<vmem>>
      %dma_wait3A_59 = arith.constant 120 : i32
      %dma_wait3A_60 = arith.constant 0 : i32
      %dma_wait3A_61 = tpu.memref_slice %arg6[%arg1, %dma_wait3A_59, %dma_wait3A_60] : memref<16x160x128xi32, #tpu.memory_space<hbm>> -> memref<1x40x128xi32, #tpu.memory_space<hbm>>
      %dma_wait3A_62 = tpu.memref_squeeze %dma_wait3A_61 : memref<1x40x128xi32, #tpu.memory_space<hbm>> -> memref<40x128xi32, #tpu.memory_space<hbm>>
      tpu.wait_dma2 semaphore(%arg32 : memref<!tpu.dma_semaphore, #tpu.memory_space<semaphore_mem>>) src(%dma_wait3A_62 : memref<40x128xi32, #tpu.memory_space<hbm>>) dst(%dma_wait3A_58 : memref<40x128xi32, #tpu.memory_space<vmem>>)
      %dma_start3A_63 = arith.constant 0 : i32
      %dma_start3A_64 = arith.constant 0 : i32
      %dma_start3A_65 = tpu.memref_slice %arg10[%dma_start3A_63, %dma_start3A_64] : memref<120x128xi32, #tpu.memory_space<vmem>> -> memref<1x128xi32, #tpu.memory_space<vmem>>
      %dma_start3A_66 = tpu.memref_squeeze %dma_start3A_65 : memref<1x128xi32, #tpu.memory_space<vmem>> -> memref<128xi32, #tpu.memory_space<vmem>>
      %dma_start3A_67 = arith.constant 0 : i32
      %dma_start3A_68 = arith.constant 0 : i32
      %dma_start3A_69 = tpu.memref_slice %arg2[%dma_start3A_67, %dma_start3A_68] : memref<10000x128xf32, #tpu.memory_space<hbm>> -> memref<10000x128xf32, #tpu.memory_space<hbm>>
      tpu.enqueue_indirect_dma source(%dma_start3A_69 : memref<10000x128xf32, #tpu.memory_space<hbm>>) target(%arg12 : memref<128x128xf32, #tpu.memory_space<vmem>>) offsets(%dma_start3A_66 : memref<128xi32, #tpu.memory_space<vmem>>) semaphore(%arg20 : memref<!tpu.dma_semaphore, #tpu.memory_space<semaphore_mem>>)
      %dma_start3A_70 = arith.constant 0 : i32
      %dma_start3A_71 = arith.constant 0 : i32
      %dma_start3A_72 = tpu.memref_slice %arg11[%dma_start3A_70, %dma_start3A_71] : memref<120x128xi32, #tpu.memory_space<vmem>> -> memref<1x128xi32, #tpu.memory_space<vmem>>
      %dma_start3A_73 = tpu.memref_squeeze %dma_start3A_72 : memref<1x128xi32, #tpu.memory_space<vmem>> -> memref<128xi32, #tpu.memory_space<vmem>>
      %dma_start3A_74 = arith.constant 0 : i32
      %dma_start3A_75 = arith.constant 0 : i32
      %dma_start3A_76 = tpu.memref_slice %arg3[%dma_start3A_74, %dma_start3A_75] : memref<10000x128xf32, #tpu.memory_space<hbm>> -> memref<10000x128xf32, #tpu.memory_space<hbm>>
      tpu.enqueue_indirect_dma source(%dma_start3A_76 : memref<10000x128xf32, #tpu.memory_space<hbm>>) target(%arg13 : memref<128x128xf32, #tpu.memory_space<vmem>>) offsets(%dma_start3A_73 : memref<128xi32, #tpu.memory_space<vmem>>) semaphore(%arg21 : memref<!tpu.dma_semaphore, #tpu.memory_space<semaphore_mem>>)
      %dma_start3A_77 = arith.constant 0 : i32
      %dma_start3A_78 = arith.constant 0 : i32
      %dma_start3A_79 = tpu.memref_slice %arg10[%dma_start3A_77, %dma_start3A_78] : memref<120x128xi32, #tpu.memory_space<vmem>> -> memref<1x128xi32, #tpu.memory_space<vmem>>
      %dma_start3A_80 = tpu.memref_squeeze %dma_start3A_79 : memref<1x128xi32, #tpu.memory_space<vmem>> -> memref<128xi32, #tpu.memory_space<vmem>>
      %dma_start3A_81 = arith.constant 0 : i32
      %dma_start3A_82 = arith.constant 0 : i32
      %dma_start3A_83 = tpu.memref_slice %arg4[%dma_start3A_81, %dma_start3A_82] : memref<10000x16xf32, #tpu.memory_space<hbm>> -> memref<10000x16xf32, #tpu.memory_space<hbm>>
      tpu.enqueue_indirect_dma source(%dma_start3A_83 : memref<10000x16xf32, #tpu.memory_space<hbm>>) target(%arg14 : memref<128x16xf32, #tpu.memory_space<vmem>>) offsets(%dma_start3A_80 : memref<128xi32, #tpu.memory_space<vmem>>) semaphore(%arg22 : memref<!tpu.dma_semaphore, #tpu.memory_space<semaphore_mem>>)
      %dma_start3A_84 = arith.constant 0 : i32
      %dma_start3A_85 = arith.constant 0 : i32
      %dma_start3A_86 = tpu.memref_slice %arg11[%dma_start3A_84, %dma_start3A_85] : memref<120x128xi32, #tpu.memory_space<vmem>> -> memref<1x128xi32, #tpu.memory_space<vmem>>
      %dma_start3A_87 = tpu.memref_squeeze %dma_start3A_86 : memref<1x128xi32, #tpu.memory_space<vmem>> -> memref<128xi32, #tpu.memory_space<vmem>>
      %dma_start3A_88 = arith.constant 0 : i32
      %dma_start3A_89 = arith.constant 0 : i32
      %dma_start3A_90 = tpu.memref_slice %arg4[%dma_start3A_88, %dma_start3A_89] : memref<10000x16xf32, #tpu.memory_space<hbm>> -> memref<10000x16xf32, #tpu.memory_space<hbm>>
      tpu.enqueue_indirect_dma source(%dma_start3A_90 : memref<10000x16xf32, #tpu.memory_space<hbm>>) target(%arg15 : memref<128x16xf32, #tpu.memory_space<vmem>>) offsets(%dma_start3A_87 : memref<128xi32, #tpu.memory_space<vmem>>) semaphore(%arg23 : memref<!tpu.dma_semaphore, #tpu.memory_space<semaphore_mem>>)
      %dma_start3A_91 = arith.constant 1 : i32
      %dma_start3A_92 = arith.constant 0 : i32
      %dma_start3A_93 = tpu.memref_slice %arg10[%dma_start3A_91, %dma_start3A_92] : memref<120x128xi32, #tpu.memory_space<vmem>> -> memref<1x128xi32, #tpu.memory_space<vmem>>
      %dma_start3A_94 = tpu.memref_squeeze %dma_start3A_93 : memref<1x128xi32, #tpu.memory_space<vmem>> -> memref<128xi32, #tpu.memory_space<vmem>>
      %dma_start3A_95 = arith.constant 0 : i32
      %dma_start3A_96 = arith.constant 0 : i32
      %dma_start3A_97 = tpu.memref_slice %arg2[%dma_start3A_95, %dma_start3A_96] : memref<10000x128xf32, #tpu.memory_space<hbm>> -> memref<10000x128xf32, #tpu.memory_space<hbm>>
      tpu.enqueue_indirect_dma source(%dma_start3A_97 : memref<10000x128xf32, #tpu.memory_space<hbm>>) target(%arg16 : memref<128x128xf32, #tpu.memory_space<vmem>>) offsets(%dma_start3A_94 : memref<128xi32, #tpu.memory_space<vmem>>) semaphore(%arg24 : memref<!tpu.dma_semaphore, #tpu.memory_space<semaphore_mem>>)
      %dma_start3A_98 = arith.constant 1 : i32
      %dma_start3A_99 = arith.constant 0 : i32
      %dma_start3A_100 = tpu.memref_slice %arg11[%dma_start3A_98, %dma_start3A_99] : memref<120x128xi32, #tpu.memory_space<vmem>> -> memref<1x128xi32, #tpu.memory_space<vmem>>
      %dma_start3A_101 = tpu.memref_squeeze %dma_start3A_100 : memref<1x128xi32, #tpu.memory_space<vmem>> -> memref<128xi32, #tpu.memory_space<vmem>>
      %dma_start3A_102 = arith.constant 0 : i32
      %dma_start3A_103 = arith.constant 0 : i32
      %dma_start3A_104 = tpu.memref_slice %arg3[%dma_start3A_102, %dma_start3A_103] : memref<10000x128xf32, #tpu.memory_space<hbm>> -> memref<10000x128xf32, #tpu.memory_space<hbm>>
      tpu.enqueue_indirect_dma source(%dma_start3A_104 : memref<10000x128xf32, #tpu.memory_space<hbm>>) target(%arg17 : memref<128x128xf32, #tpu.memory_space<vmem>>) offsets(%dma_start3A_101 : memref<128xi32, #tpu.memory_space<vmem>>) semaphore(%arg25 : memref<!tpu.dma_semaphore, #tpu.memory_space<semaphore_mem>>)
      %dma_start3A_105 = arith.constant 1 : i32
      %dma_start3A_106 = arith.constant 0 : i32
      %dma_start3A_107 = tpu.memref_slice %arg10[%dma_start3A_105, %dma_start3A_106] : memref<120x128xi32, #tpu.memory_space<vmem>> -> memref<1x128xi32, #tpu.memory_space<vmem>>
      %dma_start3A_108 = tpu.memref_squeeze %dma_start3A_107 : memref<1x128xi32, #tpu.memory_space<vmem>> -> memref<128xi32, #tpu.memory_space<vmem>>
      %dma_start3A_109 = arith.constant 0 : i32
      %dma_start3A_110 = arith.constant 0 : i32
      %dma_start3A_111 = tpu.memref_slice %arg4[%dma_start3A_109, %dma_start3A_110] : memref<10000x16xf32, #tpu.memory_space<hbm>> -> memref<10000x16xf32, #tpu.memory_space<hbm>>
      tpu.enqueue_indirect_dma source(%dma_start3A_111 : memref<10000x16xf32, #tpu.memory_space<hbm>>) target(%arg18 : memref<128x16xf32, #tpu.memory_space<vmem>>) offsets(%dma_start3A_108 : memref<128xi32, #tpu.memory_space<vmem>>) semaphore(%arg26 : memref<!tpu.dma_semaphore, #tpu.memory_space<semaphore_mem>>)
      %dma_start3A_112 = arith.constant 1 : i32
      %dma_start3A_113 = arith.constant 0 : i32
      %dma_start3A_114 = tpu.memref_slice %arg11[%dma_start3A_112, %dma_start3A_113] : memref<120x128xi32, #tpu.memory_space<vmem>> -> memref<1x128xi32, #tpu.memory_space<vmem>>
      %dma_start3A_115 = tpu.memref_squeeze %dma_start3A_114 : memref<1x128xi32, #tpu.memory_space<vmem>> -> memref<128xi32, #tpu.memory_space<vmem>>
      %dma_start3A_116 = arith.constant 0 : i32
      %dma_start3A_117 = arith.constant 0 : i32
      %dma_start3A_118 = tpu.memref_slice %arg4[%dma_start3A_116, %dma_start3A_117] : memref<10000x16xf32, #tpu.memory_space<hbm>> -> memref<10000x16xf32, #tpu.memory_space<hbm>>
      tpu.enqueue_indirect_dma source(%dma_start3A_118 : memref<10000x16xf32, #tpu.memory_space<hbm>>) target(%arg19 : memref<128x16xf32, #tpu.memory_space<vmem>>) offsets(%dma_start3A_115 : memref<128xi32, #tpu.memory_space<vmem>>) semaphore(%arg27 : memref<!tpu.dma_semaphore, #tpu.memory_space<semaphore_mem>>)
      %dma_wait3A_119 = arith.constant 0 : i32
      %dma_wait3A_120 = arith.constant 0 : i32
      %dma_wait3A_121 = tpu.memref_slice %arg10[%dma_wait3A_119, %dma_wait3A_120] : memref<120x128xi32, #tpu.memory_space<vmem>> -> memref<1x128xi32, #tpu.memory_space<vmem>>
      %dma_wait3A_122 = tpu.memref_squeeze %dma_wait3A_121 : memref<1x128xi32, #tpu.memory_space<vmem>> -> memref<128xi32, #tpu.memory_space<vmem>>
      %dma_wait3A_123 = arith.constant 0 : i32
      %dma_wait3A_124 = arith.constant 0 : i32
      %dma_wait3A_125 = tpu.memref_slice %arg2[%dma_wait3A_123, %dma_wait3A_124] : memref<10000x128xf32, #tpu.memory_space<hbm>> -> memref<10000x128xf32, #tpu.memory_space<hbm>>
      tpu.wait_indirect_dma semaphore(%arg20 : memref<!tpu.dma_semaphore, #tpu.memory_space<semaphore_mem>>) src(%dma_wait3A_125 : memref<10000x128xf32, #tpu.memory_space<hbm>>) dst(%arg12 : memref<128x128xf32, #tpu.memory_space<vmem>>)
      %dma_wait3A_126 = arith.constant 0 : i32
      %dma_wait3A_127 = arith.constant 0 : i32
      %dma_wait3A_128 = tpu.memref_slice %arg11[%dma_wait3A_126, %dma_wait3A_127] : memref<120x128xi32, #tpu.memory_space<vmem>> -> memref<1x128xi32, #tpu.memory_space<vmem>>
      %dma_wait3A_129 = tpu.memref_squeeze %dma_wait3A_128 : memref<1x128xi32, #tpu.memory_space<vmem>> -> memref<128xi32, #tpu.memory_space<vmem>>
      %dma_wait3A_130 = arith.constant 0 : i32
      %dma_wait3A_131 = arith.constant 0 : i32
      %dma_wait3A_132 = tpu.memref_slice %arg3[%dma_wait3A_130, %dma_wait3A_131] : memref<10000x128xf32, #tpu.memory_space<hbm>> -> memref<10000x128xf32, #tpu.memory_space<hbm>>
      tpu.wait_indirect_dma semaphore(%arg21 : memref<!tpu.dma_semaphore, #tpu.memory_space<semaphore_mem>>) src(%dma_wait3A_132 : memref<10000x128xf32, #tpu.memory_space<hbm>>) dst(%arg13 : memref<128x128xf32, #tpu.memory_space<vmem>>)
      %dma_wait3A_133 = arith.constant 0 : i32
      %dma_wait3A_134 = arith.constant 0 : i32
      %dma_wait3A_135 = tpu.memref_slice %arg10[%dma_wait3A_133, %dma_wait3A_134] : memref<120x128xi32, #tpu.memory_space<vmem>> -> memref<1x128xi32, #tpu.memory_space<vmem>>
      %dma_wait3A_136 = tpu.memref_squeeze %dma_wait3A_135 : memref<1x128xi32, #tpu.memory_space<vmem>> -> memref<128xi32, #tpu.memory_space<vmem>>
      %dma_wait3A_137 = arith.constant 0 : i32
      %dma_wait3A_138 = arith.constant 0 : i32
      %dma_wait3A_139 = tpu.memref_slice %arg4[%dma_wait3A_137, %dma_wait3A_138] : memref<10000x16xf32, #tpu.memory_space<hbm>> -> memref<10000x16xf32, #tpu.memory_space<hbm>>
      tpu.wait_indirect_dma semaphore(%arg22 : memref<!tpu.dma_semaphore, #tpu.memory_space<semaphore_mem>>) src(%dma_wait3A_139 : memref<10000x16xf32, #tpu.memory_space<hbm>>) dst(%arg14 : memref<128x16xf32, #tpu.memory_space<vmem>>)
      %dma_wait3A_140 = arith.constant 0 : i32
      %dma_wait3A_141 = arith.constant 0 : i32
      %dma_wait3A_142 = tpu.memref_slice %arg11[%dma_wait3A_140, %dma_wait3A_141] : memref<120x128xi32, #tpu.memory_space<vmem>> -> memref<1x128xi32, #tpu.memory_space<vmem>>
      %dma_wait3A_143 = tpu.memref_squeeze %dma_wait3A_142 : memref<1x128xi32, #tpu.memory_space<vmem>> -> memref<128xi32, #tpu.memory_space<vmem>>
      %dma_wait3A_144 = arith.constant 0 : i32
      %dma_wait3A_145 = arith.constant 0 : i32
      %dma_wait3A_146 = tpu.memref_slice %arg4[%dma_wait3A_144, %dma_wait3A_145] : memref<10000x16xf32, #tpu.memory_space<hbm>> -> memref<10000x16xf32, #tpu.memory_space<hbm>>
      tpu.wait_indirect_dma semaphore(%arg23 : memref<!tpu.dma_semaphore, #tpu.memory_space<semaphore_mem>>) src(%dma_wait3A_146 : memref<10000x16xf32, #tpu.memory_space<hbm>>) dst(%arg15 : memref<128x16xf32, #tpu.memory_space<vmem>>)
      %add3A_147 = arith.constant 0 : i32
      %add3A_148 = arith.addi %add3A_8, %add3A_147 : i32
      %dma_start3A_149 = arith.constant 0 : i32
      %dma_start3A_150 = tpu.memref_slice %arg7[%add3A_148, %dma_start3A_149] : memref<327680x128xf32, #tpu.memory_space<hbm>> -> memref<128x128xf32, #tpu.memory_space<hbm>>
      %dma_start3A_151 = arith.constant 0 : i32
      %dma_start3A_152 = tpu.memref_slice %arg7[%add3A_148, %dma_start3A_151] : memref<327680x128xf32, #tpu.memory_space<hbm>> -> memref<128x128xf32, #tpu.memory_space<hbm>>
      tpu.enqueue_dma source(%arg12 : memref<128x128xf32, #tpu.memory_space<vmem>>) target(%dma_start3A_152 : memref<128x128xf32, #tpu.memory_space<hbm>>) target_semaphore(%arg28 : memref<!tpu.dma_semaphore, #tpu.memory_space<semaphore_mem>>)
      %dma_start3A_153 = arith.constant 0 : i32
      %dma_start3A_154 = tpu.memref_slice %arg8[%add3A_148, %dma_start3A_153] : memref<327680x128xf32, #tpu.memory_space<hbm>> -> memref<128x128xf32, #tpu.memory_space<hbm>>
      %dma_start3A_155 = arith.constant 0 : i32
      %dma_start3A_156 = tpu.memref_slice %arg8[%add3A_148, %dma_start3A_155] : memref<327680x128xf32, #tpu.memory_space<hbm>> -> memref<128x128xf32, #tpu.memory_space<hbm>>
      tpu.enqueue_dma source(%arg13 : memref<128x128xf32, #tpu.memory_space<vmem>>) target(%dma_start3A_156 : memref<128x128xf32, #tpu.memory_space<hbm>>) target_semaphore(%arg28 : memref<!tpu.dma_semaphore, #tpu.memory_space<semaphore_mem>>)
      %dma_start3A_157 = arith.constant 0 : i32
      %dma_start3A_158 = tpu.memref_slice %arg9[%add3A_148, %dma_start3A_157] : memref<327680x128xf32, #tpu.memory_space<hbm>> -> memref<128x16xf32, #tpu.memory_space<hbm>>
      %dma_start3A_159 = arith.constant 0 : i32
      %dma_start3A_160 = tpu.memref_slice %arg9[%add3A_148, %dma_start3A_159] : memref<327680x128xf32, #tpu.memory_space<hbm>> -> memref<128x16xf32, #tpu.memory_space<hbm>>
      tpu.enqueue_dma source(%arg14 : memref<128x16xf32, #tpu.memory_space<vmem>>) target(%dma_start3A_160 : memref<128x16xf32, #tpu.memory_space<hbm>>) target_semaphore(%arg29 : memref<!tpu.dma_semaphore, #tpu.memory_space<semaphore_mem>>)
      %dma_start3A_161 = arith.constant 16 : i32
      %dma_start3A_162 = tpu.memref_slice %arg9[%add3A_148, %dma_start3A_161] : memref<327680x128xf32, #tpu.memory_space<hbm>> -> memref<128x16xf32, #tpu.memory_space<hbm>>
      %dma_start3A_163 = arith.constant 16 : i32
      %dma_start3A_164 = tpu.memref_slice %arg9[%add3A_148, %dma_start3A_163] : memref<327680x128xf32, #tpu.memory_space<hbm>> -> memref<128x16xf32, #tpu.memory_space<hbm>>
      tpu.enqueue_dma source(%arg15 : memref<128x16xf32, #tpu.memory_space<vmem>>) target(%dma_start3A_164 : memref<128x16xf32, #tpu.memory_space<hbm>>) target_semaphore(%arg29 : memref<!tpu.dma_semaphore, #tpu.memory_space<semaphore_mem>>)
      %dma_wait3A_165 = arith.constant 1 : i32
      %dma_wait3A_166 = arith.constant 0 : i32
      %dma_wait3A_167 = tpu.memref_slice %arg10[%dma_wait3A_165, %dma_wait3A_166] : memref<120x128xi32, #tpu.memory_space<vmem>> -> memref<1x128xi32, #tpu.memory_space<vmem>>
      %dma_wait3A_168 = tpu.memref_squeeze %dma_wait3A_167 : memref<1x128xi32, #tpu.memory_space<vmem>> -> memref<128xi32, #tpu.memory_space<vmem>>
      %dma_wait3A_169 = arith.constant 0 : i32
      %dma_wait3A_170 = arith.constant 0 : i32
      %dma_wait3A_171 = tpu.memref_slice %arg2[%dma_wait3A_169, %dma_wait3A_170] : memref<10000x128xf32, #tpu.memory_space<hbm>> -> memref<10000x128xf32, #tpu.memory_space<hbm>>
      tpu.wait_indirect_dma semaphore(%arg24 : memref<!tpu.dma_semaphore, #tpu.memory_space<semaphore_mem>>) src(%dma_wait3A_171 : memref<10000x128xf32, #tpu.memory_space<hbm>>) dst(%arg16 : memref<128x128xf32, #tpu.memory_space<vmem>>)
      %dma_wait3A_172 = arith.constant 1 : i32
      %dma_wait3A_173 = arith.constant 0 : i32
      %dma_wait3A_174 = tpu.memref_slice %arg11[%dma_wait3A_172, %dma_wait3A_173] : memref<120x128xi32, #tpu.memory_space<vmem>> -> memref<1x128xi32, #tpu.memory_space<vmem>>
      %dma_wait3A_175 = tpu.memref_squeeze %dma_wait3A_174 : memref<1x128xi32, #tpu.memory_space<vmem>> -> memref<128xi32, #tpu.memory_space<vmem>>
      %dma_wait3A_176 = arith.constant 0 : i32
      %dma_wait3A_177 = arith.constant 0 : i32
      %dma_wait3A_178 = tpu.memref_slice %arg3[%dma_wait3A_176, %dma_wait3A_177] : memref<10000x128xf32, #tpu.memory_space<hbm>> -> memref<10000x128xf32, #tpu.memory_space<hbm>>
      tpu.wait_indirect_dma semaphore(%arg25 : memref<!tpu.dma_semaphore, #tpu.memory_space<semaphore_mem>>) src(%dma_wait3A_178 : memref<10000x128xf32, #tpu.memory_space<hbm>>) dst(%arg17 : memref<128x128xf32, #tpu.memory_space<vmem>>)
      %dma_wait3A_179 = arith.constant 1 : i32
      %dma_wait3A_180 = arith.constant 0 : i32
      %dma_wait3A_181 = tpu.memref_slice %arg10[%dma_wait3A_179, %dma_wait3A_180] : memref<120x128xi32, #tpu.memory_space<vmem>> -> memref<1x128xi32, #tpu.memory_space<vmem>>
      %dma_wait3A_182 = tpu.memref_squeeze %dma_wait3A_181 : memref<1x128xi32, #tpu.memory_space<vmem>> -> memref<128xi32, #tpu.memory_space<vmem>>
      %dma_wait3A_183 = arith.constant 0 : i32
      %dma_wait3A_184 = arith.constant 0 : i32
      %dma_wait3A_185 = tpu.memref_slice %arg4[%dma_wait3A_183, %dma_wait3A_184] : memref<10000x16xf32, #tpu.memory_space<hbm>> -> memref<10000x16xf32, #tpu.memory_space<hbm>>
      tpu.wait_indirect_dma semaphore(%arg26 : memref<!tpu.dma_semaphore, #tpu.memory_space<semaphore_mem>>) src(%dma_wait3A_185 : memref<10000x16xf32, #tpu.memory_space<hbm>>) dst(%arg18 : memref<128x16xf32, #tpu.memory_space<vmem>>)
      %dma_wait3A_186 = arith.constant 1 : i32
      %dma_wait3A_187 = arith.constant 0 : i32
      %dma_wait3A_188 = tpu.memref_slice %arg11[%dma_wait3A_186, %dma_wait3A_187] : memref<120x128xi32, #tpu.memory_space<vmem>> -> memref<1x128xi32, #tpu.memory_space<vmem>>
      %dma_wait3A_189 = tpu.memref_squeeze %dma_wait3A_188 : memref<1x128xi32, #tpu.memory_space<vmem>> -> memref<128xi32, #tpu.memory_space<vmem>>
      %dma_wait3A_190 = arith.constant 0 : i32
      %dma_wait3A_191 = arith.constant 0 : i32
      %dma_wait3A_192 = tpu.memref_slice %arg4[%dma_wait3A_190, %dma_wait3A_191] : memref<10000x16xf32, #tpu.memory_space<hbm>> -> memref<10000x16xf32, #tpu.memory_space<hbm>>
      tpu.wait_indirect_dma semaphore(%arg27 : memref<!tpu.dma_semaphore, #tpu.memory_space<semaphore_mem>>) src(%dma_wait3A_192 : memref<10000x16xf32, #tpu.memory_space<hbm>>) dst(%arg19 : memref<128x16xf32, #tpu.memory_space<vmem>>)
      %add3A_193 = arith.constant 128 : i32
      %add3A_194 = arith.addi %add3A_8, %add3A_193 : i32
      %dma_start3A_195 = arith.constant 0 : i32
      %dma_start3A_196 = tpu.memref_slice %arg7[%add3A_194, %dma_start3A_195] : memref<327680x128xf32, #tpu.memory_space<hbm>> -> memref<128x128xf32, #tpu.memory_space<hbm>>
      %dma_start3A_197 = arith.constant 0 : i32
      %dma_start3A_198 = tpu.memref_slice %arg7[%add3A_194, %dma_start3A_197] : memref<327680x128xf32, #tpu.memory_space<hbm>> -> memref<128x128xf32, #tpu.memory_space<hbm>>
      tpu.enqueue_dma source(%arg16 : memref<128x128xf32, #tpu.memory_space<vmem>>) target(%dma_start3A_198 : memref<128x128xf32, #tpu.memory_space<hbm>>) target_semaphore(%arg30 : memref<!tpu.dma_semaphore, #tpu.memory_space<semaphore_mem>>)
      %dma_start3A_199 = arith.constant 0 : i32
      %dma_start3A_200 = tpu.memref_slice %arg8[%add3A_194, %dma_start3A_199] : memref<327680x128xf32, #tpu.memory_space<hbm>> -> memref<128x128xf32, #tpu.memory_space<hbm>>
      %dma_start3A_201 = arith.constant 0 : i32
      %dma_start3A_202 = tpu.memref_slice %arg8[%add3A_194, %dma_start3A_201] : memref<327680x128xf32, #tpu.memory_space<hbm>> -> memref<128x128xf32, #tpu.memory_space<hbm>>
      tpu.enqueue_dma source(%arg17 : memref<128x128xf32, #tpu.memory_space<vmem>>) target(%dma_start3A_202 : memref<128x128xf32, #tpu.memory_space<hbm>>) target_semaphore(%arg30 : memref<!tpu.dma_semaphore, #tpu.memory_space<semaphore_mem>>)
      %dma_start3A_203 = arith.constant 0 : i32
      %dma_start3A_204 = tpu.memref_slice %arg9[%add3A_194, %dma_start3A_203] : memref<327680x128xf32, #tpu.memory_space<hbm>> -> memref<128x16xf32, #tpu.memory_space<hbm>>
      %dma_start3A_205 = arith.constant 0 : i32
      %dma_start3A_206 = tpu.memref_slice %arg9[%add3A_194, %dma_start3A_205] : memref<327680x128xf32, #tpu.memory_space<hbm>> -> memref<128x16xf32, #tpu.memory_space<hbm>>
      tpu.enqueue_dma source(%arg18 : memref<128x16xf32, #tpu.memory_space<vmem>>) target(%dma_start3A_206 : memref<128x16xf32, #tpu.memory_space<hbm>>) target_semaphore(%arg31 : memref<!tpu.dma_semaphore, #tpu.memory_space<semaphore_mem>>)
      %dma_start3A_207 = arith.constant 16 : i32
      %dma_start3A_208 = tpu.memref_slice %arg9[%add3A_194, %dma_start3A_207] : memref<327680x128xf32, #tpu.memory_space<hbm>> -> memref<128x16xf32, #tpu.memory_space<hbm>>
      %dma_start3A_209 = arith.constant 16 : i32
      %dma_start3A_210 = tpu.memref_slice %arg9[%add3A_194, %dma_start3A_209] : memref<327680x128xf32, #tpu.memory_space<hbm>> -> memref<128x16xf32, #tpu.memory_space<hbm>>
      tpu.enqueue_dma source(%arg19 : memref<128x16xf32, #tpu.memory_space<vmem>>) target(%dma_start3A_210 : memref<128x16xf32, #tpu.memory_space<hbm>>) target_semaphore(%arg31 : memref<!tpu.dma_semaphore, #tpu.memory_space<semaphore_mem>>)
      %scan3A = arith.constant 0 : i32
      %scan3A_211 = arith.constant 19 : i32
      %scan3A_212 = arith.addi %scan3A, %scan3A_211 : i32
      %scan3A_213 = arith.constant 1 : i32
      scf.for %scan3A_251 = %scan3A to %scan3A_212 step %scan3A_213  : i32 {
        %mul3A_252 = arith.constant 1 : i32
        %mul3A_253 = arith.muli %scan3A_251, %mul3A_252 : i32
        %add3A_254 = arith.constant 1 : i32
        %add3A_255 = arith.addi %add3A_254, %mul3A_253 : i32
        %mul3A_256 = arith.constant 2 : i32
        %mul3A_257 = arith.muli %mul3A_256, %add3A_255 : i32
        %add3A_258 = arith.constant 0 : i32
        %add3A_259 = arith.addi %mul3A_257, %add3A_258 : i32
        %mul3A_260 = arith.constant 128 : i32
        %mul3A_261 = arith.muli %add3A_259, %mul3A_260 : i32
        %add3A_262 = arith.addi %add3A_8, %mul3A_261 : i32
        %dma_wait3A_263 = arith.constant 0 : i32
        %dma_wait3A_264 = tpu.memref_slice %arg7[%add3A_262, %dma_wait3A_263] : memref<327680x128xf32, #tpu.memory_space<hbm>> -> memref<128x128xf32, #tpu.memory_space<hbm>>
        %dma_wait3A_265 = arith.constant 0 : i32
        %dma_wait3A_266 = tpu.memref_slice %arg7[%add3A_262, %dma_wait3A_265] : memref<327680x128xf32, #tpu.memory_space<hbm>> -> memref<128x128xf32, #tpu.memory_space<hbm>>
        tpu.wait_dma2 semaphore(%arg28 : memref<!tpu.dma_semaphore, #tpu.memory_space<semaphore_mem>>) src(%arg12 : memref<128x128xf32, #tpu.memory_space<vmem>>) dst(%dma_wait3A_266 : memref<128x128xf32, #tpu.memory_space<hbm>>)
        %dma_wait3A_267 = arith.constant 0 : i32
        %dma_wait3A_268 = tpu.memref_slice %arg8[%add3A_262, %dma_wait3A_267] : memref<327680x128xf32, #tpu.memory_space<hbm>> -> memref<128x128xf32, #tpu.memory_space<hbm>>
        %dma_wait3A_269 = arith.constant 0 : i32
        %dma_wait3A_270 = tpu.memref_slice %arg8[%add3A_262, %dma_wait3A_269] : memref<327680x128xf32, #tpu.memory_space<hbm>> -> memref<128x128xf32, #tpu.memory_space<hbm>>
        tpu.wait_dma2 semaphore(%arg28 : memref<!tpu.dma_semaphore, #tpu.memory_space<semaphore_mem>>) src(%arg13 : memref<128x128xf32, #tpu.memory_space<vmem>>) dst(%dma_wait3A_270 : memref<128x128xf32, #tpu.memory_space<hbm>>)
        %dma_wait3A_271 = arith.constant 0 : i32
        %dma_wait3A_272 = tpu.memref_slice %arg9[%add3A_262, %dma_wait3A_271] : memref<327680x128xf32, #tpu.memory_space<hbm>> -> memref<128x16xf32, #tpu.memory_space<hbm>>
        %dma_wait3A_273 = arith.constant 0 : i32
        %dma_wait3A_274 = tpu.memref_slice %arg9[%add3A_262, %dma_wait3A_273] : memref<327680x128xf32, #tpu.memory_space<hbm>> -> memref<128x16xf32, #tpu.memory_space<hbm>>
        tpu.wait_dma2 semaphore(%arg29 : memref<!tpu.dma_semaphore, #tpu.memory_space<semaphore_mem>>) src(%arg14 : memref<128x16xf32, #tpu.memory_space<vmem>>) dst(%dma_wait3A_274 : memref<128x16xf32, #tpu.memory_space<hbm>>)
        %dma_wait3A_275 = arith.constant 16 : i32
        %dma_wait3A_276 = tpu.memref_slice %arg9[%add3A_262, %dma_wait3A_275] : memref<327680x128xf32, #tpu.memory_space<hbm>> -> memref<128x16xf32, #tpu.memory_space<hbm>>
        %dma_wait3A_277 = arith.constant 16 : i32
        %dma_wait3A_278 = tpu.memref_slice %arg9[%add3A_262, %dma_wait3A_277] : memref<327680x128xf32, #tpu.memory_space<hbm>> -> memref<128x16xf32, #tpu.memory_space<hbm>>
        tpu.wait_dma2 semaphore(%arg29 : memref<!tpu.dma_semaphore, #tpu.memory_space<semaphore_mem>>) src(%arg15 : memref<128x16xf32, #tpu.memory_space<vmem>>) dst(%dma_wait3A_278 : memref<128x16xf32, #tpu.memory_space<hbm>>)
        %dma_start3A_279 = arith.constant 0 : i32
        %dma_start3A_280 = tpu.memref_slice %arg10[%add3A_259, %dma_start3A_279] : memref<120x128xi32, #tpu.memory_space<vmem>> -> memref<1x128xi32, #tpu.memory_space<vmem>>
        %dma_start3A_281 = tpu.memref_squeeze %dma_start3A_280 : memref<1x128xi32, #tpu.memory_space<vmem>> -> memref<128xi32, #tpu.memory_space<vmem>>
        %dma_start3A_282 = arith.constant 0 : i32
        %dma_start3A_283 = arith.constant 0 : i32
        %dma_start3A_284 = tpu.memref_slice %arg2[%dma_start3A_282, %dma_start3A_283] : memref<10000x128xf32, #tpu.memory_space<hbm>> -> memref<10000x128xf32, #tpu.memory_space<hbm>>
        tpu.enqueue_indirect_dma source(%dma_start3A_284 : memref<10000x128xf32, #tpu.memory_space<hbm>>) target(%arg12 : memref<128x128xf32, #tpu.memory_space<vmem>>) offsets(%dma_start3A_281 : memref<128xi32, #tpu.memory_space<vmem>>) semaphore(%arg20 : memref<!tpu.dma_semaphore, #tpu.memory_space<semaphore_mem>>)
        %dma_start3A_285 = arith.constant 0 : i32
        %dma_start3A_286 = tpu.memref_slice %arg11[%add3A_259, %dma_start3A_285] : memref<120x128xi32, #tpu.memory_space<vmem>> -> memref<1x128xi32, #tpu.memory_space<vmem>>
        %dma_start3A_287 = tpu.memref_squeeze %dma_start3A_286 : memref<1x128xi32, #tpu.memory_space<vmem>> -> memref<128xi32, #tpu.memory_space<vmem>>
        %dma_start3A_288 = arith.constant 0 : i32
        %dma_start3A_289 = arith.constant 0 : i32
        %dma_start3A_290 = tpu.memref_slice %arg3[%dma_start3A_288, %dma_start3A_289] : memref<10000x128xf32, #tpu.memory_space<hbm>> -> memref<10000x128xf32, #tpu.memory_space<hbm>>
        tpu.enqueue_indirect_dma source(%dma_start3A_290 : memref<10000x128xf32, #tpu.memory_space<hbm>>) target(%arg13 : memref<128x128xf32, #tpu.memory_space<vmem>>) offsets(%dma_start3A_287 : memref<128xi32, #tpu.memory_space<vmem>>) semaphore(%arg21 : memref<!tpu.dma_semaphore, #tpu.memory_space<semaphore_mem>>)
        %dma_start3A_291 = arith.constant 0 : i32
        %dma_start3A_292 = tpu.memref_slice %arg10[%add3A_259, %dma_start3A_291] : memref<120x128xi32, #tpu.memory_space<vmem>> -> memref<1x128xi32, #tpu.memory_space<vmem>>
        %dma_start3A_293 = tpu.memref_squeeze %dma_start3A_292 : memref<1x128xi32, #tpu.memory_space<vmem>> -> memref<128xi32, #tpu.memory_space<vmem>>
        %dma_start3A_294 = arith.constant 0 : i32
        %dma_start3A_295 = arith.constant 0 : i32
        %dma_start3A_296 = tpu.memref_slice %arg4[%dma_start3A_294, %dma_start3A_295] : memref<10000x16xf32, #tpu.memory_space<hbm>> -> memref<10000x16xf32, #tpu.memory_space<hbm>>
        tpu.enqueue_indirect_dma source(%dma_start3A_296 : memref<10000x16xf32, #tpu.memory_space<hbm>>) target(%arg14 : memref<128x16xf32, #tpu.memory_space<vmem>>) offsets(%dma_start3A_293 : memref<128xi32, #tpu.memory_space<vmem>>) semaphore(%arg22 : memref<!tpu.dma_semaphore, #tpu.memory_space<semaphore_mem>>)
        %dma_start3A_297 = arith.constant 0 : i32
        %dma_start3A_298 = tpu.memref_slice %arg11[%add3A_259, %dma_start3A_297] : memref<120x128xi32, #tpu.memory_space<vmem>> -> memref<1x128xi32, #tpu.memory_space<vmem>>
        %dma_start3A_299 = tpu.memref_squeeze %dma_start3A_298 : memref<1x128xi32, #tpu.memory_space<vmem>> -> memref<128xi32, #tpu.memory_space<vmem>>
        %dma_start3A_300 = arith.constant 0 : i32
        %dma_start3A_301 = arith.constant 0 : i32
        %dma_start3A_302 = tpu.memref_slice %arg4[%dma_start3A_300, %dma_start3A_301] : memref<10000x16xf32, #tpu.memory_space<hbm>> -> memref<10000x16xf32, #tpu.memory_space<hbm>>
        tpu.enqueue_indirect_dma source(%dma_start3A_302 : memref<10000x16xf32, #tpu.memory_space<hbm>>) target(%arg15 : memref<128x16xf32, #tpu.memory_space<vmem>>) offsets(%dma_start3A_299 : memref<128xi32, #tpu.memory_space<vmem>>) semaphore(%arg23 : memref<!tpu.dma_semaphore, #tpu.memory_space<semaphore_mem>>)
        %dma_wait3A_303 = arith.constant 0 : i32
        %dma_wait3A_304 = tpu.memref_slice %arg10[%add3A_259, %dma_wait3A_303] : memref<120x128xi32, #tpu.memory_space<vmem>> -> memref<1x128xi32, #tpu.memory_space<vmem>>
        %dma_wait3A_305 = tpu.memref_squeeze %dma_wait3A_304 : memref<1x128xi32, #tpu.memory_space<vmem>> -> memref<128xi32, #tpu.memory_space<vmem>>
        %dma_wait3A_306 = arith.constant 0 : i32
        %dma_wait3A_307 = arith.constant 0 : i32
        %dma_wait3A_308 = tpu.memref_slice %arg2[%dma_wait3A_306, %dma_wait3A_307] : memref<10000x128xf32, #tpu.memory_space<hbm>> -> memref<10000x128xf32, #tpu.memory_space<hbm>>
        tpu.wait_indirect_dma semaphore(%arg20 : memref<!tpu.dma_semaphore, #tpu.memory_space<semaphore_mem>>) src(%dma_wait3A_308 : memref<10000x128xf32, #tpu.memory_space<hbm>>) dst(%arg12 : memref<128x128xf32, #tpu.memory_space<vmem>>)
        %dma_wait3A_309 = arith.constant 0 : i32
        %dma_wait3A_310 = tpu.memref_slice %arg11[%add3A_259, %dma_wait3A_309] : memref<120x128xi32, #tpu.memory_space<vmem>> -> memref<1x128xi32, #tpu.memory_space<vmem>>
        %dma_wait3A_311 = tpu.memref_squeeze %dma_wait3A_310 : memref<1x128xi32, #tpu.memory_space<vmem>> -> memref<128xi32, #tpu.memory_space<vmem>>
        %dma_wait3A_312 = arith.constant 0 : i32
        %dma_wait3A_313 = arith.constant 0 : i32
        %dma_wait3A_314 = tpu.memref_slice %arg3[%dma_wait3A_312, %dma_wait3A_313] : memref<10000x128xf32, #tpu.memory_space<hbm>> -> memref<10000x128xf32, #tpu.memory_space<hbm>>
        tpu.wait_indirect_dma semaphore(%arg21 : memref<!tpu.dma_semaphore, #tpu.memory_space<semaphore_mem>>) src(%dma_wait3A_314 : memref<10000x128xf32, #tpu.memory_space<hbm>>) dst(%arg13 : memref<128x128xf32, #tpu.memory_space<vmem>>)
        %dma_wait3A_315 = arith.constant 0 : i32
        %dma_wait3A_316 = tpu.memref_slice %arg10[%add3A_259, %dma_wait3A_315] : memref<120x128xi32, #tpu.memory_space<vmem>> -> memref<1x128xi32, #tpu.memory_space<vmem>>
        %dma_wait3A_317 = tpu.memref_squeeze %dma_wait3A_316 : memref<1x128xi32, #tpu.memory_space<vmem>> -> memref<128xi32, #tpu.memory_space<vmem>>
        %dma_wait3A_318 = arith.constant 0 : i32
        %dma_wait3A_319 = arith.constant 0 : i32
        %dma_wait3A_320 = tpu.memref_slice %arg4[%dma_wait3A_318, %dma_wait3A_319] : memref<10000x16xf32, #tpu.memory_space<hbm>> -> memref<10000x16xf32, #tpu.memory_space<hbm>>
        tpu.wait_indirect_dma semaphore(%arg22 : memref<!tpu.dma_semaphore, #tpu.memory_space<semaphore_mem>>) src(%dma_wait3A_320 : memref<10000x16xf32, #tpu.memory_space<hbm>>) dst(%arg14 : memref<128x16xf32, #tpu.memory_space<vmem>>)
        %dma_wait3A_321 = arith.constant 0 : i32
        %dma_wait3A_322 = tpu.memref_slice %arg11[%add3A_259, %dma_wait3A_321] : memref<120x128xi32, #tpu.memory_space<vmem>> -> memref<1x128xi32, #tpu.memory_space<vmem>>
        %dma_wait3A_323 = tpu.memref_squeeze %dma_wait3A_322 : memref<1x128xi32, #tpu.memory_space<vmem>> -> memref<128xi32, #tpu.memory_space<vmem>>
        %dma_wait3A_324 = arith.constant 0 : i32
        %dma_wait3A_325 = arith.constant 0 : i32
        %dma_wait3A_326 = tpu.memref_slice %arg4[%dma_wait3A_324, %dma_wait3A_325] : memref<10000x16xf32, #tpu.memory_space<hbm>> -> memref<10000x16xf32, #tpu.memory_space<hbm>>
        tpu.wait_indirect_dma semaphore(%arg23 : memref<!tpu.dma_semaphore, #tpu.memory_space<semaphore_mem>>) src(%dma_wait3A_326 : memref<10000x16xf32, #tpu.memory_space<hbm>>) dst(%arg15 : memref<128x16xf32, #tpu.memory_space<vmem>>)
        %mul3A_327 = arith.constant 128 : i32
        %mul3A_328 = arith.muli %add3A_259, %mul3A_327 : i32
        %add3A_329 = arith.addi %add3A_8, %mul3A_328 : i32
        %dma_start3A_330 = arith.constant 0 : i32
        %dma_start3A_331 = tpu.memref_slice %arg7[%add3A_329, %dma_start3A_330] : memref<327680x128xf32, #tpu.memory_space<hbm>> -> memref<128x128xf32, #tpu.memory_space<hbm>>
        %dma_start3A_332 = arith.constant 0 : i32
        %dma_start3A_333 = tpu.memref_slice %arg7[%add3A_329, %dma_start3A_332] : memref<327680x128xf32, #tpu.memory_space<hbm>> -> memref<128x128xf32, #tpu.memory_space<hbm>>
        tpu.enqueue_dma source(%arg12 : memref<128x128xf32, #tpu.memory_space<vmem>>) target(%dma_start3A_333 : memref<128x128xf32, #tpu.memory_space<hbm>>) target_semaphore(%arg28 : memref<!tpu.dma_semaphore, #tpu.memory_space<semaphore_mem>>)
        %dma_start3A_334 = arith.constant 0 : i32
        %dma_start3A_335 = tpu.memref_slice %arg8[%add3A_329, %dma_start3A_334] : memref<327680x128xf32, #tpu.memory_space<hbm>> -> memref<128x128xf32, #tpu.memory_space<hbm>>
        %dma_start3A_336 = arith.constant 0 : i32
        %dma_start3A_337 = tpu.memref_slice %arg8[%add3A_329, %dma_start3A_336] : memref<327680x128xf32, #tpu.memory_space<hbm>> -> memref<128x128xf32, #tpu.memory_space<hbm>>
        tpu.enqueue_dma source(%arg13 : memref<128x128xf32, #tpu.memory_space<vmem>>) target(%dma_start3A_337 : memref<128x128xf32, #tpu.memory_space<hbm>>) target_semaphore(%arg28 : memref<!tpu.dma_semaphore, #tpu.memory_space<semaphore_mem>>)
        %dma_start3A_338 = arith.constant 0 : i32
        %dma_start3A_339 = tpu.memref_slice %arg9[%add3A_329, %dma_start3A_338] : memref<327680x128xf32, #tpu.memory_space<hbm>> -> memref<128x16xf32, #tpu.memory_space<hbm>>
        %dma_start3A_340 = arith.constant 0 : i32
        %dma_start3A_341 = tpu.memref_slice %arg9[%add3A_329, %dma_start3A_340] : memref<327680x128xf32, #tpu.memory_space<hbm>> -> memref<128x16xf32, #tpu.memory_space<hbm>>
        tpu.enqueue_dma source(%arg14 : memref<128x16xf32, #tpu.memory_space<vmem>>) target(%dma_start3A_341 : memref<128x16xf32, #tpu.memory_space<hbm>>) target_semaphore(%arg29 : memref<!tpu.dma_semaphore, #tpu.memory_space<semaphore_mem>>)
        %dma_start3A_342 = arith.constant 16 : i32
        %dma_start3A_343 = tpu.memref_slice %arg9[%add3A_329, %dma_start3A_342] : memref<327680x128xf32, #tpu.memory_space<hbm>> -> memref<128x16xf32, #tpu.memory_space<hbm>>
        %dma_start3A_344 = arith.constant 16 : i32
        %dma_start3A_345 = tpu.memref_slice %arg9[%add3A_329, %dma_start3A_344] : memref<327680x128xf32, #tpu.memory_space<hbm>> -> memref<128x16xf32, #tpu.memory_space<hbm>>
        tpu.enqueue_dma source(%arg15 : memref<128x16xf32, #tpu.memory_space<vmem>>) target(%dma_start3A_345 : memref<128x16xf32, #tpu.memory_space<hbm>>) target_semaphore(%arg29 : memref<!tpu.dma_semaphore, #tpu.memory_space<semaphore_mem>>)
        %add3A_346 = arith.constant 1 : i32
        %add3A_347 = arith.addi %mul3A_257, %add3A_346 : i32
        %mul3A_348 = arith.constant 128 : i32
        %mul3A_349 = arith.muli %add3A_347, %mul3A_348 : i32
        %add3A_350 = arith.addi %add3A_8, %mul3A_349 : i32
        %dma_wait3A_351 = arith.constant 0 : i32
        %dma_wait3A_352 = tpu.memref_slice %arg7[%add3A_350, %dma_wait3A_351] : memref<327680x128xf32, #tpu.memory_space<hbm>> -> memref<128x128xf32, #tpu.memory_space<hbm>>
        %dma_wait3A_353 = arith.constant 0 : i32
        %dma_wait3A_354 = tpu.memref_slice %arg7[%add3A_350, %dma_wait3A_353] : memref<327680x128xf32, #tpu.memory_space<hbm>> -> memref<128x128xf32, #tpu.memory_space<hbm>>
        tpu.wait_dma2 semaphore(%arg30 : memref<!tpu.dma_semaphore, #tpu.memory_space<semaphore_mem>>) src(%arg16 : memref<128x128xf32, #tpu.memory_space<vmem>>) dst(%dma_wait3A_354 : memref<128x128xf32, #tpu.memory_space<hbm>>)
        %dma_wait3A_355 = arith.constant 0 : i32
        %dma_wait3A_356 = tpu.memref_slice %arg8[%add3A_350, %dma_wait3A_355] : memref<327680x128xf32, #tpu.memory_space<hbm>> -> memref<128x128xf32, #tpu.memory_space<hbm>>
        %dma_wait3A_357 = arith.constant 0 : i32
        %dma_wait3A_358 = tpu.memref_slice %arg8[%add3A_350, %dma_wait3A_357] : memref<327680x128xf32, #tpu.memory_space<hbm>> -> memref<128x128xf32, #tpu.memory_space<hbm>>
        tpu.wait_dma2 semaphore(%arg30 : memref<!tpu.dma_semaphore, #tpu.memory_space<semaphore_mem>>) src(%arg17 : memref<128x128xf32, #tpu.memory_space<vmem>>) dst(%dma_wait3A_358 : memref<128x128xf32, #tpu.memory_space<hbm>>)
        %dma_wait3A_359 = arith.constant 0 : i32
        %dma_wait3A_360 = tpu.memref_slice %arg9[%add3A_350, %dma_wait3A_359] : memref<327680x128xf32, #tpu.memory_space<hbm>> -> memref<128x16xf32, #tpu.memory_space<hbm>>
        %dma_wait3A_361 = arith.constant 0 : i32
        %dma_wait3A_362 = tpu.memref_slice %arg9[%add3A_350, %dma_wait3A_361] : memref<327680x128xf32, #tpu.memory_space<hbm>> -> memref<128x16xf32, #tpu.memory_space<hbm>>
        tpu.wait_dma2 semaphore(%arg31 : memref<!tpu.dma_semaphore, #tpu.memory_space<semaphore_mem>>) src(%arg18 : memref<128x16xf32, #tpu.memory_space<vmem>>) dst(%dma_wait3A_362 : memref<128x16xf32, #tpu.memory_space<hbm>>)
        %dma_wait3A_363 = arith.constant 16 : i32
        %dma_wait3A_364 = tpu.memref_slice %arg9[%add3A_350, %dma_wait3A_363] : memref<327680x128xf32, #tpu.memory_space<hbm>> -> memref<128x16xf32, #tpu.memory_space<hbm>>
        %dma_wait3A_365 = arith.constant 16 : i32
        %dma_wait3A_366 = tpu.memref_slice %arg9[%add3A_350, %dma_wait3A_365] : memref<327680x128xf32, #tpu.memory_space<hbm>> -> memref<128x16xf32, #tpu.memory_space<hbm>>
        tpu.wait_dma2 semaphore(%arg31 : memref<!tpu.dma_semaphore, #tpu.memory_space<semaphore_mem>>) src(%arg19 : memref<128x16xf32, #tpu.memory_space<vmem>>) dst(%dma_wait3A_366 : memref<128x16xf32, #tpu.memory_space<hbm>>)
        %dma_start3A_367 = arith.constant 0 : i32
        %dma_start3A_368 = tpu.memref_slice %arg10[%add3A_347, %dma_start3A_367] : memref<120x128xi32, #tpu.memory_space<vmem>> -> memref<1x128xi32, #tpu.memory_space<vmem>>
        %dma_start3A_369 = tpu.memref_squeeze %dma_start3A_368 : memref<1x128xi32, #tpu.memory_space<vmem>> -> memref<128xi32, #tpu.memory_space<vmem>>
        %dma_start3A_370 = arith.constant 0 : i32
        %dma_start3A_371 = arith.constant 0 : i32
        %dma_start3A_372 = tpu.memref_slice %arg2[%dma_start3A_370, %dma_start3A_371] : memref<10000x128xf32, #tpu.memory_space<hbm>> -> memref<10000x128xf32, #tpu.memory_space<hbm>>
        tpu.enqueue_indirect_dma source(%dma_start3A_372 : memref<10000x128xf32, #tpu.memory_space<hbm>>) target(%arg16 : memref<128x128xf32, #tpu.memory_space<vmem>>) offsets(%dma_start3A_369 : memref<128xi32, #tpu.memory_space<vmem>>) semaphore(%arg24 : memref<!tpu.dma_semaphore, #tpu.memory_space<semaphore_mem>>)
        %dma_start3A_373 = arith.constant 0 : i32
        %dma_start3A_374 = tpu.memref_slice %arg11[%add3A_347, %dma_start3A_373] : memref<120x128xi32, #tpu.memory_space<vmem>> -> memref<1x128xi32, #tpu.memory_space<vmem>>
        %dma_start3A_375 = tpu.memref_squeeze %dma_start3A_374 : memref<1x128xi32, #tpu.memory_space<vmem>> -> memref<128xi32, #tpu.memory_space<vmem>>
        %dma_start3A_376 = arith.constant 0 : i32
        %dma_start3A_377 = arith.constant 0 : i32
        %dma_start3A_378 = tpu.memref_slice %arg3[%dma_start3A_376, %dma_start3A_377] : memref<10000x128xf32, #tpu.memory_space<hbm>> -> memref<10000x128xf32, #tpu.memory_space<hbm>>
        tpu.enqueue_indirect_dma source(%dma_start3A_378 : memref<10000x128xf32, #tpu.memory_space<hbm>>) target(%arg17 : memref<128x128xf32, #tpu.memory_space<vmem>>) offsets(%dma_start3A_375 : memref<128xi32, #tpu.memory_space<vmem>>) semaphore(%arg25 : memref<!tpu.dma_semaphore, #tpu.memory_space<semaphore_mem>>)
        %dma_start3A_379 = arith.constant 0 : i32
        %dma_start3A_380 = tpu.memref_slice %arg10[%add3A_347, %dma_start3A_379] : memref<120x128xi32, #tpu.memory_space<vmem>> -> memref<1x128xi32, #tpu.memory_space<vmem>>
        %dma_start3A_381 = tpu.memref_squeeze %dma_start3A_380 : memref<1x128xi32, #tpu.memory_space<vmem>> -> memref<128xi32, #tpu.memory_space<vmem>>
        %dma_start3A_382 = arith.constant 0 : i32
        %dma_start3A_383 = arith.constant 0 : i32
        %dma_start3A_384 = tpu.memref_slice %arg4[%dma_start3A_382, %dma_start3A_383] : memref<10000x16xf32, #tpu.memory_space<hbm>> -> memref<10000x16xf32, #tpu.memory_space<hbm>>
        tpu.enqueue_indirect_dma source(%dma_start3A_384 : memref<10000x16xf32, #tpu.memory_space<hbm>>) target(%arg18 : memref<128x16xf32, #tpu.memory_space<vmem>>) offsets(%dma_start3A_381 : memref<128xi32, #tpu.memory_space<vmem>>) semaphore(%arg26 : memref<!tpu.dma_semaphore, #tpu.memory_space<semaphore_mem>>)
        %dma_start3A_385 = arith.constant 0 : i32
        %dma_start3A_386 = tpu.memref_slice %arg11[%add3A_347, %dma_start3A_385] : memref<120x128xi32, #tpu.memory_space<vmem>> -> memref<1x128xi32, #tpu.memory_space<vmem>>
        %dma_start3A_387 = tpu.memref_squeeze %dma_start3A_386 : memref<1x128xi32, #tpu.memory_space<vmem>> -> memref<128xi32, #tpu.memory_space<vmem>>
        %dma_start3A_388 = arith.constant 0 : i32
        %dma_start3A_389 = arith.constant 0 : i32
        %dma_start3A_390 = tpu.memref_slice %arg4[%dma_start3A_388, %dma_start3A_389] : memref<10000x16xf32, #tpu.memory_space<hbm>> -> memref<10000x16xf32, #tpu.memory_space<hbm>>
        tpu.enqueue_indirect_dma source(%dma_start3A_390 : memref<10000x16xf32, #tpu.memory_space<hbm>>) target(%arg19 : memref<128x16xf32, #tpu.memory_space<vmem>>) offsets(%dma_start3A_387 : memref<128xi32, #tpu.memory_space<vmem>>) semaphore(%arg27 : memref<!tpu.dma_semaphore, #tpu.memory_space<semaphore_mem>>)
        %dma_wait3A_391 = arith.constant 0 : i32
        %dma_wait3A_392 = tpu.memref_slice %arg10[%add3A_347, %dma_wait3A_391] : memref<120x128xi32, #tpu.memory_space<vmem>> -> memref<1x128xi32, #tpu.memory_space<vmem>>
        %dma_wait3A_393 = tpu.memref_squeeze %dma_wait3A_392 : memref<1x128xi32, #tpu.memory_space<vmem>> -> memref<128xi32, #tpu.memory_space<vmem>>
        %dma_wait3A_394 = arith.constant 0 : i32
        %dma_wait3A_395 = arith.constant 0 : i32
        %dma_wait3A_396 = tpu.memref_slice %arg2[%dma_wait3A_394, %dma_wait3A_395] : memref<10000x128xf32, #tpu.memory_space<hbm>> -> memref<10000x128xf32, #tpu.memory_space<hbm>>
        tpu.wait_indirect_dma semaphore(%arg24 : memref<!tpu.dma_semaphore, #tpu.memory_space<semaphore_mem>>) src(%dma_wait3A_396 : memref<10000x128xf32, #tpu.memory_space<hbm>>) dst(%arg16 : memref<128x128xf32, #tpu.memory_space<vmem>>)
        %dma_wait3A_397 = arith.constant 0 : i32
        %dma_wait3A_398 = tpu.memref_slice %arg11[%add3A_347, %dma_wait3A_397] : memref<120x128xi32, #tpu.memory_space<vmem>> -> memref<1x128xi32, #tpu.memory_space<vmem>>
        %dma_wait3A_399 = tpu.memref_squeeze %dma_wait3A_398 : memref<1x128xi32, #tpu.memory_space<vmem>> -> memref<128xi32, #tpu.memory_space<vmem>>
        %dma_wait3A_400 = arith.constant 0 : i32
        %dma_wait3A_401 = arith.constant 0 : i32
        %dma_wait3A_402 = tpu.memref_slice %arg3[%dma_wait3A_400, %dma_wait3A_401] : memref<10000x128xf32, #tpu.memory_space<hbm>> -> memref<10000x128xf32, #tpu.memory_space<hbm>>
        tpu.wait_indirect_dma semaphore(%arg25 : memref<!tpu.dma_semaphore, #tpu.memory_space<semaphore_mem>>) src(%dma_wait3A_402 : memref<10000x128xf32, #tpu.memory_space<hbm>>) dst(%arg17 : memref<128x128xf32, #tpu.memory_space<vmem>>)
        %dma_wait3A_403 = arith.constant 0 : i32
        %dma_wait3A_404 = tpu.memref_slice %arg10[%add3A_347, %dma_wait3A_403] : memref<120x128xi32, #tpu.memory_space<vmem>> -> memref<1x128xi32, #tpu.memory_space<vmem>>
        %dma_wait3A_405 = tpu.memref_squeeze %dma_wait3A_404 : memref<1x128xi32, #tpu.memory_space<vmem>> -> memref<128xi32, #tpu.memory_space<vmem>>
        %dma_wait3A_406 = arith.constant 0 : i32
        %dma_wait3A_407 = arith.constant 0 : i32
        %dma_wait3A_408 = tpu.memref_slice %arg4[%dma_wait3A_406, %dma_wait3A_407] : memref<10000x16xf32, #tpu.memory_space<hbm>> -> memref<10000x16xf32, #tpu.memory_space<hbm>>
        tpu.wait_indirect_dma semaphore(%arg26 : memref<!tpu.dma_semaphore, #tpu.memory_space<semaphore_mem>>) src(%dma_wait3A_408 : memref<10000x16xf32, #tpu.memory_space<hbm>>) dst(%arg18 : memref<128x16xf32, #tpu.memory_space<vmem>>)
        %dma_wait3A_409 = arith.constant 0 : i32
        %dma_wait3A_410 = tpu.memref_slice %arg11[%add3A_347, %dma_wait3A_409] : memref<120x128xi32, #tpu.memory_space<vmem>> -> memref<1x128xi32, #tpu.memory_space<vmem>>
        %dma_wait3A_411 = tpu.memref_squeeze %dma_wait3A_410 : memref<1x128xi32, #tpu.memory_space<vmem>> -> memref<128xi32, #tpu.memory_space<vmem>>
        %dma_wait3A_412 = arith.constant 0 : i32
        %dma_wait3A_413 = arith.constant 0 : i32
        %dma_wait3A_414 = tpu.memref_slice %arg4[%dma_wait3A_412, %dma_wait3A_413] : memref<10000x16xf32, #tpu.memory_space<hbm>> -> memref<10000x16xf32, #tpu.memory_space<hbm>>
        tpu.wait_indirect_dma semaphore(%arg27 : memref<!tpu.dma_semaphore, #tpu.memory_space<semaphore_mem>>) src(%dma_wait3A_414 : memref<10000x16xf32, #tpu.memory_space<hbm>>) dst(%arg19 : memref<128x16xf32, #tpu.memory_space<vmem>>)
        %mul3A_415 = arith.constant 128 : i32
        %mul3A_416 = arith.muli %add3A_347, %mul3A_415 : i32
        %add3A_417 = arith.addi %add3A_8, %mul3A_416 : i32
        %dma_start3A_418 = arith.constant 0 : i32
        %dma_start3A_419 = tpu.memref_slice %arg7[%add3A_417, %dma_start3A_418] : memref<327680x128xf32, #tpu.memory_space<hbm>> -> memref<128x128xf32, #tpu.memory_space<hbm>>
        %dma_start3A_420 = arith.constant 0 : i32
        %dma_start3A_421 = tpu.memref_slice %arg7[%add3A_417, %dma_start3A_420] : memref<327680x128xf32, #tpu.memory_space<hbm>> -> memref<128x128xf32, #tpu.memory_space<hbm>>
        tpu.enqueue_dma source(%arg16 : memref<128x128xf32, #tpu.memory_space<vmem>>) target(%dma_start3A_421 : memref<128x128xf32, #tpu.memory_space<hbm>>) target_semaphore(%arg30 : memref<!tpu.dma_semaphore, #tpu.memory_space<semaphore_mem>>)
        %dma_start3A_422 = arith.constant 0 : i32
        %dma_start3A_423 = tpu.memref_slice %arg8[%add3A_417, %dma_start3A_422] : memref<327680x128xf32, #tpu.memory_space<hbm>> -> memref<128x128xf32, #tpu.memory_space<hbm>>
        %dma_start3A_424 = arith.constant 0 : i32
        %dma_start3A_425 = tpu.memref_slice %arg8[%add3A_417, %dma_start3A_424] : memref<327680x128xf32, #tpu.memory_space<hbm>> -> memref<128x128xf32, #tpu.memory_space<hbm>>
        tpu.enqueue_dma source(%arg17 : memref<128x128xf32, #tpu.memory_space<vmem>>) target(%dma_start3A_425 : memref<128x128xf32, #tpu.memory_space<hbm>>) target_semaphore(%arg30 : memref<!tpu.dma_semaphore, #tpu.memory_space<semaphore_mem>>)
        %dma_start3A_426 = arith.constant 0 : i32
        %dma_start3A_427 = tpu.memref_slice %arg9[%add3A_417, %dma_start3A_426] : memref<327680x128xf32, #tpu.memory_space<hbm>> -> memref<128x16xf32, #tpu.memory_space<hbm>>
        %dma_start3A_428 = arith.constant 0 : i32
        %dma_start3A_429 = tpu.memref_slice %arg9[%add3A_417, %dma_start3A_428] : memref<327680x128xf32, #tpu.memory_space<hbm>> -> memref<128x16xf32, #tpu.memory_space<hbm>>
        tpu.enqueue_dma source(%arg18 : memref<128x16xf32, #tpu.memory_space<vmem>>) target(%dma_start3A_429 : memref<128x16xf32, #tpu.memory_space<hbm>>) target_semaphore(%arg31 : memref<!tpu.dma_semaphore, #tpu.memory_space<semaphore_mem>>)
        %dma_start3A_430 = arith.constant 16 : i32
        %dma_start3A_431 = tpu.memref_slice %arg9[%add3A_417, %dma_start3A_430] : memref<327680x128xf32, #tpu.memory_space<hbm>> -> memref<128x16xf32, #tpu.memory_space<hbm>>
        %dma_start3A_432 = arith.constant 16 : i32
        %dma_start3A_433 = tpu.memref_slice %arg9[%add3A_417, %dma_start3A_432] : memref<327680x128xf32, #tpu.memory_space<hbm>> -> memref<128x16xf32, #tpu.memory_space<hbm>>
        tpu.enqueue_dma source(%arg19 : memref<128x16xf32, #tpu.memory_space<vmem>>) target(%dma_start3A_433 : memref<128x16xf32, #tpu.memory_space<hbm>>) target_semaphore(%arg31 : memref<!tpu.dma_semaphore, #tpu.memory_space<semaphore_mem>>)
      }
      %scan3A_214 = arith.constant 19 : i32
      %add3A_215 = arith.constant 4864 : i32
      %add3A_216 = arith.addi %add3A_8, %add3A_215 : i32
      %dma_wait3A_217 = arith.constant 0 : i32
      %dma_wait3A_218 = tpu.memref_slice %arg7[%add3A_216, %dma_wait3A_217] : memref<327680x128xf32, #tpu.memory_space<hbm>> -> memref<128x128xf32, #tpu.memory_space<hbm>>
      %dma_wait3A_219 = arith.constant 0 : i32
      %dma_wait3A_220 = tpu.memref_slice %arg7[%add3A_216, %dma_wait3A_219] : memref<327680x128xf32, #tpu.memory_space<hbm>> -> memref<128x128xf32, #tpu.memory_space<hbm>>
      tpu.wait_dma2 semaphore(%arg28 : memref<!tpu.dma_semaphore, #tpu.memory_space<semaphore_mem>>) src(%arg12 : memref<128x128xf32, #tpu.memory_space<vmem>>) dst(%dma_wait3A_220 : memref<128x128xf32, #tpu.memory_space<hbm>>)
      %dma_wait3A_221 = arith.constant 0 : i32
      %dma_wait3A_222 = tpu.memref_slice %arg8[%add3A_216, %dma_wait3A_221] : memref<327680x128xf32, #tpu.memory_space<hbm>> -> memref<128x128xf32, #tpu.memory_space<hbm>>
      %dma_wait3A_223 = arith.constant 0 : i32
      %dma_wait3A_224 = tpu.memref_slice %arg8[%add3A_216, %dma_wait3A_223] : memref<327680x128xf32, #tpu.memory_space<hbm>> -> memref<128x128xf32, #tpu.memory_space<hbm>>
      tpu.wait_dma2 semaphore(%arg28 : memref<!tpu.dma_semaphore, #tpu.memory_space<semaphore_mem>>) src(%arg13 : memref<128x128xf32, #tpu.memory_space<vmem>>) dst(%dma_wait3A_224 : memref<128x128xf32, #tpu.memory_space<hbm>>)
      %dma_wait3A_225 = arith.constant 0 : i32
      %dma_wait3A_226 = tpu.memref_slice %arg9[%add3A_216, %dma_wait3A_225] : memref<327680x128xf32, #tpu.memory_space<hbm>> -> memref<128x16xf32, #tpu.memory_space<hbm>>
      %dma_wait3A_227 = arith.constant 0 : i32
      %dma_wait3A_228 = tpu.memref_slice %arg9[%add3A_216, %dma_wait3A_227] : memref<327680x128xf32, #tpu.memory_space<hbm>> -> memref<128x16xf32, #tpu.memory_space<hbm>>
      tpu.wait_dma2 semaphore(%arg29 : memref<!tpu.dma_semaphore, #tpu.memory_space<semaphore_mem>>) src(%arg14 : memref<128x16xf32, #tpu.memory_space<vmem>>) dst(%dma_wait3A_228 : memref<128x16xf32, #tpu.memory_space<hbm>>)
      %dma_wait3A_229 = arith.constant 16 : i32
      %dma_wait3A_230 = tpu.memref_slice %arg9[%add3A_216, %dma_wait3A_229] : memref<327680x128xf32, #tpu.memory_space<hbm>> -> memref<128x16xf32, #tpu.memory_space<hbm>>
      %dma_wait3A_231 = arith.constant 16 : i32
      %dma_wait3A_232 = tpu.memref_slice %arg9[%add3A_216, %dma_wait3A_231] : memref<327680x128xf32, #tpu.memory_space<hbm>> -> memref<128x16xf32, #tpu.memory_space<hbm>>
      tpu.wait_dma2 semaphore(%arg29 : memref<!tpu.dma_semaphore, #tpu.memory_space<semaphore_mem>>) src(%arg15 : memref<128x16xf32, #tpu.memory_space<vmem>>) dst(%dma_wait3A_232 : memref<128x16xf32, #tpu.memory_space<hbm>>)
      %add3A_233 = arith.constant 4992 : i32
      %add3A_234 = arith.addi %add3A_8, %add3A_233 : i32
      %dma_wait3A_235 = arith.constant 0 : i32
      %dma_wait3A_236 = tpu.memref_slice %arg7[%add3A_234, %dma_wait3A_235] : memref<327680x128xf32, #tpu.memory_space<hbm>> -> memref<128x128xf32, #tpu.memory_space<hbm>>
      %dma_wait3A_237 = arith.constant 0 : i32
      %dma_wait3A_238 = tpu.memref_slice %arg7[%add3A_234, %dma_wait3A_237] : memref<327680x128xf32, #tpu.memory_space<hbm>> -> memref<128x128xf32, #tpu.memory_space<hbm>>
      tpu.wait_dma2 semaphore(%arg30 : memref<!tpu.dma_semaphore, #tpu.memory_space<semaphore_mem>>) src(%arg16 : memref<128x128xf32, #tpu.memory_space<vmem>>) dst(%dma_wait3A_238 : memref<128x128xf32, #tpu.memory_space<hbm>>)
      %dma_wait3A_239 = arith.constant 0 : i32
      %dma_wait3A_240 = tpu.memref_slice %arg8[%add3A_234, %dma_wait3A_239] : memref<327680x128xf32, #tpu.memory_space<hbm>> -> memref<128x128xf32, #tpu.memory_space<hbm>>
      %dma_wait3A_241 = arith.constant 0 : i32
      %dma_wait3A_242 = tpu.memref_slice %arg8[%add3A_234, %dma_wait3A_241] : memref<327680x128xf32, #tpu.memory_space<hbm>> -> memref<128x128xf32, #tpu.memory_space<hbm>>
      tpu.wait_dma2 semaphore(%arg30 : memref<!tpu.dma_semaphore, #tpu.memory_space<semaphore_mem>>) src(%arg17 : memref<128x128xf32, #tpu.memory_space<vmem>>) dst(%dma_wait3A_242 : memref<128x128xf32, #tpu.memory_space<hbm>>)
      %dma_wait3A_243 = arith.constant 0 : i32
      %dma_wait3A_244 = tpu.memref_slice %arg9[%add3A_234, %dma_wait3A_243] : memref<327680x128xf32, #tpu.memory_space<hbm>> -> memref<128x16xf32, #tpu.memory_space<hbm>>
      %dma_wait3A_245 = arith.constant 0 : i32
      %dma_wait3A_246 = tpu.memref_slice %arg9[%add3A_234, %dma_wait3A_245] : memref<327680x128xf32, #tpu.memory_space<hbm>> -> memref<128x16xf32, #tpu.memory_space<hbm>>
      tpu.wait_dma2 semaphore(%arg31 : memref<!tpu.dma_semaphore, #tpu.memory_space<semaphore_mem>>) src(%arg18 : memref<128x16xf32, #tpu.memory_space<vmem>>) dst(%dma_wait3A_246 : memref<128x16xf32, #tpu.memory_space<hbm>>)
      %dma_wait3A_247 = arith.constant 16 : i32
      %dma_wait3A_248 = tpu.memref_slice %arg9[%add3A_234, %dma_wait3A_247] : memref<327680x128xf32, #tpu.memory_space<hbm>> -> memref<128x16xf32, #tpu.memory_space<hbm>>
      %dma_wait3A_249 = arith.constant 16 : i32
      %dma_wait3A_250 = tpu.memref_slice %arg9[%add3A_234, %dma_wait3A_249] : memref<327680x128xf32, #tpu.memory_space<hbm>> -> memref<128x16xf32, #tpu.memory_space<hbm>>
      tpu.wait_dma2 semaphore(%arg31 : memref<!tpu.dma_semaphore, #tpu.memory_space<semaphore_mem>>) src(%arg19 : memref<128x16xf32, #tpu.memory_space<vmem>>) dst(%dma_wait3A_250 : memref<128x16xf32, #tpu.memory_space<hbm>>)
    } else {
    }
    return
  }
}

module attributes {stable_mosaic.version = 14 : i64} {
  func.func @_tables_body(%arg0: i32, %arg1: memref<1000x128xf32, #tpu.memory_space<vmem>>, %arg2: memref<128x128xf32, #tpu.memory_space<vmem>>, %arg3: memref<128x128xf32, #tpu.memory_space<vmem>>, %arg4: memref<1000x128xf32, #tpu.memory_space<vmem>>, %arg5: memref<1000x128xf32, #tpu.memory_space<vmem>>) attributes {dimension_semantics = [#tpu.dimension_semantics<arbitrary>], iteration_bounds = array<i64: 10>, scalar_prefetch = 0 : i64, scratch_operands = 0 : i64, tpu.core_type = #tpu.core_type<tc>, window_params = [{transform_indices = @transform_0, window_bounds = array<i64: 1000, 128>}, {pipeline_mode = #tpu.pipeline_mode<synchronous>, transform_indices = @transform_1, window_bounds = array<i64: 128, 128>}, {pipeline_mode = #tpu.pipeline_mode<synchronous>, transform_indices = @transform_2, window_bounds = array<i64: 128, 128>}, {transform_indices = @transform_3, window_bounds = array<i64: 1000, 128>}, {transform_indices = @transform_4, window_bounds = array<i64: 1000, 128>}]} {
    %get3A = arith.constant 0 : index
    %get3A_0 = arith.constant 0 : index
    %get3A_1 = vector.load %arg1[%get3A, %get3A_0] : memref<1000x128xf32, #tpu.memory_space<vmem>>, vector<1000x128xf32>
    %get3A_2 = arith.constant 0 : index
    %get3A_3 = arith.constant 0 : index
    %get3A_4 = vector.load %arg2[%get3A_2, %get3A_3] : memref<128x128xf32, #tpu.memory_space<vmem>>, vector<128x128xf32>
    %dot_general3A = arith.constant dense<0.000000e+00> : vector<1000x128xf32>
    %dot_general3A_5 = tpu.matmul %get3A_1, %get3A_4, %dot_general3A {dimension_numbers = #tpu.dot_dimension_numbers<[1], [0], [0], [1], [0, 0, 1, 1], [], []>, transpose_lhs_hint = false} : vector<1000x128xf32>, vector<128x128xf32>, vector<1000x128xf32> -> vector<1000x128xf32>
    %swap3A = arith.constant 0 : index
    %swap3A_6 = arith.constant 0 : index
    %swap3A_7 = vector.load %arg4[%swap3A, %swap3A_6] : memref<1000x128xf32, #tpu.memory_space<vmem>>, vector<1000x128xf32>
    tpu.vector_store %arg4[%swap3A, %swap3A_6], %dot_general3A_5 {strides = array<i32>} : memref<1000x128xf32, #tpu.memory_space<vmem>>, vector<1000x128xf32>,
    %get3A_8 = arith.constant 0 : index
    %get3A_9 = arith.constant 0 : index
    %get3A_10 = vector.load %arg3[%get3A_8, %get3A_9] : memref<128x128xf32, #tpu.memory_space<vmem>>, vector<128x128xf32>
    %dot_general3A_11 = arith.constant dense<0.000000e+00> : vector<1000x128xf32>
    %dot_general3A_12 = tpu.matmul %get3A_1, %get3A_10, %dot_general3A_11 {dimension_numbers = #tpu.dot_dimension_numbers<[1], [0], [0], [1], [0, 0, 1, 1], [], []>, transpose_lhs_hint = false} : vector<1000x128xf32>, vector<128x128xf32>, vector<1000x128xf32> -> vector<1000x128xf32>
    %swap3A_13 = arith.constant 0 : index
    %swap3A_14 = arith.constant 0 : index
    %swap3A_15 = vector.load %arg5[%swap3A_13, %swap3A_14] : memref<1000x128xf32, #tpu.memory_space<vmem>>, vector<1000x128xf32>
    tpu.vector_store %arg5[%swap3A_13, %swap3A_14], %dot_general3A_12 {strides = array<i32>} : memref<1000x128xf32, #tpu.memory_space<vmem>>, vector<1000x128xf32>,
    return
  }
  func.func @transform_0(%arg0: i32) -> (i32, i32) {
    %c0_i32 = arith.constant 0 : i32
    %c0_i32_0 = arith.constant 0 : i32
    return %arg0, %c0_i32 : i32, i32
  }
  func.func @transform_1(%arg0: i32) -> (i32, i32) {
    %c0_i32 = arith.constant 0 : i32
    %c0_i32_0 = arith.constant 0 : i32
    %c0_i32_1 = arith.constant 0 : i32
    return %c0_i32, %c0_i32_0 : i32, i32
  }
  func.func @transform_2(%arg0: i32) -> (i32, i32) {
    %c0_i32 = arith.constant 0 : i32
    %c0_i32_0 = arith.constant 0 : i32
    %c0_i32_1 = arith.constant 0 : i32
    return %c0_i32, %c0_i32_0 : i32, i32
  }
  func.func @transform_3(%arg0: i32) -> (i32, i32) {
    %c0_i32 = arith.constant 0 : i32
    %c0_i32_0 = arith.constant 0 : i32
    return %arg0, %c0_i32 : i32, i32
  }
  func.func @transform_4(%arg0: i32) -> (i32, i32) {
    %c0_i32 = arith.constant 0 : i32
    %c0_i32_0 = arith.constant 0 : i32
    return %arg0, %c0_i32 : i32, i32
  }
}

module attributes {stable_mosaic.version = 14 : i64} {
  func.func @_edge_body(%arg0: i32, %arg1: memref<4096x128xf32, #tpu.memory_space<vmem>>, %arg2: memref<4096x128xf32, #tpu.memory_space<vmem>>, %arg3: memref<4096x128xf32, #tpu.memory_space<vmem>>, %arg4: memref<16x16xf32, #tpu.memory_space<vmem>>, %arg5: memref<16x128xf32, #tpu.memory_space<vmem>>, %arg6: memref<128x16xf32, #tpu.memory_space<vmem>>, %arg7: memref<8x128xf32, #tpu.memory_space<vmem>>, %arg8: memref<8x16xf32, #tpu.memory_space<vmem>>, %arg9: memref<4096x16xf32, #tpu.memory_space<vmem>>) attributes {dimension_semantics = [#tpu.dimension_semantics<arbitrary>], iteration_bounds = array<i64: 80>, scalar_prefetch = 0 : i64, scratch_operands = 0 : i64, tpu.core_type = #tpu.core_type<tc>, window_params = [{transform_indices = @transform_0, window_bounds = array<i64: 4096, 128>}, {transform_indices = @transform_1, window_bounds = array<i64: 4096, 128>}, {transform_indices = @transform_2, window_bounds = array<i64: 4096, 128>}, {pipeline_mode = #tpu.pipeline_mode<synchronous>, transform_indices = @transform_3, window_bounds = array<i64: 16, 16>}, {pipeline_mode = #tpu.pipeline_mode<synchronous>, transform_indices = @transform_4, window_bounds = array<i64: 16, 128>}, {pipeline_mode = #tpu.pipeline_mode<synchronous>, transform_indices = @transform_5, window_bounds = array<i64: 128, 16>}, {pipeline_mode = #tpu.pipeline_mode<synchronous>, transform_indices = @transform_6, window_bounds = array<i64: 8, 128>}, {pipeline_mode = #tpu.pipeline_mode<synchronous>, transform_indices = @transform_7, window_bounds = array<i64: 8, 16>}, {transform_indices = @transform_8, window_bounds = array<i64: 4096, 16>}]} {
    %get3A = arith.constant 0 : index
    %get3A_0 = arith.constant 0 : index
    %get3A_1 = vector.load %arg3[%get3A, %get3A_0] : memref<4096x128xf32, #tpu.memory_space<vmem>>, vector<4096x128xf32>
    %slice3A = vector.extract_strided_slice %get3A_1 {offsets = [0, 0], sizes = [4096, 16], strides = [1, 1]} : vector<4096x128xf32> to vector<4096x16xf32>
    %slice3A_2 = vector.extract_strided_slice %get3A_1 {offsets = [0, 16], sizes = [4096, 16], strides = [1, 1]} : vector<4096x128xf32> to vector<4096x16xf32>
    %sub3A = arith.subf %slice3A, %slice3A_2 : vector<4096x16xf32>
    %mul3A = arith.mulf %sub3A, %sub3A : vector<4096x16xf32>
    %get3A_3 = arith.constant 0 : index
    %get3A_4 = arith.constant 0 : index
    %get3A_5 = vector.load %arg4[%get3A_3, %get3A_4] : memref<16x16xf32, #tpu.memory_space<vmem>>, vector<16x16xf32>
    %dot_general3A = arith.constant dense<0.000000e+00> : vector<4096x16xf32>
    %dot_general3A_6 = tpu.matmul %mul3A, %get3A_5, %dot_general3A {dimension_numbers = #tpu.dot_dimension_numbers<[1], [0], [0], [1], [0, 0, 1, 1], [], []>, transpose_lhs_hint = false} : vector<4096x16xf32>, vector<16x16xf32>, vector<4096x16xf32> -> vector<4096x16xf32>
    %sqrt3A = math.sqrt %dot_general3A_6 : vector<4096x16xf32>
    %get3A_7 = arith.constant 0 : index
    %get3A_8 = arith.constant 0 : index
    %get3A_9 = vector.load %arg5[%get3A_7, %get3A_8] : memref<16x128xf32, #tpu.memory_space<vmem>>, vector<16x128xf32>
    %dot_general3A_10 = arith.constant dense<0.000000e+00> : vector<4096x128xf32>
    %dot_general3A_11 = tpu.matmul %sqrt3A, %get3A_9, %dot_general3A_10 {dimension_numbers = #tpu.dot_dimension_numbers<[1], [0], [0], [1], [0, 0, 1, 1], [], []>, transpose_lhs_hint = false} : vector<4096x16xf32>, vector<16x128xf32>, vector<4096x128xf32> -> vector<4096x128xf32>
    %get3A_12 = arith.constant 0 : index
    %get3A_13 = arith.constant 0 : index
    %get3A_14 = vector.load %arg1[%get3A_12, %get3A_13] : memref<4096x128xf32, #tpu.memory_space<vmem>>, vector<4096x128xf32>
    %get3A_15 = arith.constant 0 : index
    %get3A_16 = arith.constant 0 : index
    %get3A_17 = vector.load %arg2[%get3A_15, %get3A_16] : memref<4096x128xf32, #tpu.memory_space<vmem>>, vector<4096x128xf32>
    %add3A = arith.addf %get3A_14, %get3A_17 : vector<4096x128xf32>
    %add3A_18 = arith.addf %add3A, %dot_general3A_11 : vector<4096x128xf32>
    %get3A_19 = arith.constant 0 : index
    %get3A_20 = arith.constant 0 : index
    %get3A_21 = vector.load %arg7[%get3A_19, %get3A_20] : memref<8x128xf32, #tpu.memory_space<vmem>>, vector<1x128xf32>
    %add3A_22 = vector.broadcast %get3A_21 : vector<1x128xf32> to vector<4096x128xf32>
    %add3A_23 = arith.addf %add3A_18, %add3A_22 : vector<4096x128xf32>
    %logistic3A = arith.negf %add3A_23 : vector<4096x128xf32>
    %logistic3A_24 = math.exp %logistic3A : vector<4096x128xf32>
    %logistic3A_25 = arith.constant 1.000000e+00 : f32
    %logistic3A_26 = vector.broadcast %logistic3A_25 : f32 to vector<4096x128xf32>
    %logistic3A_27 = arith.addf %logistic3A_26, %logistic3A_24 : vector<4096x128xf32>
    %logistic3A_28 = arith.divf %logistic3A_26, %logistic3A_27 : vector<4096x128xf32>
    %mul3A_29 = arith.mulf %add3A_23, %logistic3A_28 : vector<4096x128xf32>
    %get3A_30 = arith.constant 0 : index
    %get3A_31 = arith.constant 0 : index
    %get3A_32 = vector.load %arg6[%get3A_30, %get3A_31] : memref<128x16xf32, #tpu.memory_space<vmem>>, vector<128x16xf32>
    %dot_general3A_33 = arith.constant dense<0.000000e+00> : vector<4096x16xf32>
    %dot_general3A_34 = tpu.matmul %mul3A_29, %get3A_32, %dot_general3A_33 {dimension_numbers = #tpu.dot_dimension_numbers<[1], [0], [0], [1], [0, 0, 1, 1], [], []>, transpose_lhs_hint = false} : vector<4096x128xf32>, vector<128x16xf32>, vector<4096x16xf32> -> vector<4096x16xf32>
    %get3A_35 = arith.constant 0 : index
    %get3A_36 = arith.constant 0 : index
    %get3A_37 = vector.load %arg8[%get3A_35, %get3A_36] : memref<8x16xf32, #tpu.memory_space<vmem>>, vector<1x16xf32>
    %add3A_38 = vector.broadcast %get3A_37 : vector<1x16xf32> to vector<4096x16xf32>
    %add3A_39 = arith.addf %dot_general3A_34, %add3A_38 : vector<4096x16xf32>
    %jit3A = arith.constant 0.000000e+00 : f32
    %jit3A_40 = arith.constant 4.500000e+00 : f32
    %max3A = vector.broadcast %jit3A : f32 to vector<4096x16xf32>
    %max3A_41 = arith.maximumf %max3A, %sqrt3A : vector<4096x16xf32>
    %min3A = vector.broadcast %jit3A_40 : f32 to vector<4096x16xf32>
    %min3A_42 = arith.minimumf %min3A, %max3A_41 : vector<4096x16xf32>
    %div3A = arith.constant 4.500000e+00 : f32
    %div3A_43 = vector.broadcast %div3A : f32 to vector<4096x16xf32>
    %div3A_44 = arith.divf %min3A_42, %div3A_43 : vector<4096x16xf32>
    %mul3A_45 = arith.mulf %div3A_44, %div3A_44 : vector<4096x16xf32>
    %mul3A_46 = arith.mulf %mul3A_45, %mul3A_45 : vector<4096x16xf32>
    %mul3A_47 = arith.mulf %mul3A_46, %div3A_44 : vector<4096x16xf32>
    %mul3A_48 = arith.mulf %mul3A_47, %div3A_44 : vector<4096x16xf32>
    %mul3A_49 = arith.mulf %mul3A_48, %div3A_44 : vector<4096x16xf32>
    %mul3A_50 = arith.constant 2.100000e+01 : f32
    %mul3A_51 = vector.broadcast %mul3A_50 : f32 to vector<4096x16xf32>
    %mul3A_52 = arith.mulf %mul3A_51, %mul3A_47 : vector<4096x16xf32>
    %sub3A_53 = arith.constant 1.000000e+00 : f32
    %sub3A_54 = vector.broadcast %sub3A_53 : f32 to vector<4096x16xf32>
    %sub3A_55 = arith.subf %sub3A_54, %mul3A_52 : vector<4096x16xf32>
    %mul3A_56 = arith.constant 3.500000e+01 : f32
    %mul3A_57 = vector.broadcast %mul3A_56 : f32 to vector<4096x16xf32>
    %mul3A_58 = arith.mulf %mul3A_57, %mul3A_48 : vector<4096x16xf32>
    %add3A_59 = arith.addf %sub3A_55, %mul3A_58 : vector<4096x16xf32>
    %mul3A_60 = arith.constant 1.500000e+01 : f32
    %mul3A_61 = vector.broadcast %mul3A_60 : f32 to vector<4096x16xf32>
    %mul3A_62 = arith.mulf %mul3A_61, %mul3A_49 : vector<4096x16xf32>
    %sub3A_63 = arith.subf %add3A_59, %mul3A_62 : vector<4096x16xf32>
    %add3A_64 = arith.constant 9.99999997E-7 : f32
    %add3A_65 = vector.broadcast %add3A_64 : f32 to vector<4096x16xf32>
    %add3A_66 = arith.addf %sqrt3A, %add3A_65 : vector<4096x16xf32>
    %div3A_67 = arith.divf %sub3A_63, %add3A_66 : vector<4096x16xf32>
    %mul3A_68 = arith.mulf %div3A_67, %add3A_39 : vector<4096x16xf32>
    %slice3A_69 = vector.extract_strided_slice %sub3A {offsets = [0, 0], sizes = [4096, 8], strides = [1, 1]} : vector<4096x16xf32> to vector<4096x8xf32>
    %slice3A_70 = vector.extract_strided_slice %sub3A {offsets = [0, 0], sizes = [4096, 8], strides = [1, 1]} : vector<4096x16xf32> to vector<4096x8xf32>
    %concatenate3A = tpu.concatenate %slice3A_69, %slice3A_70 in 1 : vector<4096x8xf32>, vector<4096x8xf32> -> vector<4096x16xf32>
    %mul3A_71 = arith.mulf %concatenate3A, %mul3A_68 : vector<4096x16xf32>
    %swap3A = arith.constant 0 : index
    %swap3A_72 = arith.constant 0 : index
    %swap3A_73 = vector.load %arg9[%swap3A, %swap3A_72] : memref<4096x16xf32, #tpu.memory_space<vmem>>, vector<4096x16xf32>
    tpu.vector_store %arg9[%swap3A, %swap3A_72], %mul3A_71 {strides = array<i32>} : memref<4096x16xf32, #tpu.memory_space<vmem>>, vector<4096x16xf32>,
    return
  }
  func.func @transform_0(%arg0: i32) -> (i32, i32) {
    %c0_i32 = arith.constant 0 : i32
    %c0_i32_0 = arith.constant 0 : i32
    return %arg0, %c0_i32 : i32, i32
  }
  func.func @transform_1(%arg0: i32) -> (i32, i32) {
    %c0_i32 = arith.constant 0 : i32
    %c0_i32_0 = arith.constant 0 : i32
    return %arg0, %c0_i32 : i32, i32
  }
  func.func @transform_2(%arg0: i32) -> (i32, i32) {
    %c0_i32 = arith.constant 0 : i32
    %c0_i32_0 = arith.constant 0 : i32
    return %arg0, %c0_i32 : i32, i32
  }
  func.func @transform_3(%arg0: i32) -> (i32, i32) {
    %c0_i32 = arith.constant 0 : i32
    %c0_i32_0 = arith.constant 0 : i32
    %c0_i32_1 = arith.constant 0 : i32
    return %c0_i32, %c0_i32_0 : i32, i32
  }
  func.func @transform_4(%arg0: i32) -> (i32, i32) {
    %c0_i32 = arith.constant 0 : i32
    %c0_i32_0 = arith.constant 0 : i32
    %c0_i32_1 = arith.constant 0 : i32
    return %c0_i32, %c0_i32_0 : i32, i32
  }
  func.func @transform_5(%arg0: i32) -> (i32, i32) {
    %c0_i32 = arith.constant 0 : i32
    %c0_i32_0 = arith.constant 0 : i32
    %c0_i32_1 = arith.constant 0 : i32
    return %c0_i32, %c0_i32_0 : i32, i32
  }
  func.func @transform_6(%arg0: i32) -> (i32, i32) {
    %c0_i32 = arith.constant 0 : i32
    %c0_i32_0 = arith.constant 0 : i32
    %c0_i32_1 = arith.constant 0 : i32
    return %c0_i32, %c0_i32_0 : i32, i32
  }
  func.func @transform_7(%arg0: i32) -> (i32, i32) {
    %c0_i32 = arith.constant 0 : i32
    %c0_i32_0 = arith.constant 0 : i32
    %c0_i32_1 = arith.constant 0 : i32
    return %c0_i32, %c0_i32_0 : i32, i32
  }
  func.func @transform_8(%arg0: i32) -> (i32, i32) {
    %c0_i32 = arith.constant 0 : i32
    %c0_i32_0 = arith.constant 0 : i32
    return %arg0, %c0_i32 : i32, i32
  }
}

module attributes {stable_mosaic.version = 14 : i64} {
  func.func @_fin_body(%arg0: i32, %arg1: memref<2x1024x16xf32, #tpu.memory_space<vmem>>, %arg2: memref<1024x16xf32, #tpu.memory_space<vmem>>) attributes {dimension_semantics = [#tpu.dimension_semantics<arbitrary>], iteration_bounds = array<i64: 10>, scalar_prefetch = 0 : i64, scratch_operands = 0 : i64, tpu.core_type = #tpu.core_type<tc>, window_params = [{transform_indices = @transform_0, window_bounds = array<i64: 2, 1024, 16>}, {transform_indices = @transform_1, window_bounds = array<i64: 1024, 16>}]} {
    %get3A = arith.constant 0 : index
    %get3A_0 = arith.constant 0 : index
    %get3A_1 = arith.constant 0 : index
    %get3A_2 = vector.load %arg1[%get3A, %get3A_0, %get3A_1] : memref<2x1024x16xf32, #tpu.memory_space<vmem>>, vector<1x1024x16xf32>
    %get3A_3 = vector.shape_cast %get3A_2 : vector<1x1024x16xf32> to vector<1024x16xf32>
    %get3A_4 = arith.constant 1 : index
    %get3A_5 = arith.constant 0 : index
    %get3A_6 = arith.constant 0 : index
    %get3A_7 = vector.load %arg1[%get3A_4, %get3A_5, %get3A_6] : memref<2x1024x16xf32, #tpu.memory_space<vmem>>, vector<1x1024x16xf32>
    %get3A_8 = vector.shape_cast %get3A_7 : vector<1x1024x16xf32> to vector<1024x16xf32>
    %add3A = arith.addf %get3A_3, %get3A_8 : vector<1024x16xf32>
    %slice3A = vector.extract_strided_slice %add3A {offsets = [0, 0], sizes = [1024, 3], strides = [1, 1]} : vector<1024x16xf32> to vector<1024x3xf32>
    %slice3A_9 = vector.extract_strided_slice %add3A {offsets = [0, 8], sizes = [1024, 3], strides = [1, 1]} : vector<1024x16xf32> to vector<1024x3xf32>
    %mul3A = arith.mulf %slice3A, %slice3A : vector<1024x3xf32>
    %reduce_sum3A = arith.constant dense<0.000000e+00> : vector<1024xf32>
    %reduce_sum3A_10 = vector.multi_reduction <add>, %mul3A, %reduce_sum3A [1] : vector<1024x3xf32> to vector<1024xf32>
    %broadcast_in_dim3A = vector.shape_cast %reduce_sum3A_10 : vector<1024xf32> to vector<1024x1xf32>
    %sqrt3A = math.sqrt %broadcast_in_dim3A : vector<1024x1xf32>
    %broadcast_in_dim3A_11 = arith.constant 1.000000e+00 : f32
    %broadcast_in_dim3A_12 = vector.broadcast %broadcast_in_dim3A_11 : f32 to vector<1024x1xf32>
    %broadcast_in_dim3A_13 = arith.constant 0.000000e+00 : f32
    %broadcast_in_dim3A_14 = vector.broadcast %broadcast_in_dim3A_13 : f32 to vector<1024x1xf32>
    %concatenate3A = tpu.concatenate %broadcast_in_dim3A_12, %broadcast_in_dim3A_14, %broadcast_in_dim3A_14 in 1 : vector<1024x1xf32>, vector<1024x1xf32>, vector<1024x1xf32> -> vector<1024x3xf32>
    %gt3A = arith.constant 9.99999997E-7 : f32
    %gt3A_15 = vector.broadcast %gt3A : f32 to vector<1024x1xf32>
    %gt3A_16 = arith.cmpf ogt, %sqrt3A, %gt3A_15 : vector<1024x1xf32>
    %add3A_17 = arith.constant 9.99999997E-7 : f32
    %add3A_18 = vector.broadcast %add3A_17 : f32 to vector<1024x1xf32>
    %add3A_19 = arith.addf %sqrt3A, %add3A_18 : vector<1024x1xf32>
    %div3A = vector.broadcast %add3A_19 : vector<1024x1xf32> to vector<1024x3xf32>
    %div3A_20 = arith.divf %slice3A, %div3A : vector<1024x3xf32>
    %broadcast_in_dim3A_21 = vector.shape_cast %gt3A_16 : vector<1024x1xi1> to vector<1024x1xi1>
    %broadcast_in_dim3A_22 = vector.broadcast %broadcast_in_dim3A_21 : vector<1024x1xi1> to vector<1024x3xi1>
    %select_n3A = arith.select %broadcast_in_dim3A_22, %div3A_20, %concatenate3A : vector<1024x3xi1>, vector<1024x3xf32>
    %mul3A_23 = arith.mulf %select_n3A, %slice3A_9 : vector<1024x3xf32>
    %reduce_sum3A_24 = arith.constant dense<0.000000e+00> : vector<1024xf32>
    %reduce_sum3A_25 = vector.multi_reduction <add>, %mul3A_23, %reduce_sum3A_24 [1] : vector<1024x3xf32> to vector<1024xf32>
    %broadcast_in_dim3A_26 = vector.shape_cast %reduce_sum3A_25 : vector<1024xf32> to vector<1024x1xf32>
    %mul3A_27 = vector.broadcast %broadcast_in_dim3A_26 : vector<1024x1xf32> to vector<1024x3xf32>
    %mul3A_28 = arith.mulf %mul3A_27, %select_n3A : vector<1024x3xf32>
    %sub3A = arith.subf %slice3A_9, %mul3A_28 : vector<1024x3xf32>
    %mul3A_29 = arith.mulf %sub3A, %sub3A : vector<1024x3xf32>
    %reduce_sum3A_30 = arith.constant dense<0.000000e+00> : vector<1024xf32>
    %reduce_sum3A_31 = vector.multi_reduction <add>, %mul3A_29, %reduce_sum3A_30 [1] : vector<1024x3xf32> to vector<1024xf32>
    %broadcast_in_dim3A_32 = vector.shape_cast %reduce_sum3A_31 : vector<1024xf32> to vector<1024x1xf32>
    %sqrt3A_33 = math.sqrt %broadcast_in_dim3A_32 : vector<1024x1xf32>
    %slice3A_34 = vector.extract_strided_slice %select_n3A {offsets = [0, 1], sizes = [1024, 1], strides = [1, 1]} : vector<1024x3xf32> to vector<1024x1xf32>
    %neg3A = arith.constant 0.000000e+00 : f32
    %neg3A_35 = vector.broadcast %neg3A : f32 to vector<1024x1xf32>
    %neg3A_36 = arith.subf %neg3A_35, %slice3A_34 : vector<1024x1xf32>
    %slice3A_37 = vector.extract_strided_slice %select_n3A {offsets = [0, 0], sizes = [1024, 1], strides = [1, 1]} : vector<1024x3xf32> to vector<1024x1xf32>
    %concatenate3A_38 = tpu.concatenate %neg3A_36, %slice3A_37, %broadcast_in_dim3A_14 in 1 : vector<1024x1xf32>, vector<1024x1xf32>, vector<1024x1xf32> -> vector<1024x3xf32>
    %mul3A_39 = arith.mulf %select_n3A, %concatenate3A_38 : vector<1024x3xf32>
    %reduce_sum3A_40 = arith.constant dense<0.000000e+00> : vector<1024xf32>
    %reduce_sum3A_41 = vector.multi_reduction <add>, %mul3A_39, %reduce_sum3A_40 [1] : vector<1024x3xf32> to vector<1024xf32>
    %broadcast_in_dim3A_42 = vector.shape_cast %reduce_sum3A_41 : vector<1024xf32> to vector<1024x1xf32>
    %mul3A_43 = vector.broadcast %broadcast_in_dim3A_42 : vector<1024x1xf32> to vector<1024x3xf32>
    %mul3A_44 = arith.mulf %mul3A_43, %select_n3A : vector<1024x3xf32>
    %sub3A_45 = arith.subf %concatenate3A_38, %mul3A_44 : vector<1024x3xf32>
    %mul3A_46 = arith.mulf %sub3A_45, %sub3A_45 : vector<1024x3xf32>
    %reduce_sum3A_47 = arith.constant dense<0.000000e+00> : vector<1024xf32>
    %reduce_sum3A_48 = vector.multi_reduction <add>, %mul3A_46, %reduce_sum3A_47 [1] : vector<1024x3xf32> to vector<1024xf32>
    %broadcast_in_dim3A_49 = vector.shape_cast %reduce_sum3A_48 : vector<1024xf32> to vector<1024x1xf32>
    %sqrt3A_50 = math.sqrt %broadcast_in_dim3A_49 : vector<1024x1xf32>
    %add3A_51 = arith.constant 9.99999997E-7 : f32
    %add3A_52 = vector.broadcast %add3A_51 : f32 to vector<1024x1xf32>
    %add3A_53 = arith.addf %sqrt3A_50, %add3A_52 : vector<1024x1xf32>
    %div3A_54 = vector.broadcast %add3A_53 : vector<1024x1xf32> to vector<1024x3xf32>
    %div3A_55 = arith.divf %sub3A_45, %div3A_54 : vector<1024x3xf32>
    %gt3A_56 = arith.constant 9.99999997E-7 : f32
    %gt3A_57 = vector.broadcast %gt3A_56 : f32 to vector<1024x1xf32>
    %gt3A_58 = arith.cmpf ogt, %sqrt3A_33, %gt3A_57 : vector<1024x1xf32>
    %add3A_59 = arith.constant 9.99999997E-7 : f32
    %add3A_60 = vector.broadcast %add3A_59 : f32 to vector<1024x1xf32>
    %add3A_61 = arith.addf %sqrt3A_33, %add3A_60 : vector<1024x1xf32>
    %div3A_62 = vector.broadcast %add3A_61 : vector<1024x1xf32> to vector<1024x3xf32>
    %div3A_63 = arith.divf %sub3A, %div3A_62 : vector<1024x3xf32>
    %broadcast_in_dim3A_64 = vector.shape_cast %gt3A_58 : vector<1024x1xi1> to vector<1024x1xi1>
    %broadcast_in_dim3A_65 = vector.broadcast %broadcast_in_dim3A_64 : vector<1024x1xi1> to vector<1024x3xi1>
    %select_n3A_66 = arith.select %broadcast_in_dim3A_65, %div3A_63, %div3A_55 : vector<1024x3xi1>, vector<1024x3xf32>
    %slice3A_67 = vector.extract_strided_slice %select_n3A {offsets = [0, 1], sizes = [1024, 1], strides = [1, 1]} : vector<1024x3xf32> to vector<1024x1xf32>
    %slice3A_68 = vector.extract_strided_slice %select_n3A_66 {offsets = [0, 2], sizes = [1024, 1], strides = [1, 1]} : vector<1024x3xf32> to vector<1024x1xf32>
    %mul3A_69 = arith.mulf %slice3A_67, %slice3A_68 : vector<1024x1xf32>
    %slice3A_70 = vector.extract_strided_slice %select_n3A {offsets = [0, 2], sizes = [1024, 1], strides = [1, 1]} : vector<1024x3xf32> to vector<1024x1xf32>
    %slice3A_71 = vector.extract_strided_slice %select_n3A_66 {offsets = [0, 1], sizes = [1024, 1], strides = [1, 1]} : vector<1024x3xf32> to vector<1024x1xf32>
    %mul3A_72 = arith.mulf %slice3A_70, %slice3A_71 : vector<1024x1xf32>
    %sub3A_73 = arith.subf %mul3A_69, %mul3A_72 : vector<1024x1xf32>
    %slice3A_74 = vector.extract_strided_slice %select_n3A {offsets = [0, 2], sizes = [1024, 1], strides = [1, 1]} : vector<1024x3xf32> to vector<1024x1xf32>
    %slice3A_75 = vector.extract_strided_slice %select_n3A_66 {offsets = [0, 0], sizes = [1024, 1], strides = [1, 1]} : vector<1024x3xf32> to vector<1024x1xf32>
    %mul3A_76 = arith.mulf %slice3A_74, %slice3A_75 : vector<1024x1xf32>
    %slice3A_77 = vector.extract_strided_slice %select_n3A {offsets = [0, 0], sizes = [1024, 1], strides = [1, 1]} : vector<1024x3xf32> to vector<1024x1xf32>
    %slice3A_78 = vector.extract_strided_slice %select_n3A_66 {offsets = [0, 2], sizes = [1024, 1], strides = [1, 1]} : vector<1024x3xf32> to vector<1024x1xf32>
    %mul3A_79 = arith.mulf %slice3A_77, %slice3A_78 : vector<1024x1xf32>
    %sub3A_80 = arith.subf %mul3A_76, %mul3A_79 : vector<1024x1xf32>
    %slice3A_81 = vector.extract_strided_slice %select_n3A {offsets = [0, 0], sizes = [1024, 1], strides = [1, 1]} : vector<1024x3xf32> to vector<1024x1xf32>
    %slice3A_82 = vector.extract_strided_slice %select_n3A_66 {offsets = [0, 1], sizes = [1024, 1], strides = [1, 1]} : vector<1024x3xf32> to vector<1024x1xf32>
    %mul3A_83 = arith.mulf %slice3A_81, %slice3A_82 : vector<1024x1xf32>
    %slice3A_84 = vector.extract_strided_slice %select_n3A {offsets = [0, 1], sizes = [1024, 1], strides = [1, 1]} : vector<1024x3xf32> to vector<1024x1xf32>
    %slice3A_85 = vector.extract_strided_slice %select_n3A_66 {offsets = [0, 0], sizes = [1024, 1], strides = [1, 1]} : vector<1024x3xf32> to vector<1024x1xf32>
    %mul3A_86 = arith.mulf %slice3A_84, %slice3A_85 : vector<1024x1xf32>
    %sub3A_87 = arith.subf %mul3A_83, %mul3A_86 : vector<1024x1xf32>
    %concatenate3A_88 = tpu.concatenate %sub3A_73, %sub3A_80, %sub3A_87 in 1 : vector<1024x1xf32>, vector<1024x1xf32>, vector<1024x1xf32> -> vector<1024x3xf32>
    %mul3A_89 = arith.mulf %concatenate3A_88, %concatenate3A_88 : vector<1024x3xf32>
    %reduce_sum3A_90 = arith.constant dense<0.000000e+00> : vector<1024xf32>
    %reduce_sum3A_91 = vector.multi_reduction <add>, %mul3A_89, %reduce_sum3A_90 [1] : vector<1024x3xf32> to vector<1024xf32>
    %broadcast_in_dim3A_92 = vector.shape_cast %reduce_sum3A_91 : vector<1024xf32> to vector<1024x1xf32>
    %sqrt3A_93 = math.sqrt %broadcast_in_dim3A_92 : vector<1024x1xf32>
    %add3A_94 = arith.constant 9.99999997E-7 : f32
    %add3A_95 = vector.broadcast %add3A_94 : f32 to vector<1024x1xf32>
    %add3A_96 = arith.addf %sqrt3A_93, %add3A_95 : vector<1024x1xf32>
    %div3A_97 = vector.broadcast %add3A_96 : vector<1024x1xf32> to vector<1024x3xf32>
    %div3A_98 = arith.divf %concatenate3A_88, %div3A_97 : vector<1024x3xf32>
    %broadcast_in_dim3A_99 = arith.constant 0.000000e+00 : f32
    %broadcast_in_dim3A_100 = vector.broadcast %broadcast_in_dim3A_99 : f32 to vector<1024x7xf32>
    %slice3A_101 = vector.extract_strided_slice %select_n3A {offsets = [0, 0], sizes = [1024, 1], strides = [1, 1]} : vector<1024x3xf32> to vector<1024x1xf32>
    %slice3A_102 = vector.extract_strided_slice %select_n3A_66 {offsets = [0, 0], sizes = [1024, 1], strides = [1, 1]} : vector<1024x3xf32> to vector<1024x1xf32>
    %slice3A_103 = vector.extract_strided_slice %div3A_98 {offsets = [0, 0], sizes = [1024, 1], strides = [1, 1]} : vector<1024x3xf32> to vector<1024x1xf32>
    %slice3A_104 = vector.extract_strided_slice %select_n3A {offsets = [0, 1], sizes = [1024, 1], strides = [1, 1]} : vector<1024x3xf32> to vector<1024x1xf32>
    %slice3A_105 = vector.extract_strided_slice %select_n3A_66 {offsets = [0, 1], sizes = [1024, 1], strides = [1, 1]} : vector<1024x3xf32> to vector<1024x1xf32>
    %slice3A_106 = vector.extract_strided_slice %div3A_98 {offsets = [0, 1], sizes = [1024, 1], strides = [1, 1]} : vector<1024x3xf32> to vector<1024x1xf32>
    %slice3A_107 = vector.extract_strided_slice %select_n3A {offsets = [0, 2], sizes = [1024, 1], strides = [1, 1]} : vector<1024x3xf32> to vector<1024x1xf32>
    %slice3A_108 = vector.extract_strided_slice %select_n3A_66 {offsets = [0, 2], sizes = [1024, 1], strides = [1, 1]} : vector<1024x3xf32> to vector<1024x1xf32>
    %slice3A_109 = vector.extract_strided_slice %div3A_98 {offsets = [0, 2], sizes = [1024, 1], strides = [1, 1]} : vector<1024x3xf32> to vector<1024x1xf32>
    %concatenate3A_110 = tpu.concatenate %slice3A_101, %slice3A_102, %slice3A_103, %slice3A_104, %slice3A_105, %slice3A_106, %slice3A_107, %slice3A_108, %slice3A_109, %broadcast_in_dim3A_100 in 1 : vector<1024x1xf32>, vector<1024x1xf32>, vector<1024x1xf32>, vector<1024x1xf32>, vector<1024x1xf32>, vector<1024x1xf32>, vector<1024x1xf32>, vector<1024x1xf32>, vector<1024x1xf32>, vector<1024x7xf32> -> vector<1024x16xf32>
    %swap3A = arith.constant 0 : index
    %swap3A_111 = arith.constant 0 : index
    %swap3A_112 = vector.load %arg2[%swap3A, %swap3A_111] : memref<1024x16xf32, #tpu.memory_space<vmem>>, vector<1024x16xf32>
    tpu.vector_store %arg2[%swap3A, %swap3A_111], %concatenate3A_110 {strides = array<i32>} : memref<1024x16xf32, #tpu.memory_space<vmem>>, vector<1024x16xf32>,
    return
  }
  func.func @transform_0(%arg0: i32) -> (i32, i32, i32) {
    %c0_i32 = arith.constant 0 : i32
    %c0_i32_0 = arith.constant 0 : i32
    %c0_i32_1 = arith.constant 0 : i32
    return %c0_i32, %arg0, %c0_i32_0 : i32, i32, i32
  }
  func.func @transform_1(%arg0: i32) -> (i32, i32) {
    %c0_i32 = arith.constant 0 : i32
    %c0_i32_0 = arith.constant 0 : i32
    return %arg0, %c0_i32 : i32, i32
  }
}

</mosaic_0001>

<sc_bundles>
// kernel: kernel.10.cloned.1.call-start
scs
__scs_entry_jumppad:
0x0: {  	(pc) =	sbr.rel $0x88, $3  }
0x1: {  	(tag) =	ssettag $0x0;
	lr =	simm.s32 $0x1  }
0x2: {  	[smem:$0x3F96] =	sst lr;
	_ =	strace $0xD0000000  }
0x3: {  	_ = 	snop  }
0x4: {  	_ = 	snop  }
0x5: {  	_ = 	snop  }
0x6: {  	_ = 	snop  }
0x7: {  	_ = 	snop  }
__scs_overlays_trampoline_lowered:
0x8: {  	[smem:$0x3FA5] =	sst s0  }
0x9: {  	[smem:$0x3FA6] =	sst s1  }
0xa: {  	[smem:$0x3FA7] =	sst s2  }
0xb: {  	[smem:$0x3FA8] =	sst s3  }
0xc: {  	[smem:$0x3FA9] =	sst s4  }
0xd: {  	[smem:$0x3FAA] =	sst s5  }
0xe: {  	[smem:$0x3FAB] =	sst s6  }
0xf: {  	[smem:$0x3FAC] =	sst s7  }
0x10: {  	[smem:$0x3FAD] =	sst s8  }
0x11: {  	[smem:$0x3FAE] =	sst s9;
	s0 =	simm.s32 @!p0 $0x0  }
0x12: {  	s1 =	sld [smem:$0x3F94];
	s0 =	simm.s32 @p0 $0x1  }
0x13: {  	[smem:$0x3FAF] =	sst s0;
	s0 =	simm.s32 @!p1 $0x0  }
0x14: {  	s2 =	sld [smem:$0x3F93];
	s0 =	simm.s32 @p1 $0x1  }
0x15: {  	[smem:$0x3FB0] =	sst s0;
	s0 =	simm.s32 @!p2 $0x0  }
0x16: {  	s3 =	sld [smem:$0x3FDB];
	s0 =	simm.s32 @p2 $0x1  }
0x17: {  	s4 =	simm.s32 $0x1BF5;
	[smem:$0x3FB2] =	sst s0  }
0x18: {  	s0 =	sld [smem:$0x3F95];
	_ =	swait.ge [sflag:s4], $0x0  }
0x19: {  	s7 =	sld [smem:$0x3F96]  }
0x1a: {  	s8 =	sadd.s32 $0xFFFFE003, lr  }
0x1b: {  	s9 =	sadd.s32 $0xFFFFFEF7, lr;
	s5 =	simm.s32 $0xFFFFFFFF;
	p2 =	slt.u32 s8, $0xFFFFF086  }
0x1c: {  	p1 =	slt.u32 s9, $0xF7A;
	s5 =	simm.s32 @!p2 $0x0  }
0x1d: {  	s5 =	simm.s32 @p1 $0x1;
	p0 =	seq.s32 s7, s2  }
0x1e: {  	s7 =	smul.u32 @!p0 $0xF7A, s2;
	p2 =	seq.s32 @!p0 s5, $0x0  }
0x1f: {  	s9 =	smul.u32 $0xF7A, s1;
	s8 =	simm.s32 @!p0 $0x1BF5;
	p2 =	por !p2, p0  }
0x20: {  	[sflag:s8] =	ssyncset.s32 @!p0 $0xFFFFF086;
	s6 =	sadd.s32 @!p0 s3, s7;
	s7 =	simm.s32 @!p0 $0x108  }
0x21: {  	s3 =	sadd.s32 s3, s9;
	s6 =	sadd.s32 @!p0 $0x88, s6;
	s7 =	simm.s32 @p2 $0x1082  }
0x22: {  	[simem:s7], [sflag:s8] =	dma.local @!p0 [hbm:s6], $0xF7A  }
0x23: {  	s9 =	sor.u32 $0xD0000000, s2;
	s6 =	simm.s32 $0x108;
	_ =	swait.ge @!p0 [sflag:s8], $0x0  }
0x24: {  	s3 =	sadd.s32 $0x88, s3;
	s6 =	simm.s32 @!p1 $0x1082;
	[sflag:s4] =	ssyncset.s32 $0xFFFFF086  }
0x25: {  	[simem:s6], [sflag:s4] =	dma.local [hbm:s3], $0xF7A  }
0x26: {  	[smem:$0x3F96] =	sst s1;
	(tag) =	ssettag s2;
	_ =	strace s9  }
0x27: {  	s1 =	sld [smem:$0x3FA6]  }
0x28: {  	s2 =	sld [smem:$0x3FA7]  }
0x29: {  	s4 =	sld [smem:$0x3FA9]  }
0x2a: {  	p0 =	seq.s32 s5, $0x0;
	s5 =	sld [smem:$0x3FAA]  }
0x2b: {  	s6 =	sld [smem:$0x3FAB]  }
0x2c: {  	s7 =	sld [smem:$0x3FAC]  }
0x2d: {  	s3 =	simm.s32 $0x108;
	s8 =	sld [smem:$0x3FAD]  }
0x2e: {  	s3 =	simm.s32 @!p0 $0x1082;
	s9 =	sld [smem:$0x3FAE]  }
0x2f: {  	lr =	sadd.s32 s0, s3;
	s0 =	sld [smem:$0x3FA5]  }
0x30: {  	s3 =	sld [smem:$0x3FA8]  }
0x31: {  	[smem:$0x3FB1] =	sst s10  }
0x32: {  	s10 =	sld [smem:$0x3FAF];
	_ =	sdelay $0x3  }
0x33: {  	p0 =	seq.s32 s10, $0x1;
	s10 =	sld [smem:$0x3FB1];
	_ =	sdelay $0x3  }
0x34: {  	[smem:$0x3FB1] =	sst s10  }
0x35: {  	s10 =	sld [smem:$0x3FB0];
	_ =	sdelay $0x3  }
0x36: {  	p1 =	seq.s32 s10, $0x1;
	s10 =	sld [smem:$0x3FB1];
	_ =	sdelay $0x3  }
0x37: {  	[smem:$0x3FB1] =	sst s10  }
0x38: {  	s10 =	sld [smem:$0x3FB2]  }
0x39: {  	_ = 	snop;
	(pc) =	sbr.ind lr, $3  }
0x3a: {  	_ = 	snop  }
0x3b: {  	_ = 	snop  }
0x3c: {  	p2 =	seq.s32 s10, $0x1;
	s10 =	sld [smem:$0x3FB1]  }
0x3d: {  	_ =	shalt  }
0x3e: {  	_ =	shalt  }
0x3f: {  	_ =	shalt  }
0x40: {  	_ =	shalt  }
0x41: {  	_ =	shalt  }
0x42: {  	_ =	shalt  }
0x43: {  	_ =	shalt  }
0x44: {  	_ =	shalt  }
0x45: {  	_ =	shalt  }
0x46: {  	_ =	shalt  }
0x47: {  	_ =	shalt  }
0x48: {  	_ =	shalt  }
0x49: {  	_ =	shalt  }
0x4a: {  	_ =	shalt  }
0x4b: {  	_ =	shalt  }
0x4c: {  	_ =	shalt  }
0x4d: {  	_ =	shalt  }
0x4e: {  	_ =	shalt  }
0x4f: {  	_ =	shalt  }
0x50: {  	_ =	shalt  }
0x51: {  	_ =	shalt  }
0x52: {  	_ =	shalt  }
0x53: {  	_ =	shalt  }
0x54: {  	_ =	shalt  }
0x55: {  	_ =	shalt  }
0x56: {  	_ =	shalt  }
0x57: {  	_ =	shalt  }
0x58: {  	_ =	shalt  }
0x59: {  	_ =	shalt  }
0x5a: {  	_ =	shalt  }
0x5b: {  	_ =	shalt  }
0x5c: {  	_ =	shalt  }
0x5d: {  	_ =	shalt  }
0x5e: {  	_ =	shalt  }
0x5f: {  	_ =	shalt  }
0x60: {  	_ =	shalt  }
0x61: {  	_ =	shalt  }
0x62: {  	_ =	shalt  }
0x63: {  	_ =	shalt  }
0x64: {  	_ =	shalt  }
0x65: {  	_ =	shalt  }
0x66: {  	_ =	shalt  }
0x67: {  	_ =	shalt  }
0x68: {  	_ =	shalt  }
0x69: {  	_ =	shalt  }
0x6a: {  	_ =	shalt  }
0x6b: {  	_ =	shalt  }
0x6c: {  	_ =	shalt  }
0x6d: {  	_ =	shalt  }
0x6e: {  	_ =	shalt  }
0x6f: {  	_ =	shalt  }
0x70: {  	_ =	shalt  }
0x71: {  	_ =	shalt  }
0x72: {  	_ =	shalt  }
0x73: {  	_ =	shalt  }
0x74: {  	_ =	shalt  }
0x75: {  	_ =	shalt  }
0x76: {  	_ =	shalt  }
0x77: {  	_ =	shalt  }
0x78: {  	_ =	shalt  }
0x79: {  	_ =	shalt  }
0x7a: {  	_ =	shalt  }
0x7b: {  	_ =	shalt  }
0x7c: {  	_ =	shalt  }
0x7d: {  	_ =	shalt  }
0x7e: {  	_ =	shalt  }
0x7f: {  	_ =	shalt  }
0x80: {  	_ =	shalt  }
0x81: {  	_ =	shalt  }
0x82: {  	_ =	shalt  }
0x83: {  	_ =	shalt  }
0x84: {  	_ =	shalt  }
0x85: {  	_ =	shalt  }
0x86: {  	_ =	shalt  }
0x87: {  	_ =	shalt  }
.Lfunc_end0:
.L_simem_size_0:
called_computation.1_lowered:
.L_overlay_start_0:
0x88: {  	s2 =	sld [smem:$0x3FD9]  }
0x89: {  	s3 =	sld [smem:$0x3FFE];
	_ =	sdelay $0x1  }
0x8a: {  	s1 =	srdreg.scid  }
0x8b: {  	s0 =	sand.u32 $0x1, s1  }
0x8c: {  	s16 =	sshll.u32 s0, $0xA;
	s2 =	sadd.s32 s3, s2  }
0x8d: {  	s2 =	sadd.s32 s2, s16  }
0x8e: {  	[smem:$0x3FBD] =	sst s2  }
0x8f: {  	_ = 	snop  }
0x90: {  	(tm) =	ssettm $0x1  }
0x91: {  	s17 =	sld [smem:$0x3FFB];
	_ =	sdelay $0x3  }
0x92: {  	_ =	strace s17  }
0x93: {  	s2 =	sld [smem:$0x3FFC];
	_ =	sdelay $0x3  }
0x94: {  	_ =	strace s2  }
0x95: {  	s2 =	sld [smem:$0x3FFD];
	_ =	sdelay $0x3  }
0x96: {  	_ =	strace s2  }
0x97: {  	_ =	strace $0x8FFFFFFF  }
0x98: {  	s18 =	sld [smem:$0x3FDB];
	_ =	sdelay $0x1  }
0x99: {  	s19 =	simm.s32 $_scs_section_size  }
0x9a: {  	s4 =	simm.s32 $_size__tile_overlayer_lowered;
	s5 =	simm.s32 $_tile_overlayer_lowered  }
0x9b: {  	s22 =	simm.s32 $0x1BFF;
	s21 =	sshll.u32 s5, $0x1;
	s2 =	sadd.s32 s19, s18  }
0x9c: {  	s6 =	simm.s32 $0x0;
	s20 =	sshll.u32 s4, $0x1;
	s4 =	sadd.s32 s21, s2  }
0x9d: {  	[timem:s6], [sflag:s22] =	dma.local [hbm:s4], s20  }
0x9e: {  	_ =	swait.ge [sflag:s22], s20  }
0x9f: {  	s3 =	ssub.s32 $0x0, s20;
	[sflag:s22] =	ssyncset.done $0x0  }
0xa0: {  	[sflag:s22] =	ssyncadd.s32 s3;
	_ =	sdelay $0x1  }
0xa1: {  	s23 =	simm.s32 $0x1B8B  }
0xa2: {  	_ =	swait.ge [sflag:s23], $0x1  }
0xa3: {  	[sflag:s23] =	ssyncset.done $0x0  }
0xa4: {  	s25 =	simm.s32 $0x1B8E;
	s24 =	sld [smem:$0x3FFE];
	[sflag:s23] =	ssyncadd.s32 $0xFFFFFFFF  }
0xa5: {  	s26 =	simm.s32 $execute0_lowered;
	[smem:$0x3FD2] =	sst s25  }
0xa6: {  	s4 =	sshll.u32 s26, $0x1;
	_ =	strace $0x80000049;
	[dreg:$0x1] =	wrdreg $0xFFFFFFFF  }
0xa7: {  	s28 =	simm.s32 $_size_execute0_lowered;
	s2 =	sadd.s32 s2, s4;
	[dreg:$0x0] =	wrdreg $0x0  }
0xa8: {  	s4 =	sshll.u32 s28, $0x1;
	[dreg:$0x2] =	wrdreg s2  }
0xa9: {  	[dreg:$0x3] =	wrdreg s4  }
0xaa: {  	[dreg:$0x4] =	wrdreg $0xC0  }
0xab: {  	_ =	task [dreg:s6], $0x5FFFF  }
0xac: {  	[dreg:$0x1] =	wrdreg $0xFFFFFFFF  }
0xad: {  	[dreg:$0x0] =	wrdreg $0x60  }
0xae: {  	[dreg:$0x2] =	wrdreg s24  }
0xaf: {  	[dreg:$0x3] =	wrdreg $0x38000  }
0xb0: {  	[dreg:$0x4] =	wrdreg $0x9  }
0xb1: {  	_ =	task.clear_ibuf [dreg:s6], $0x5FFFF;
	_ =	strace $0x90000049  }
0xb2: {  	s29 =	simm.s32 $0x9;
	_ =	strace $0x8000004B  }
0xb3: {  	_ =	swait.ge [sflag:s29], $0x1  }
0xb4: {  	[sflag:s29] =	ssyncadd.s32 $0xFFFFFFFF  }
0xb5: {  	_ =	strace $0x9000004B  }
0xb6: {  	_ =	sfence  }
0xb7: {  	s30 =	sld [smem:$0x0];
	_ =	sdelay $0x2  }
0xb8: {  	s31 =	sshll.u32 s1, $0xD;
	s1 =	sshrl.u32 s1, $0x2  }
0xb9: {  	s3 =	sand.u32 $0x4000, s31;
	s1 =	sadd.s32 s1, s30  }
0xba: {  	s0 =	sor.u32 s3, s0;
	s1 =	sshll.u32 s1, $0x11  }
0xbb: {  	s0 =	sor.u32 s1, s0  }
0xbc: {  	s0 =	sadd.s32 $0x8F2B, s0  }
0xbd: {  	[sflag:s0] =	ssyncadd.remote.s32 $0x1  }
0xbe: {  	_ =	sfence.sel $0xFFFF  }
0xbf: {  	[dreg:$0x0] =	wrdreg $0xFFFFFFFF;
	(pc) =	sbr.abs _section_cstart, $3  }
0xc0: {  	[dreg:$0x1] =	wrdreg $0xFFFFFFFF  }
0xc1: {  	_ =	task.clear_ibuf [dreg:s6], $0x2FFFF;
	_ =	strace $0x9FFFFFFF  }
0xc2: {  	(tm) =	ssettm $0x7FFFFFFF  }
0xc3: {  	_ =	shalt  }
tec
execute0_lowered:
.L_overlay_start_1:
0x0: {  	(tag) =	ssettag $0x1  }
0x1: {  	s1 =	srdreg.scid;
	s0 =	stileid.u32  }
0x2: {  	s4 =	rddreg [dreg:$0x0];
	s3 =	simm.s32 $0x0;
	s16 =	simm.s32 $0x6  }
0x3: {  	s17 =	simm.s32 $0x1000;
	s18 =	simm.s32 $0x5;
	s19 =	simm.s32 $0x800  }
0x4: {  	s20 =	simm.s32 $0x1;
	s21 =	simm.s32 $0x80;
	s22 =	simm.s32 $0x3  }
0x5: {  	s23 =	simm.s32 $0x2;
	s24 =	simm.s32 $0x4;
	s9 =	smul.u32 $0x2800, s0  }
0x6: {  	s28 =	simm.s32 $0x3780;
	s29 =	simm.s32 $0x0;
	s8 =	smul.u32 $0xA000, s0  }
0x7: {  	s1 =	sand.u32 $0x1, s1;
	s2 =	sshll.u32 s0, $0x1;
	s13 =	smul.u32 $0x50000, s0  }
0x8: {  	[smem:$0x7FF] =	sst s3;
	s5 =	sor.u32 s1, s2;
	s12 =	smul.u32 $0x28000, s1  }
0x9: {  	s15 =	sadd.s32 $0xB400, s4;
	s2 =	rddreg [dreg:$0x1];
	s6 =	smul.u32 $0x500, s5  }
0xa: {  	_ =	strace $0x8000004A;
	s1 =	ssub.s32 $0x2, s1;
	s5 =	smul.u32 $0x5000, s5  }
0xb: {  	s26 =	sshrl.u32 s1, $0x1;
	s30 =	sshrl.u32 s8, $0x2;
	s25 =	sadd.s32 s9, s2  }
0xc: {  	s7 =	sadd.s32 s9, s12;
	s1 =	ssub.s32 s1, s26;
	s31 =	sadd.s32 s12, s13  }
0xd: {  	s25 =	sshrl.u32 s25, $0x3;
	s26 =	simm.s32 $0x3700;
	s6 =	sadd.s32 s6, s4  }
0xe: {  	s7 =	sshrl.u32 s7, $0x3;
	s5 =	sadd.s32 s15, s5;
	s9 =	smax.u32 s1, $0x1  }
0xf: {  	s14 =	sor.u32 $0x1800, s31;
	s1 =	sor.u32 $0x1000, s31;
	s10 =	sadd.s32 s7, s4  }
0x10: {  	s4 =	sadd.s32 s30, s2;
	s6 =	sadd.s32 $0x1400, s6;
	s7 =	sadd.s32 $0x100, s5  }
0x11: {  	s14 =	sshrl.u32 s14, $0x3;
	s1 =	sshrl.u32 s1, $0x3;
	s8 =	sadd.s32 $0xAB400, s10  }
0x12: {  	s10 =	sadd.s32 $0x800, s4;
	s11 =	sadd.s32 $0x1000, s4;
	s12 =	sadd.s32 $0x1800, s4  }
0x13: {  	v0 =	vimm.f32 $0.0e+00;
	s13 =	sadd.s32 $0x2000, s4;
	s14 =	sadd.s32 s14, s15;
	s15 =	sadd.s32 s1, s15  }
.LBB2_1:
0x14: {  	s30 =	simm.s32 $0x40;
	s1 =	simm.s32 $0x0  }
.LBB2_2:
0x15: {  	p0 =	sne.s32 s30, $0x1FC0;
	[tilespmem:s1+$0x0] =	vst v0;
	s1 =	smov.u32 s30;
	s30 =	sadd.s32 $0x40, s30  }
.Ltmp0:
0x16: {  	(pc) =	sbr.rel @p0 .LBB2_2-.Ltmp0, $2  }
0x17: {  	_ =	sdelay $0x2  }
0x18: {  	s1 =	sshra.s32 s1, $0x2  }
0x19: {  	[tilespmem:s1+$0x0] =	vst v0;
	s0 =	simm.s32 $0x0  }
0x1a: {  	[spmem:s4] =	stream.linear.scatter [tilespmem:s0], [sflag:$0x6], $0x800, $0x38;
	[tilespmem:$0x6000] =	vst v63  }
0x1b: {  	_ =	swait.ge [sflag:s16], $0x800  }
0x1c: {  	[sflag:s16] =	ssyncset.done $0x0  }
0x1d: {  	[sflag:s16] =	ssyncadd.s32 $0xFFFFF800  }
0x1e: {  	[spmem:s10] =	stream.linear.scatter [tilespmem:s0], [sflag:$0x6], $0x800, $0x38;
	[tilespmem:$0x6000] =	vst v63  }
0x1f: {  	_ =	swait.ge [sflag:s16], $0x800  }
0x20: {  	[sflag:s16] =	ssyncset.done $0x0  }
0x21: {  	[sflag:s16] =	ssyncadd.s32 $0xFFFFF800  }
0x22: {  	[spmem:s11] =	stream.linear.scatter [tilespmem:s0], [sflag:$0x6], $0x800, $0x38;
	[tilespmem:$0x6000] =	vst v63  }
0x23: {  	_ =	swait.ge [sflag:s16], $0x800  }
0x24: {  	[sflag:s16] =	ssyncset.done $0x0  }
0x25: {  	[sflag:s16] =	ssyncadd.s32 $0xFFFFF800  }
0x26: {  	[spmem:s12] =	stream.linear.scatter [tilespmem:s0], [sflag:$0x6], $0x800, $0x38;
	[tilespmem:$0x6000] =	vst v63  }
0x27: {  	_ =	swait.ge [sflag:s16], $0x800  }
0x28: {  	[sflag:s16] =	ssyncset.done $0x0  }
0x29: {  	[sflag:s16] =	ssyncadd.s32 $0xFFFFF800  }
0x2a: {  	[spmem:s13] =	stream.linear.scatter [tilespmem:s0], [sflag:$0x6], $0x800, $0x38;
	[tilespmem:$0x6000] =	vst v63  }
0x2b: {  	_ =	swait.ge [sflag:s16], $0x800  }
0x2c: {  	[sflag:s16] =	ssyncset.done $0x0  }
0x2d: {  	[sflag:s16] =	ssyncadd.s32 $0xFFFFF800  }
0x2e: {  	[tilespmem:s17], [sflag:$0x5] =	stream.linear.gather [hbm4b:s6+s0], $0x2800, $0x38;
	[tilespmem:$0x6000] =	vst v63  }
0x2f: {  	_ =	swait.ge [sflag:s18], $0x2800  }
0x30: {  	[sflag:s18] =	ssyncset.done $0x0  }
0x31: {  	[sflag:s18] =	ssyncadd.s32 $0xFFFFD800  }
0x32: {  	[bflag:$0x0] =	sbarrier.arrive $0xFFFF  }
0x33: {  	[tilespmem:s0], [sflag:$0x1] =	stream.linear.gather [hbm4b:s5+s0], $0x800, $0x38;
	[tilespmem:$0x6000] =	vst v63  }
0x34: {  	_ = 	snop  }
0x35: {  	[tilespmem:s19], [sflag:$0x2] =	stream.linear.gather [hbm4b:s7+s0], $0x800, $0x38;
	[tilespmem:$0x6000] =	vst v63  }
0x36: {  	_ =	swait.ge [sflag:s20], $0x800  }
0x37: {  	[sflag:s20] =	ssyncset.done $0x0  }
0x38: {  	s0 =	simm.s32 $0x1000;
	[sflag:s20] =	ssyncadd.s32 $0xFFFFF800  }
0x39: {  	[spmem:s2] =	stream.indirect.scatter.add.f32 [tilespmem:s3], [sflag:$0x3], $0x10, s0, s21, $0xb8;
	[tilespmem:$0x6000] =	vst v63  }
0x3a: {  	_ =	swait.ge [sflag:s22], $0x800  }
0x3b: {  	[sflag:s22] =	ssyncset.done $0x0  }
0x3c: {  	s0 =	sadd.s32 $0x0, s15;
	[sflag:s22] =	ssyncadd.s32 $0xFFFFF800  }
0x3d: {  	[tilespmem:s3], [sflag:$0x1] =	stream.linear.gather [hbm4b:s0+s3], $0x800, $0x38;
	[tilespmem:$0x6000] =	vst v63  }
0x3e: {  	_ =	swait.ge [sflag:s23], $0x800  }
0x3f: {  	[sflag:s23] =	ssyncset.done $0x0  }
0x40: {  	s0 =	simm.s32 $0x1080;
	[sflag:s23] =	ssyncadd.s32 $0xFFFFF800  }
0x41: {  	[spmem:s2] =	stream.indirect.scatter.add.f32 [tilespmem:s19], [sflag:$0x4], $0x10, s0, s21, $0xb8;
	[tilespmem:$0x6000] =	vst v63  }
0x42: {  	_ =	swait.ge [sflag:s24], $0x800  }
0x43: {  	s30 =	simm.s32 $0x200;
	[sflag:s24] =	ssyncset.done $0x0  }
0x44: {  	s1 =	sadd.s32 $0x0, s14;
	s31 =	simm.s32 $0x1180;
	[sflag:s24] =	ssyncadd.s32 $0xFFFFF800  }
.LBB2_4:
0x45: {  	[tilespmem:s19], [sflag:$0x2] =	stream.linear.gather [hbm4b:s1+s3], $0x800, $0x38;
	[tilespmem:$0x6000] =	vst v63  }
0x46: {  	s1 =	smov.u32 s30  }
0x47: {  	p0 =	sne.s32 s30, $0x4C00;
	s30 =	sadd.s32 $0x200, s30;
	_ =	swait.ge [sflag:s20], $0x800  }
0x48: {  	[sflag:s20] =	ssyncset.done $0x0  }
0x49: {  	s0 =	sadd.s32 $0xFFFFFF80, s31;
	[sflag:s20] =	ssyncadd.s32 $0xFFFFF800  }
0x4a: {  	[spmem:s2] =	stream.indirect.scatter.add.f32 [tilespmem:s3], [sflag:$0x3], $0x10, s0, s21, $0xb8;
	[tilespmem:$0x6000] =	vst v63  }
0x4b: {  	_ =	swait.ge [sflag:s22], $0x800  }
0x4c: {  	[sflag:s22] =	ssyncset.done $0x0  }
0x4d: {  	s0 =	sadd.s32 s1, s15;
	[sflag:s22] =	ssyncadd.s32 $0xFFFFF800  }
0x4e: {  	[tilespmem:s3], [sflag:$0x1] =	stream.linear.gather [hbm4b:s0+s3], $0x800, $0x38;
	[tilespmem:$0x6000] =	vst v63  }
0x4f: {  	_ =	swait.ge [sflag:s23], $0x800  }
0x50: {  	[sflag:s23] =	ssyncset.done $0x0  }
.Ltmp1:
0x51: {  	[sflag:s23] =	ssyncadd.s32 $0xFFFFF800;
	(pc) =	sbr.rel @p0 .LBB2_4-.Ltmp1, $4  }
0x52: {  	[spmem:s2] =	stream.indirect.scatter.add.f32 [tilespmem:s19], [sflag:$0x4], $0x10, s31, s21, $0xb8;
	[tilespmem:$0x6000] =	vst v63  }
0x53: {  	_ =	swait.ge [sflag:s24], $0x800  }
0x54: {  	[sflag:s24] =	ssyncset.done $0x0  }
0x55: {  	s1 =	sadd.s32 s1, s14;
	s31 =	sadd.s32 $0x100, s31;
	[sflag:s24] =	ssyncadd.s32 $0xFFFFF800  }
0x56: {  	[tilespmem:s19], [sflag:$0x2] =	stream.linear.gather [hbm4b:s1+s3], $0x800, $0x38;
	[tilespmem:$0x6000] =	vst v63  }
0x57: {  	_ =	swait.ge [sflag:s20], $0x800  }
0x58: {  	[sflag:s20] =	ssyncset.done $0x0  }
0x59: {  	[sflag:s20] =	ssyncadd.s32 $0xFFFFF800  }
0x5a: {  	[spmem:s2] =	stream.indirect.scatter.add.f32 [tilespmem:s3], [sflag:$0x3], $0x10, s26, s21, $0xb8;
	[tilespmem:$0x6000] =	vst v63  }
0x5b: {  	_ =	swait.ge [sflag:s22], $0x800  }
0x5c: {  	[sflag:s22] =	ssyncset.done $0x0  }
0x5d: {  	[sflag:s22] =	ssyncadd.s32 $0xFFFFF800  }
0x5e: {  	_ =	swait.ge [sflag:s23], $0x800  }
0x5f: {  	[sflag:s23] =	ssyncset.done $0x0  }
0x60: {  	[sflag:s23] =	ssyncadd.s32 $0xFFFFF800  }
0x61: {  	[spmem:s2] =	stream.indirect.scatter.add.f32 [tilespmem:s19], [sflag:$0x4], $0x10, s28, s21, $0xb8;
	[tilespmem:$0x6000] =	vst v63  }
0x62: {  	_ =	swait.ge [sflag:s24], $0x800  }
0x63: {  	s0 =	stileid.u32;
	s29 =	sadd.s32 $0x1, s29;
	[sflag:s24] =	ssyncset.done $0x0  }
0x64: {  	s0 =	sshll.u32 s0, $0x6;
	p0 =	sne.s32 s29, s9;
	[sflag:s24] =	ssyncadd.s32 $0xFFFFF800  }
.Ltmp2:
0x65: {  	s0 =	sor.u32 $0x1C06, s0;
	[bflag:$0x0] =	sbarrier.arrive $0xFFFF;
	(pc) =	sbr.rel @p0 .LBB2_1-.Ltmp2, $4  }
0x66: {  	[hbm:s8], [sflag:s0] =	dma.local [spmem:s25], $0x500  }
0x67: {  	_ =	swait.ge [sflag:s16], $0x500  }
0x68: {  	[sflag:s16] =	ssyncset.done $0x0  }
0x69: {  	[sflag:s16] =	ssyncadd.s32 $0xFFFFFB00  }
0x6a: {  	_ =	sfence.sel $0x180000  }
0x6b: {  	[bflag:$0x0] =	sbarrier.arrive $0xFFFF  }
0x6c: {  	_ =	strace $0x9000004A  }
0x6d: {  	s0 =	stileid.u32;
	[bflag:$0x2] =	sbarrier.arrive $0xFFFF  }
0x6e: {  	p0 =	sne.s32 s0, $0x0;
	s0 =	rddreg [dreg:$0x2]  }
0x6f: {  	s0 =	sadd.s32 @!p0 $0x100000, s0  }
0x70: {  	[sflag:s0] =	ssyncadd.tile.s32 @!p0 $0x1;
	_ =	shalt  }
.Lfunc_end2:
_tile_overlayer_lowered:
.L_overlay_start_2:
0x71: {  	(tag) =	ssettag $0x2  }
0x72: {  	s0 =	rddreg [dreg:$0x0];
	s2 =	stileid.u32  }
0x73: {  	s1 =	rddreg [dreg:$0x1];
	p0 =	sne.s32 s2, $0x0  }
0x74: {  	s3 =	rddreg [dreg:$0x2];
	[bflag:$0x3] =	sbarrier.arrive $0xFFFF;
	s2 =	simm.s32 @!p0 $0x1C06  }
0x75: {  	[timem:s3], [sflag:s2] =	dma.local @!p0 [hbm:s0], s1  }
0x76: {  	s0 =	simm.s32 @!p0 $0x6  }
0x77: {  	_ =	swait.ge @!p0 [sflag:s0], s1  }
0x78: {  	s1 =	ssub.s32 @!p0 $0x0, s1;
	[sflag:s0] =	ssyncset.done @!p0 $0x0  }
0x79: {  	[sflag:s0] =	ssyncadd.s32 @!p0 s1  }
0x7a: {  	[bflag:$0x3] =	sbarrier.arrive $0xFFFF  }
0x7b: {  	_ =	shalt  }

// kernel: kernel.7.cloned.1.call-start
scs
__scs_entry_jumppad:
0x0: {  	(pc) =	sbr.rel $0x88, $3  }
0x1: {  	(tag) =	ssettag $0x0;
	lr =	simm.s32 $0x1  }
0x2: {  	[smem:$0x3F96] =	sst lr;
	_ =	strace $0xD0000000  }
0x3: {  	_ = 	snop  }
0x4: {  	_ = 	snop  }
0x5: {  	_ = 	snop  }
0x6: {  	_ = 	snop  }
0x7: {  	_ = 	snop  }
__scs_overlays_trampoline_lowered:
0x8: {  	[smem:$0x3FA5] =	sst s0  }
0x9: {  	[smem:$0x3FA6] =	sst s1  }
0xa: {  	[smem:$0x3FA7] =	sst s2  }
0xb: {  	[smem:$0x3FA8] =	sst s3  }
0xc: {  	[smem:$0x3FA9] =	sst s4  }
0xd: {  	[smem:$0x3FAA] =	sst s5  }
0xe: {  	[smem:$0x3FAB] =	sst s6  }
0xf: {  	[smem:$0x3FAC] =	sst s7  }
0x10: {  	[smem:$0x3FAD] =	sst s8  }
0x11: {  	[smem:$0x3FAE] =	sst s9;
	s0 =	simm.s32 @!p0 $0x0  }
0x12: {  	s1 =	sld [smem:$0x3F94];
	s0 =	simm.s32 @p0 $0x1  }
0x13: {  	[smem:$0x3FAF] =	sst s0;
	s0 =	simm.s32 @!p1 $0x0  }
0x14: {  	s2 =	sld [smem:$0x3F93];
	s0 =	simm.s32 @p1 $0x1  }
0x15: {  	[smem:$0x3FB0] =	sst s0;
	s0 =	simm.s32 @!p2 $0x0  }
0x16: {  	s3 =	sld [smem:$0x3FDB];
	s0 =	simm.s32 @p2 $0x1  }
0x17: {  	s4 =	simm.s32 $0x1BF5;
	[smem:$0x3FB2] =	sst s0  }
0x18: {  	s0 =	sld [smem:$0x3F95];
	_ =	swait.ge [sflag:s4], $0x0  }
0x19: {  	s7 =	sld [smem:$0x3F96]  }
0x1a: {  	s8 =	sadd.s32 $0xFFFFE003, lr  }
0x1b: {  	s9 =	sadd.s32 $0xFFFFFEF7, lr;
	s5 =	simm.s32 $0xFFFFFFFF;
	p2 =	slt.u32 s8, $0xFFFFF086  }
0x1c: {  	p1 =	slt.u32 s9, $0xF7A;
	s5 =	simm.s32 @!p2 $0x0  }
0x1d: {  	s5 =	simm.s32 @p1 $0x1;
	p0 =	seq.s32 s7, s2  }
0x1e: {  	s7 =	smul.u32 @!p0 $0xF7A, s2;
	p2 =	seq.s32 @!p0 s5, $0x0  }
0x1f: {  	s9 =	smul.u32 $0xF7A, s1;
	s8 =	simm.s32 @!p0 $0x1BF5;
	p2 =	por !p2, p0  }
0x20: {  	[sflag:s8] =	ssyncset.s32 @!p0 $0xFFFFF086;
	s6 =	sadd.s32 @!p0 s3, s7;
	s7 =	simm.s32 @!p0 $0x108  }
0x21: {  	s3 =	sadd.s32 s3, s9;
	s6 =	sadd.s32 @!p0 $0x88, s6;
	s7 =	simm.s32 @p2 $0x1082  }
0x22: {  	[simem:s7], [sflag:s8] =	dma.local @!p0 [hbm:s6], $0xF7A  }
0x23: {  	s9 =	sor.u32 $0xD0000000, s2;
	s6 =	simm.s32 $0x108;
	_ =	swait.ge @!p0 [sflag:s8], $0x0  }
0x24: {  	s3 =	sadd.s32 $0x88, s3;
	s6 =	simm.s32 @!p1 $0x1082;
	[sflag:s4] =	ssyncset.s32 $0xFFFFF086  }
0x25: {  	[simem:s6], [sflag:s4] =	dma.local [hbm:s3], $0xF7A  }
0x26: {  	[smem:$0x3F96] =	sst s1;
	(tag) =	ssettag s2;
	_ =	strace s9  }
0x27: {  	s1 =	sld [smem:$0x3FA6]  }
0x28: {  	s2 =	sld [smem:$0x3FA7]  }
0x29: {  	s4 =	sld [smem:$0x3FA9]  }
0x2a: {  	p0 =	seq.s32 s5, $0x0;
	s5 =	sld [smem:$0x3FAA]  }
0x2b: {  	s6 =	sld [smem:$0x3FAB]  }
0x2c: {  	s7 =	sld [smem:$0x3FAC]  }
0x2d: {  	s3 =	simm.s32 $0x108;
	s8 =	sld [smem:$0x3FAD]  }
0x2e: {  	s3 =	simm.s32 @!p0 $0x1082;
	s9 =	sld [smem:$0x3FAE]  }
0x2f: {  	lr =	sadd.s32 s0, s3;
	s0 =	sld [smem:$0x3FA5]  }
0x30: {  	s3 =	sld [smem:$0x3FA8]  }
0x31: {  	[smem:$0x3FB1] =	sst s10  }
0x32: {  	s10 =	sld [smem:$0x3FAF];
	_ =	sdelay $0x3  }
0x33: {  	p0 =	seq.s32 s10, $0x1;
	s10 =	sld [smem:$0x3FB1];
	_ =	sdelay $0x3  }
0x34: {  	[smem:$0x3FB1] =	sst s10  }
0x35: {  	s10 =	sld [smem:$0x3FB0];
	_ =	sdelay $0x3  }
0x36: {  	p1 =	seq.s32 s10, $0x1;
	s10 =	sld [smem:$0x3FB1];
	_ =	sdelay $0x3  }
0x37: {  	[smem:$0x3FB1] =	sst s10  }
0x38: {  	s10 =	sld [smem:$0x3FB2]  }
0x39: {  	_ = 	snop;
	(pc) =	sbr.ind lr, $3  }
0x3a: {  	_ = 	snop  }
0x3b: {  	_ = 	snop  }
0x3c: {  	p2 =	seq.s32 s10, $0x1;
	s10 =	sld [smem:$0x3FB1]  }
0x3d: {  	_ =	shalt  }
0x3e: {  	_ =	shalt  }
0x3f: {  	_ =	shalt  }
0x40: {  	_ =	shalt  }
0x41: {  	_ =	shalt  }
0x42: {  	_ =	shalt  }
0x43: {  	_ =	shalt  }
0x44: {  	_ =	shalt  }
0x45: {  	_ =	shalt  }
0x46: {  	_ =	shalt  }
0x47: {  	_ =	shalt  }
0x48: {  	_ =	shalt  }
0x49: {  	_ =	shalt  }
0x4a: {  	_ =	shalt  }
0x4b: {  	_ =	shalt  }
0x4c: {  	_ =	shalt  }
0x4d: {  	_ =	shalt  }
0x4e: {  	_ =	shalt  }
0x4f: {  	_ =	shalt  }
0x50: {  	_ =	shalt  }
0x51: {  	_ =	shalt  }
0x52: {  	_ =	shalt  }
0x53: {  	_ =	shalt  }
0x54: {  	_ =	shalt  }
0x55: {  	_ =	shalt  }
0x56: {  	_ =	shalt  }
0x57: {  	_ =	shalt  }
0x58: {  	_ =	shalt  }
0x59: {  	_ =	shalt  }
0x5a: {  	_ =	shalt  }
0x5b: {  	_ =	shalt  }
0x5c: {  	_ =	shalt  }
0x5d: {  	_ =	shalt  }
0x5e: {  	_ =	shalt  }
0x5f: {  	_ =	shalt  }
0x60: {  	_ =	shalt  }
0x61: {  	_ =	shalt  }
0x62: {  	_ =	shalt  }
0x63: {  	_ =	shalt  }
0x64: {  	_ =	shalt  }
0x65: {  	_ =	shalt  }
0x66: {  	_ =	shalt  }
0x67: {  	_ =	shalt  }
0x68: {  	_ =	shalt  }
0x69: {  	_ =	shalt  }
0x6a: {  	_ =	shalt  }
0x6b: {  	_ =	shalt  }
0x6c: {  	_ =	shalt  }
0x6d: {  	_ =	shalt  }
0x6e: {  	_ =	shalt  }
0x6f: {  	_ =	shalt  }
0x70: {  	_ =	shalt  }
0x71: {  	_ =	shalt  }
0x72: {  	_ =	shalt  }
0x73: {  	_ =	shalt  }
0x74: {  	_ =	shalt  }
0x75: {  	_ =	shalt  }
0x76: {  	_ =	shalt  }
0x77: {  	_ =	shalt  }
0x78: {  	_ =	shalt  }
0x79: {  	_ =	shalt  }
0x7a: {  	_ =	shalt  }
0x7b: {  	_ =	shalt  }
0x7c: {  	_ =	shalt  }
0x7d: {  	_ =	shalt  }
0x7e: {  	_ =	shalt  }
0x7f: {  	_ =	shalt  }
0x80: {  	_ =	shalt  }
0x81: {  	_ =	shalt  }
0x82: {  	_ =	shalt  }
0x83: {  	_ =	shalt  }
0x84: {  	_ =	shalt  }
0x85: {  	_ =	shalt  }
0x86: {  	_ =	shalt  }
0x87: {  	_ =	shalt  }
.Lfunc_end0:
.L_simem_size_0:
called_computation_lowered:
.L_overlay_start_0:
0x88: {  	s2 =	sld [smem:$0x3FD9]  }
0x89: {  	s3 =	sld [smem:$0x3FFE];
	_ =	sdelay $0x1  }
0x8a: {  	s1 =	srdreg.scid  }
0x8b: {  	s0 =	sand.u32 $0x1, s1  }
0x8c: {  	s16 =	sshll.u32 s0, $0xA;
	s2 =	sadd.s32 s3, s2  }
0x8d: {  	s2 =	sadd.s32 s2, s16  }
0x8e: {  	[smem:$0x3FBD] =	sst s2  }
0x8f: {  	_ = 	snop  }
0x90: {  	(tm) =	ssettm $0x1  }
0x91: {  	s17 =	sld [smem:$0x3FFB];
	_ =	sdelay $0x3  }
0x92: {  	_ =	strace s17  }
0x93: {  	s2 =	sld [smem:$0x3FFC];
	_ =	sdelay $0x3  }
0x94: {  	_ =	strace s2  }
0x95: {  	s2 =	sld [smem:$0x3FFD];
	_ =	sdelay $0x3  }
0x96: {  	_ =	strace s2  }
0x97: {  	_ =	strace $0x8FFFFFFF  }
0x98: {  	s18 =	sld [smem:$0x3FDB];
	_ =	sdelay $0x1  }
0x99: {  	s19 =	simm.s32 $_scs_section_size  }
0x9a: {  	s4 =	simm.s32 $_size__tile_overlayer_lowered;
	s5 =	simm.s32 $_tile_overlayer_lowered  }
0x9b: {  	s22 =	simm.s32 $0x1BFF;
	s21 =	sshll.u32 s5, $0x1;
	s2 =	sadd.s32 s19, s18  }
0x9c: {  	s6 =	simm.s32 $0x0;
	s20 =	sshll.u32 s4, $0x1;
	s4 =	sadd.s32 s21, s2  }
0x9d: {  	[timem:s6], [sflag:s22] =	dma.local [hbm:s4], s20  }
0x9e: {  	_ =	swait.ge [sflag:s22], s20  }
0x9f: {  	s3 =	ssub.s32 $0x0, s20;
	[sflag:s22] =	ssyncset.done $0x0  }
0xa0: {  	[sflag:s22] =	ssyncadd.s32 s3;
	_ =	sdelay $0x1  }
0xa1: {  	s23 =	simm.s32 $0x1B8B  }
0xa2: {  	_ =	swait.ge [sflag:s23], $0x1  }
0xa3: {  	[sflag:s23] =	ssyncset.done $0x0  }
0xa4: {  	s25 =	simm.s32 $0x1B8E;
	s24 =	sld [smem:$0x3FFE];
	[sflag:s23] =	ssyncadd.s32 $0xFFFFFFFF  }
0xa5: {  	s26 =	simm.s32 $execute0_lowered;
	[smem:$0x3FD2] =	sst s25  }
0xa6: {  	s4 =	sshll.u32 s26, $0x1;
	_ =	strace $0x80000046;
	[dreg:$0x1] =	wrdreg $0xFFFFFFFF  }
0xa7: {  	s28 =	simm.s32 $_size_execute0_lowered;
	s2 =	sadd.s32 s2, s4;
	[dreg:$0x0] =	wrdreg $0x0  }
0xa8: {  	s4 =	sshll.u32 s28, $0x1;
	[dreg:$0x2] =	wrdreg s2  }
0xa9: {  	[dreg:$0x3] =	wrdreg s4  }
0xaa: {  	[dreg:$0x4] =	wrdreg $0xC0  }
0xab: {  	_ =	task [dreg:s6], $0x5FFFF  }
0xac: {  	[dreg:$0x1] =	wrdreg $0xFFFFFFFF  }
0xad: {  	[dreg:$0x0] =	wrdreg $0x60  }
0xae: {  	[dreg:$0x2] =	wrdreg s24  }
0xaf: {  	[dreg:$0x3] =	wrdreg $0x9  }
0xb0: {  	_ =	task.clear_ibuf [dreg:s6], $0x4FFFF;
	_ =	strace $0x90000046  }
0xb1: {  	s29 =	simm.s32 $0x9;
	_ =	strace $0x80000048  }
0xb2: {  	_ =	swait.ge [sflag:s29], $0x1  }
0xb3: {  	[sflag:s29] =	ssyncadd.s32 $0xFFFFFFFF  }
0xb4: {  	_ =	strace $0x90000048  }
0xb5: {  	_ =	sfence  }
0xb6: {  	s30 =	sld [smem:$0x0];
	_ =	sdelay $0x2  }
0xb7: {  	s31 =	sshll.u32 s1, $0xD;
	s1 =	sshrl.u32 s1, $0x2  }
0xb8: {  	s3 =	sand.u32 $0x4000, s31;
	s1 =	sadd.s32 s1, s30  }
0xb9: {  	s0 =	sor.u32 s3, s0;
	s1 =	sshll.u32 s1, $0x11  }
0xba: {  	s0 =	sor.u32 s1, s0  }
0xbb: {  	s0 =	sadd.s32 $0x8F2B, s0  }
0xbc: {  	[sflag:s0] =	ssyncadd.remote.s32 $0x1  }
0xbd: {  	_ =	sfence.sel $0xFFFF  }
0xbe: {  	[dreg:$0x0] =	wrdreg $0xFFFFFFFF;
	(pc) =	sbr.abs _section_cstart, $3  }
0xbf: {  	[dreg:$0x1] =	wrdreg $0xFFFFFFFF  }
0xc0: {  	_ =	task.clear_ibuf [dreg:s6], $0x2FFFF;
	_ =	strace $0x9FFFFFFF  }
0xc1: {  	(tm) =	ssettm $0x7FFFFFFF  }
tec
execute0_lowered:
.L_overlay_start_1:
0x0: {  	(tag) =	ssettag $0x1  }
0x1: {  	s0 =	rddreg [dreg:$0x0];
	s1 =	srdreg.scid  }
0x2: {  	s12 =	stileid.u32;
	s31 =	simm.s32 $0xB800;
	s29 =	simm.s32 $0x5  }
0x3: {  	s30 =	simm.s32 $0x9;
	s28 =	simm.s32 $0xB;
	s5 =	smul.u32 $0x5000, s12  }
0x4: {  	s2 =	sadd.s32 $0xB400, s0;
	s3 =	sadd.s32 $0x1400, s0;
	s8 =	smul.u32 $0x280000, s12  }
0x5: {  	s1 =	sand.u32 $0x1, s1;
	s9 =	sadd.s32 $0x568800, s0;
	s10 =	sadd.s32 $0xA68800, s0  }
0x6: {  	s6 =	sadd.s32 $0x68800, s0;
	s20 =	sadd.s32 $0xA68802, s0;
	s14 =	smul.u32 $0x50000, s12  }
0x7: {  	s12 =	simm.s32 $0x14800;
	s4 =	ssub.s32 $0x2, s1;
	p0 =	seq.s32 s1, $0x1  }
0x8: {  	s7 =	sshrl.u32 s4, $0x1;
	s15 =	sshrl.u32 s5, $0x3;
	s16 =	sshrl.u32 s8, $0x3  }
0x9: {  	s5 =	sadd.s32 $0x3C00, s5;
	s4 =	ssub.s32 s4, s7;
	s17 =	sadd.s32 s2, s15  }
0xa: {  	s1 =	sadd.s32 s3, s15;
	s18 =	sadd.s32 s6, s16;
	[dreg:$0x5] =	wrdreg s17  }
0xb: {  	s19 =	sadd.s32 s9, s16;
	s13 =	sadd.s32 s10, s16;
	[dreg:$0x6] =	wrdreg s1  }
0xc: {  	s21 =	sadd.s32 s16, s20;
	s22 =	sor.u32 $0x800, s16;
	[dreg:$0x7] =	wrdreg s18  }
0xd: {  	s24 =	sshrl.u32 s5, $0x3;
	s25 =	sshll.u32 s5, $0x4;
	[dreg:$0x8] =	wrdreg s19  }
0xe: {  	s7 =	simm.s32 $0x19000;
	[dreg:$0xa] =	wrdreg s21;
	s11 =	sadd.s32 s6, s22  }
0xf: {  	s23 =	sadd.s32 s9, s22;
	s8 =	sadd.s32 s10, s22;
	[dreg:$0xb] =	wrdreg s11  }
0x10: {  	s2 =	sadd.s32 s2, s24;
	s3 =	sadd.s32 s3, s24;
	[dreg:$0xc] =	wrdreg s23  }
0x11: {  	s26 =	sadd.s32 s6, s25;
	s5 =	sadd.s32 s9, s25;
	[dreg:$0xd] =	wrdreg s8  }
0x12: {  	s1 =	sadd.s32 s25, s20;
	s18 =	sadd.s32 s14, s10;
	[dreg:$0xe] =	wrdreg s2  }
0x13: {  	s21 =	simm.s32 $0x0;
	s24 =	sadd.s32 $0x1A400, s0;
	[dreg:$0xf] =	wrdreg s3  }
0x14: {  	s19 =	smax.u32 s4, $0x1;
	s20 =	sadd.s32 $0x802, s13;
	[dreg:$0x10] =	wrdreg s26  }
0x15: {  	s22 =	sadd.s32 $0x3C802, s13;
	[dreg:$0x11] =	wrdreg s5;
	s8 =	sadd.s32 s10, s25  }
0x16: {  	s11 =	sadd.s32 $0x3C800, s16;
	[dreg:$0x13] =	wrdreg s1;
	s23 =	sadd.s32 s14, s9  }
0x17: {  	s3 =	sadd.s32 s14, s6;
	[smem:$0x7FF] =	sst s21;
	s25 =	sadd.s32 $0x41600, s0  }
0x18: {  	s26 =	sadd.s32 $0x15400, s0;
	[dreg:$0x12] =	wrdreg s8;
	s15 =	sadd.s32 s6, s11  }
0x19: {  	s4 =	smov.u32 s18;
	s16 =	sadd.s32 s9, s11;
	[dreg:$0x14] =	wrdreg s15  }
0x1a: {  	s1 =	simm.s32 $0x80;
	s17 =	sadd.s32 s10, s11;
	[dreg:$0x15] =	wrdreg s16  }
0x1b: {  	s18 =	simm.s32 $0x3;
	s2 =	simm.s32 $0x0;
	[dreg:$0x16] =	wrdreg s17  }
0x1c: {  	s10 =	simm.s32 $0x7800;
	_ =	strace $0x80000047;
	[dreg:$0x17] =	wrdreg s19  }
0x1d: {  	s11 =	simm.s32 $0xF800;
	s9 =	simm.s32 $0x10000;
	[dreg:$0x18] =	wrdreg s20  }
.Ltmp0:
0x1e: {  	s6 =	simm.s32 $0xA;
	[dreg:$0x9] =	wrdreg s13;
	(pc) =	sbr.rel .LBB2_1-.Ltmp0, $4  }
0x1f: {  	s8 =	simm.s32 $0xC;
	s15 =	simm.s32 $0x1;
	[dreg:$0x19] =	wrdreg s22  }
0x20: {  	s17 =	simm.s32 $0x2;
	s16 =	simm.s32 $0x10;
	[dreg:$0x2] =	wrdreg s3  }
0x21: {  	s22 =	simm.s32 $0x10800;
	s13 =	simm.s32 $0x18800;
	[dreg:$0x3] =	wrdreg s4  }
0x22: {  	s19 =	simm.s32 $0x4;
	s20 =	simm.s32 $0x7;
	[dreg:$0x4] =	wrdreg s23  }
.LBB2_7:
0x23: {  	[hbm4b:s2+s16] =	stream.strided.scatter [tilespmem:s3], [sflag:$0xC], $0x800, s1, s16, $0x38;
	[tilespmem:$0x19800] =	vst v63  }
0x24: {  	s4 =	rddreg [dreg:$0x3]  }
0x25: {  	s3 =	rddreg [dreg:$0x2];
	s13 =	simm.s32 $0x18800;
	s7 =	simm.s32 $0x19000  }
0x26: {  	s15 =	simm.s32 $0x1;
	s17 =	simm.s32 $0x2;
	s18 =	simm.s32 $0x3  }
0x27: {  	s19 =	simm.s32 $0x4;
	s29 =	simm.s32 $0x5;
	s2 =	rddreg [dreg:$0x1a]  }
.LBB2_8:
0x28: {  	_ =	swait.ge [sflag:s30], $0x4000  }
0x29: {  	[sflag:s30] =	ssyncset.done $0x0  }
0x2a: {  	[sflag:s30] =	ssyncadd.s32 $0xFFFFC000  }
0x2b: {  	_ =	swait.ge [sflag:s30], $0x4000  }
0x2c: {  	[sflag:s30] =	ssyncset.done $0x0  }
0x2d: {  	[sflag:s30] =	ssyncadd.s32 $0xFFFFC000  }
0x2e: {  	_ =	swait.ge [sflag:s6], $0x800  }
0x2f: {  	[sflag:s6] =	ssyncset.done $0x0  }
0x30: {  	[sflag:s6] =	ssyncadd.s32 $0xFFFFF800  }
0x31: {  	_ =	swait.ge [sflag:s6], $0x800  }
0x32: {  	[sflag:s6] =	ssyncset.done $0x0  }
0x33: {  	[sflag:s6] =	ssyncadd.s32 $0xFFFFF800  }
0x34: {  	_ =	swait.ge [sflag:s28], $0x4000  }
0x35: {  	[sflag:s28] =	ssyncset.done $0x0  }
0x36: {  	[sflag:s28] =	ssyncadd.s32 $0xFFFFC000  }
0x37: {  	_ =	swait.ge [sflag:s28], $0x4000  }
0x38: {  	[sflag:s28] =	ssyncset.done $0x0  }
0x39: {  	[sflag:s28] =	ssyncadd.s32 $0xFFFFC000  }
0x3a: {  	_ =	swait.ge [sflag:s8], $0x800  }
0x3b: {  	[sflag:s8] =	ssyncset.done $0x0  }
0x3c: {  	[sflag:s8] =	ssyncadd.s32 $0xFFFFF800  }
0x3d: {  	_ =	swait.ge [sflag:s8], $0x800  }
0x3e: {  	s2 =	sadd.s32 $0x1, s2;
	s0 =	rddreg [dreg:$0x17]  }
0x3f: {  	p1 =	sne.s32 s2, s0  }
.Ltmp1:
0x40: {  	_ = 	snop;
	(pc) =	sbr.rel @!p1 .LBB2_9-.Ltmp1, $4  }
0x41: {  	_ = 	snop  }
0x42: {  	s10 =	simm.s32 $0x7800;
	s31 =	simm.s32 $0xB800;
	s11 =	simm.s32 $0xF800  }
0x43: {  	s9 =	simm.s32 $0x10000;
	s22 =	simm.s32 $0x10800;
	[sflag:s8] =	ssyncset.done $0x0  }
0x44: {  	s12 =	simm.s32 $0x14800;
	s20 =	simm.s32 $0x7;
	[sflag:s8] =	ssyncadd.s32 $0xFFFFF800  }
.LBB2_1:
.Ltmp2:
0x45: {  	(pc) =	sbr.rel @!p0 .LBB2_2-.Ltmp2, $2  }
0x46: {  	_ =	sdelay $0x2  }
0x47: {  	[dreg:$0x1a] =	wrdreg s2;
	s0 =	simm.s32 $0x0  }
0x48: {  	s2 =	rddreg [dreg:$0xe];
	s5 =	simm.s32 $0xD  }
0x49: {  	[tilespmem:s0], [sflag:$0xD] =	stream.linear.gather [hbm4b:s2+s0], $0x1400, $0x38;
	[tilespmem:$0x19800] =	vst v63  }
0x4a: {  	_ =	swait.ge [sflag:s5], $0x1400  }
0x4b: {  	[sflag:s5] =	ssyncset.done $0x0  }
0x4c: {  	s14 =	simm.s32 $0x3C00;
	s2 =	rddreg [dreg:$0xf];
	[sflag:s5] =	ssyncadd.s32 $0xFFFFEC00  }
0x4d: {  	[tilespmem:s14], [sflag:$0xD] =	stream.linear.gather [hbm4b:s2+s0], $0x1400, $0x38;
	[tilespmem:$0x19800] =	vst v63  }
0x4e: {  	_ =	swait.ge [sflag:s5], $0x1400  }
0x4f: {  	[sflag:s5] =	ssyncset.done $0x0  }
0x50: {  	[sflag:s5] =	ssyncadd.s32 $0xFFFFEC00  }
0x51: {  	[tilespmem:s10], [sflag:$0x1] =	stream.indirect.gather [hbm4b:s24+s1], $0x80, s0, s1, $0xb8;
	[tilespmem:$0x19800] =	vst v63  }
0x52: {  	_ = 	snop  }
0x53: {  	[tilespmem:s31], [sflag:$0x2] =	stream.indirect.gather [hbm4b:s25+s1], $0x80, s14, s1, $0xb8;
	[tilespmem:$0x19800] =	vst v63  }
0x54: {  	_ = 	snop  }
0x55: {  	[tilespmem:s11], [sflag:$0x3] =	stream.indirect.gather [hbm4b:s26+s1], $0x10, s0, s1, $0xb8;
	[tilespmem:$0x19800] =	vst v63  }
0x56: {  	_ = 	snop  }
0x57: {  	[tilespmem:s9], [sflag:$0x4] =	stream.indirect.gather [hbm4b:s26+s1], $0x10, s14, s1, $0xb8;
	[tilespmem:$0x19800] =	vst v63  }
0x58: {  	_ = 	snop  }
0x59: {  	[tilespmem:s22], [sflag:$0x5] =	stream.indirect.gather [hbm4b:s24+s1], $0x80, s1, s1, $0xb8;
	[tilespmem:$0x19800] =	vst v63  }
0x5a: {  	s14 =	simm.s32 $0x3C80  }
0x5b: {  	[tilespmem:s12], [sflag:$0x6] =	stream.indirect.gather [hbm4b:s25+s1], $0x80, s14, s1, $0xb8;
	[tilespmem:$0x19800] =	vst v63  }
0x5c: {  	_ = 	snop  }
0x5d: {  	[tilespmem:s13], [sflag:$0x7] =	stream.indirect.gather [hbm4b:s26+s1], $0x10, s1, s1, $0xb8;
	[tilespmem:$0x19800] =	vst v63  }
0x5e: {  	_ = 	snop  }
0x5f: {  	[tilespmem:s7], [sflag:$0x8] =	stream.indirect.gather [hbm4b:s26+s1], $0x10, s14, s1, $0xb8;
	[tilespmem:$0x19800] =	vst v63  }
0x60: {  	_ =	swait.ge [sflag:s15], $0x4000  }
0x61: {  	[sflag:s15] =	ssyncset.done $0x0  }
0x62: {  	[sflag:s15] =	ssyncadd.s32 $0xFFFFC000  }
0x63: {  	_ =	swait.ge [sflag:s17], $0x4000  }
0x64: {  	[sflag:s17] =	ssyncset.done $0x0  }
0x65: {  	[sflag:s17] =	ssyncadd.s32 $0xFFFFC000  }
0x66: {  	_ =	swait.ge [sflag:s18], $0x800  }
0x67: {  	[sflag:s18] =	ssyncset.done $0x0  }
0x68: {  	[sflag:s18] =	ssyncadd.s32 $0xFFFFF800  }
0x69: {  	_ =	swait.ge [sflag:s19], $0x800  }
0x6a: {  	[sflag:s19] =	ssyncset.done $0x0  }
0x6b: {  	s5 =	rddreg [dreg:$0x10];
	[sflag:s19] =	ssyncadd.s32 $0xFFFFF800  }
0x6c: {  	[hbm4b:s5+s0] =	stream.linear.scatter [tilespmem:s10], [sflag:$0x9], $0x4000, $0x38;
	[tilespmem:$0x19800] =	vst v63  }
0x6d: {  	s14 =	rddreg [dreg:$0x11]  }
0x6e: {  	[hbm4b:s14+s0] =	stream.linear.scatter [tilespmem:s31], [sflag:$0x9], $0x4000, $0x38;
	[tilespmem:$0x19800] =	vst v63  }
0x6f: {  	s5 =	rddreg [dreg:$0x12]  }
0x70: {  	[hbm4b:s5+s16] =	stream.strided.scatter [tilespmem:s11], [sflag:$0xA], $0x800, s1, s16, $0x38;
	[tilespmem:$0x19800] =	vst v63  }
0x71: {  	s14 =	rddreg [dreg:$0x13]  }
0x72: {  	[hbm4b:s14+s16] =	stream.strided.scatter [tilespmem:s9], [sflag:$0xA], $0x800, s1, s16, $0x38;
	[tilespmem:$0x19800] =	vst v63  }
0x73: {  	_ =	swait.ge [sflag:s29], $0x4000  }
0x74: {  	[sflag:s29] =	ssyncset.done $0x0  }
0x75: {  	s5 =	simm.s32 $0x6;
	[sflag:s29] =	ssyncadd.s32 $0xFFFFC000  }
0x76: {  	_ =	swait.ge [sflag:s5], $0x4000  }
0x77: {  	[sflag:s5] =	ssyncset.done $0x0  }
0x78: {  	[sflag:s5] =	ssyncadd.s32 $0xFFFFC000  }
0x79: {  	_ =	swait.ge [sflag:s20], $0x800  }
0x7a: {  	[sflag:s20] =	ssyncset.done $0x0  }
0x7b: {  	s14 =	simm.s32 $0x8;
	[sflag:s20] =	ssyncadd.s32 $0xFFFFF800  }
0x7c: {  	_ =	swait.ge [sflag:s14], $0x800  }
0x7d: {  	[sflag:s14] =	ssyncset.done $0x0  }
0x7e: {  	s20 =	rddreg [dreg:$0x14];
	[sflag:s14] =	ssyncadd.s32 $0xFFFFF800  }
0x7f: {  	[hbm4b:s20+s0] =	stream.linear.scatter [tilespmem:s22], [sflag:$0xB], $0x4000, $0x38;
	[tilespmem:$0x19800] =	vst v63  }
0x80: {  	s20 =	rddreg [dreg:$0x15]  }
0x81: {  	[hbm4b:s20+s0] =	stream.linear.scatter [tilespmem:s12], [sflag:$0xB], $0x4000, $0x38;
	[tilespmem:$0x19800] =	vst v63  }
0x82: {  	s20 =	rddreg [dreg:$0x16]  }
0x83: {  	[hbm4b:s20+s16] =	stream.strided.scatter [tilespmem:s13], [sflag:$0xC], $0x800, s1, s16, $0x38;
	[tilespmem:$0x19800] =	vst v63  }
0x84: {  	s2 =	rddreg [dreg:$0x19]  }
0x85: {  	[hbm4b:s2+s16] =	stream.strided.scatter [tilespmem:s7], [sflag:$0xC], $0x800, s1, s16, $0x38;
	[tilespmem:$0x19800] =	vst v63  }
0x86: {  	_ =	swait.ge [sflag:s30], $0x4000  }
0x87: {  	[sflag:s30] =	ssyncset.done $0x0  }
0x88: {  	[sflag:s30] =	ssyncadd.s32 $0xFFFFC000  }
0x89: {  	_ =	swait.ge [sflag:s30], $0x4000  }
0x8a: {  	[sflag:s30] =	ssyncset.done $0x0  }
0x8b: {  	[sflag:s30] =	ssyncadd.s32 $0xFFFFC000  }
0x8c: {  	_ =	swait.ge [sflag:s6], $0x800  }
0x8d: {  	[sflag:s6] =	ssyncset.done $0x0  }
0x8e: {  	[sflag:s6] =	ssyncadd.s32 $0xFFFFF800  }
0x8f: {  	_ =	swait.ge [sflag:s6], $0x800  }
0x90: {  	[sflag:s6] =	ssyncset.done $0x0  }
0x91: {  	s12 =	simm.s32 $0x100;
	[sflag:s6] =	ssyncadd.s32 $0xFFFFF800  }
0x92: {  	[tilespmem:s10], [sflag:$0x1] =	stream.indirect.gather [hbm4b:s24+s1], $0x80, s12, s1, $0xb8;
	[tilespmem:$0x19800] =	vst v63  }
0x93: {  	s13 =	simm.s32 $0x3D00  }
0x94: {  	[tilespmem:s31], [sflag:$0x2] =	stream.indirect.gather [hbm4b:s25+s1], $0x80, s13, s1, $0xb8;
	[tilespmem:$0x19800] =	vst v63  }
0x95: {  	_ = 	snop  }
0x96: {  	[tilespmem:s11], [sflag:$0x3] =	stream.indirect.gather [hbm4b:s26+s1], $0x10, s12, s1, $0xb8;
	[tilespmem:$0x19800] =	vst v63  }
0x97: {  	_ = 	snop  }
0x98: {  	[tilespmem:s9], [sflag:$0x4] =	stream.indirect.gather [hbm4b:s26+s1], $0x10, s13, s1, $0xb8;
	[tilespmem:$0x19800] =	vst v63  }
0x99: {  	_ =	swait.ge [sflag:s15], $0x4000  }
0x9a: {  	[sflag:s15] =	ssyncset.done $0x0  }
0x9b: {  	[sflag:s15] =	ssyncadd.s32 $0xFFFFC000  }
0x9c: {  	_ =	swait.ge [sflag:s17], $0x4000  }
0x9d: {  	[sflag:s17] =	ssyncset.done $0x0  }
0x9e: {  	[sflag:s17] =	ssyncadd.s32 $0xFFFFC000  }
0x9f: {  	_ =	swait.ge [sflag:s18], $0x800  }
0xa0: {  	[sflag:s18] =	ssyncset.done $0x0  }
0xa1: {  	[sflag:s18] =	ssyncadd.s32 $0xFFFFF800  }
0xa2: {  	_ =	swait.ge [sflag:s19], $0x800  }
0xa3: {  	s0 =	sadd.s32 $0x0, s3;
	[sflag:s19] =	ssyncset.done $0x0  }
0xa4: {  	s3 =	sadd.s32 $0x0, s23;
	s17 =	sadd.s32 $0x3D000, s0;
	[sflag:s19] =	ssyncadd.s32 $0xFFFFF800  }
0xa5: {  	[hbm4b:s17+s21] =	stream.linear.scatter [tilespmem:s10], [sflag:$0x9], $0x4000, $0x38;
	[tilespmem:$0x19800] =	vst v63  }
0xa6: {  	s4 =	sadd.s32 $0x0, s4;
	s18 =	sadd.s32 $0x3D000, s3  }
0xa7: {  	[hbm4b:s18+s21] =	stream.linear.scatter [tilespmem:s31], [sflag:$0x9], $0x4000, $0x38;
	[tilespmem:$0x19800] =	vst v63  }
0xa8: {  	s19 =	sadd.s32 $0x3D000, s4  }
0xa9: {  	[hbm4b:s19+s16] =	stream.strided.scatter [tilespmem:s11], [sflag:$0xA], $0x800, s1, s16, $0x38;
	[tilespmem:$0x19800] =	vst v63  }
0xaa: {  	s20 =	sadd.s32 $0x3D002, s4  }
0xab: {  	[hbm4b:s20+s16] =	stream.strided.scatter [tilespmem:s9], [sflag:$0xA], $0x800, s1, s16, $0x38;
	[tilespmem:$0x19800] =	vst v63  }
0xac: {  	_ =	swait.ge [sflag:s28], $0x4000  }
0xad: {  	[sflag:s28] =	ssyncset.done $0x0  }
0xae: {  	[sflag:s28] =	ssyncadd.s32 $0xFFFFC000  }
0xaf: {  	_ =	swait.ge [sflag:s28], $0x4000  }
0xb0: {  	[sflag:s28] =	ssyncset.done $0x0  }
0xb1: {  	[sflag:s28] =	ssyncadd.s32 $0xFFFFC000  }
0xb2: {  	_ =	swait.ge [sflag:s8], $0x800  }
0xb3: {  	[sflag:s8] =	ssyncset.done $0x0  }
0xb4: {  	[sflag:s8] =	ssyncadd.s32 $0xFFFFF800  }
0xb5: {  	_ =	swait.ge [sflag:s8], $0x800  }
0xb6: {  	[sflag:s8] =	ssyncset.done $0x0  }
0xb7: {  	s7 =	simm.s32 $0x180;
	[sflag:s8] =	ssyncadd.s32 $0xFFFFF800  }
0xb8: {  	[tilespmem:s22], [sflag:$0x5] =	stream.indirect.gather [hbm4b:s24+s1], $0x80, s7, s1, $0xb8;
	[tilespmem:$0x19800] =	vst v63  }
0xb9: {  	s12 =	simm.s32 $0x3D80;
	s11 =	simm.s32 $0x14800  }
0xba: {  	[tilespmem:s11], [sflag:$0x6] =	stream.indirect.gather [hbm4b:s25+s1], $0x80, s12, s1, $0xb8;
	[tilespmem:$0x19800] =	vst v63  }
0xbb: {  	s9 =	simm.s32 $0x18800  }
0xbc: {  	[tilespmem:s9], [sflag:$0x7] =	stream.indirect.gather [hbm4b:s26+s1], $0x10, s7, s1, $0xb8;
	[tilespmem:$0x19800] =	vst v63  }
0xbd: {  	s15 =	simm.s32 $0x5;
	s10 =	simm.s32 $0x19000  }
0xbe: {  	[tilespmem:s10], [sflag:$0x8] =	stream.indirect.gather [hbm4b:s26+s1], $0x10, s12, s1, $0xb8;
	[tilespmem:$0x19800] =	vst v63  }
0xbf: {  	_ =	swait.ge [sflag:s15], $0x4000  }
0xc0: {  	[sflag:s15] =	ssyncset.done $0x0  }
0xc1: {  	[sflag:s15] =	ssyncadd.s32 $0xFFFFC000  }
0xc2: {  	_ =	swait.ge [sflag:s5], $0x4000  }
0xc3: {  	[sflag:s5] =	ssyncset.done $0x0  }
0xc4: {  	s13 =	simm.s32 $0x7;
	[sflag:s5] =	ssyncadd.s32 $0xFFFFC000  }
0xc5: {  	_ =	swait.ge [sflag:s13], $0x800  }
0xc6: {  	[sflag:s13] =	ssyncset.done $0x0  }
0xc7: {  	[sflag:s13] =	ssyncadd.s32 $0xFFFFF800  }
0xc8: {  	s29 =	simm.s32 $0x4;
	s2 =	sadd.s32 $0x3D802, s4;
	_ =	swait.ge [sflag:s14], $0x800  }
0xc9: {  	s0 =	sadd.s32 $0x3D800, s0;
	s17 =	simm.s32 $0x1;
	[sflag:s14] =	ssyncset.done $0x0  }
0xca: {  	s18 =	simm.s32 $0x2;
	s31 =	simm.s32 $0x1000;
	[sflag:s14] =	ssyncadd.s32 $0xFFFFF800  }
0xcb: {  	[hbm4b:s0+s21] =	stream.linear.scatter [tilespmem:s22], [sflag:$0xB], $0x4000, $0x38;
	[tilespmem:$0x19800] =	vst v63  }
0xcc: {  	s19 =	simm.s32 $0x3;
	s20 =	sadd.s32 $0x3D800, s3;
	s12 =	simm.s32 $0x10800  }
0xcd: {  	[hbm4b:s20+s21] =	stream.linear.scatter [tilespmem:s11], [sflag:$0xB], $0x4000, $0x38;
	[tilespmem:$0x19800] =	vst v63  }
0xce: {  	s22 =	sadd.s32 $0x3D800, s4;
	s0 =	simm.s32 $0x200;
	s20 =	simm.s32 $0x3E00  }
0xcf: {  	[hbm4b:s22+s16] =	stream.strided.scatter [tilespmem:s9], [sflag:$0xC], $0x800, s1, s16, $0x38;
	[tilespmem:$0x19800] =	vst v63  }
.LBB2_6:
0xd0: {  	s9 =	simm.s32 $0x19000  }
0xd1: {  	[hbm4b:s2+s16] =	stream.strided.scatter [tilespmem:s9], [sflag:$0xC], $0x800, s1, s16, $0x38;
	[tilespmem:$0x19800] =	vst v63  }
0xd2: {  	_ =	swait.ge [sflag:s30], $0x4000  }
0xd3: {  	[sflag:s30] =	ssyncset.done $0x0  }
0xd4: {  	[sflag:s30] =	ssyncadd.s32 $0xFFFFC000  }
0xd5: {  	_ =	swait.ge [sflag:s30], $0x4000  }
0xd6: {  	[sflag:s30] =	ssyncset.done $0x0  }
0xd7: {  	[sflag:s30] =	ssyncadd.s32 $0xFFFFC000  }
0xd8: {  	_ =	swait.ge [sflag:s6], $0x800  }
0xd9: {  	[sflag:s6] =	ssyncset.done $0x0  }
0xda: {  	[sflag:s6] =	ssyncadd.s32 $0xFFFFF800  }
0xdb: {  	_ =	swait.ge [sflag:s6], $0x800  }
0xdc: {  	[sflag:s6] =	ssyncset.done $0x0  }
0xdd: {  	s4 =	simm.s32 $0x7800;
	[sflag:s6] =	ssyncadd.s32 $0xFFFFF800  }
0xde: {  	[tilespmem:s4], [sflag:$0x1] =	stream.indirect.gather [hbm4b:s24+s1], $0x80, s0, s1, $0xb8;
	[tilespmem:$0x19800] =	vst v63  }
0xdf: {  	s10 =	simm.s32 $0xB800  }
0xe0: {  	[tilespmem:s10], [sflag:$0x2] =	stream.indirect.gather [hbm4b:s25+s1], $0x80, s20, s1, $0xb8;
	[tilespmem:$0x19800] =	vst v63  }
0xe1: {  	s5 =	simm.s32 $0xF800  }
0xe2: {  	[tilespmem:s5], [sflag:$0x3] =	stream.indirect.gather [hbm4b:s26+s1], $0x10, s0, s1, $0xb8;
	[tilespmem:$0x19800] =	vst v63  }
0xe3: {  	s11 =	simm.s32 $0x10000  }
0xe4: {  	[tilespmem:s11], [sflag:$0x4] =	stream.indirect.gather [hbm4b:s26+s1], $0x10, s20, s1, $0xb8;
	[tilespmem:$0x19800] =	vst v63  }
0xe5: {  	_ =	swait.ge [sflag:s17], $0x4000  }
0xe6: {  	[sflag:s17] =	ssyncset.done $0x0  }
0xe7: {  	[sflag:s17] =	ssyncadd.s32 $0xFFFFC000  }
0xe8: {  	_ =	swait.ge [sflag:s18], $0x4000  }
0xe9: {  	[sflag:s18] =	ssyncset.done $0x0  }
0xea: {  	[sflag:s18] =	ssyncadd.s32 $0xFFFFC000  }
0xeb: {  	_ =	swait.ge [sflag:s19], $0x800  }
0xec: {  	[sflag:s19] =	ssyncset.done $0x0  }
0xed: {  	[sflag:s19] =	ssyncadd.s32 $0xFFFFF800  }
0xee: {  	_ =	swait.ge [sflag:s29], $0x800  }
0xef: {  	s22 =	smov.u32 s31;
	s3 =	rddreg [dreg:$0x2]  }
0xf0: {  	[sflag:s29] =	ssyncset.done $0x0;
	s2 =	sadd.s32 s22, s3  }
0xf1: {  	[sflag:s29] =	ssyncadd.s32 $0xFFFFF800;
	s3 =	sadd.s32 $0x3D000, s2  }
0xf2: {  	[hbm4b:s3+s21] =	stream.linear.scatter [tilespmem:s4], [sflag:$0x9], $0x4000, $0x38;
	[tilespmem:$0x19800] =	vst v63  }
0xf3: {  	s7 =	smov.u32 s23;
	s23 =	sadd.s32 s22, s23;
	s4 =	rddreg [dreg:$0x3]  }
0xf4: {  	s3 =	sadd.s32 $0x3D000, s23;
	s22 =	sadd.s32 s22, s4  }
0xf5: {  	[hbm4b:s3+s21] =	stream.linear.scatter [tilespmem:s10], [sflag:$0x9], $0x4000, $0x38;
	[tilespmem:$0x19800] =	vst v63  }
0xf6: {  	s4 =	sadd.s32 $0x3D000, s22  }
0xf7: {  	[hbm4b:s4+s16] =	stream.strided.scatter [tilespmem:s5], [sflag:$0xA], $0x800, s1, s16, $0x38;
	[tilespmem:$0x19800] =	vst v63  }
0xf8: {  	s10 =	sadd.s32 $0x3D002, s22  }
0xf9: {  	[hbm4b:s10+s16] =	stream.strided.scatter [tilespmem:s11], [sflag:$0xA], $0x800, s1, s16, $0x38;
	[tilespmem:$0x19800] =	vst v63  }
0xfa: {  	_ =	swait.ge [sflag:s28], $0x4000  }
0xfb: {  	[sflag:s28] =	ssyncset.done $0x0  }
0xfc: {  	[sflag:s28] =	ssyncadd.s32 $0xFFFFC000  }
0xfd: {  	_ =	swait.ge [sflag:s28], $0x4000  }
0xfe: {  	[sflag:s28] =	ssyncset.done $0x0  }
0xff: {  	[sflag:s28] =	ssyncadd.s32 $0xFFFFC000  }
0x100: {  	_ =	swait.ge [sflag:s8], $0x800  }
0x101: {  	[sflag:s8] =	ssyncset.done $0x0  }
0x102: {  	[sflag:s8] =	ssyncadd.s32 $0xFFFFF800  }
0x103: {  	_ =	swait.ge [sflag:s8], $0x800  }
0x104: {  	[sflag:s8] =	ssyncset.done $0x0  }
0x105: {  	s4 =	sadd.s32 $0x80, s0;
	[sflag:s8] =	ssyncadd.s32 $0xFFFFF800  }
0x106: {  	[tilespmem:s12], [sflag:$0x5] =	stream.indirect.gather [hbm4b:s24+s1], $0x80, s4, s1, $0xb8;
	[tilespmem:$0x19800] =	vst v63  }
0x107: {  	s5 =	simm.s32 $0x14800;
	s10 =	sadd.s32 $0x80, s20  }
0x108: {  	[tilespmem:s5], [sflag:$0x6] =	stream.indirect.gather [hbm4b:s25+s1], $0x80, s10, s1, $0xb8;
	[tilespmem:$0x19800] =	vst v63  }
0x109: {  	s11 =	simm.s32 $0x18800  }
0x10a: {  	[tilespmem:s11], [sflag:$0x7] =	stream.indirect.gather [hbm4b:s26+s1], $0x10, s4, s1, $0xb8;
	[tilespmem:$0x19800] =	vst v63  }
0x10b: {  	_ = 	snop  }
0x10c: {  	[tilespmem:s9], [sflag:$0x8] =	stream.indirect.gather [hbm4b:s26+s1], $0x10, s10, s1, $0xb8;
	[tilespmem:$0x19800] =	vst v63  }
0x10d: {  	_ =	swait.ge [sflag:s15], $0x4000  }
0x10e: {  	[sflag:s15] =	ssyncset.done $0x0  }
0x10f: {  	s10 =	simm.s32 $0x6;
	[sflag:s15] =	ssyncadd.s32 $0xFFFFC000  }
0x110: {  	_ =	swait.ge [sflag:s10], $0x4000  }
0x111: {  	[sflag:s10] =	ssyncset.done $0x0  }
0x112: {  	[sflag:s10] =	ssyncadd.s32 $0xFFFFC000  }
0x113: {  	_ =	swait.ge [sflag:s13], $0x800  }
0x114: {  	[sflag:s13] =	ssyncset.done $0x0  }
0x115: {  	[sflag:s13] =	ssyncadd.s32 $0xFFFFF800  }
0x116: {  	_ =	swait.ge [sflag:s14], $0x800  }
0x117: {  	[sflag:s14] =	ssyncset.done $0x0  }
0x118: {  	p1 =	sne.s32 s31, $0x12000;
	s2 =	sadd.s32 $0x3D800, s2;
	[sflag:s14] =	ssyncadd.s32 $0xFFFFF800  }
0x119: {  	[hbm4b:s2+s21] =	stream.linear.scatter [tilespmem:s12], [sflag:$0xB], $0x4000, $0x38;
	[tilespmem:$0x19800] =	vst v63  }
.Ltmp3:
0x11a: {  	s31 =	sadd.s32 $0x1000, s31;
	s3 =	simm.s32 $0x19000;
	(pc) =	sbr.rel @p1 .LBB2_6-.Ltmp3, $4  }
0x11b: {  	s0 =	sadd.s32 $0x100, s0;
	s20 =	sadd.s32 $0x100, s20;
	s9 =	sadd.s32 $0x3D800, s23  }
0x11c: {  	[hbm4b:s9+s21] =	stream.linear.scatter [tilespmem:s5], [sflag:$0xB], $0x4000, $0x38;
	[tilespmem:$0x19800] =	vst v63  }
0x11d: {  	s23 =	smov.u32 s7;
	s10 =	sadd.s32 $0x3D800, s22;
	s2 =	sadd.s32 $0x3D802, s22  }
0x11e: {  	[hbm4b:s10+s16] =	stream.strided.scatter [tilespmem:s11], [sflag:$0xC], $0x800, s1, s16, $0x38;
	[tilespmem:$0x19800] =	vst v63  }
.Ltmp4:
0x11f: {  	_ = 	snop;
	(pc) =	sbr.rel .LBB2_7-.Ltmp4, $1  }
0x120: {  	_ =	sdelay $0x3  }
.LBB2_2:
0x121: {  	s2 =	rddreg [dreg:$0x5];
	s5 =	simm.s32 $0xD  }
0x122: {  	[tilespmem:s0], [sflag:$0xD] =	stream.linear.gather [hbm4b:s2+s0], $0x3C00, $0x38;
	[tilespmem:$0x19800] =	vst v63  }
0x123: {  	_ =	swait.ge [sflag:s5], $0x3C00  }
0x124: {  	[sflag:s5] =	ssyncset.done $0x0  }
0x125: {  	s14 =	simm.s32 $0x3C00;
	s2 =	rddreg [dreg:$0x6];
	[sflag:s5] =	ssyncadd.s32 $0xFFFFC400  }
0x126: {  	[tilespmem:s14], [sflag:$0xD] =	stream.linear.gather [hbm4b:s2+s0], $0x3C00, $0x38;
	[tilespmem:$0x19800] =	vst v63  }
0x127: {  	_ =	swait.ge [sflag:s5], $0x3C00  }
0x128: {  	[sflag:s5] =	ssyncset.done $0x0  }
0x129: {  	[sflag:s5] =	ssyncadd.s32 $0xFFFFC400  }
0x12a: {  	[tilespmem:s10], [sflag:$0x1] =	stream.indirect.gather [hbm4b:s24+s1], $0x80, s0, s1, $0xb8;
	[tilespmem:$0x19800] =	vst v63  }
0x12b: {  	_ = 	snop  }
0x12c: {  	[tilespmem:s31], [sflag:$0x2] =	stream.indirect.gather [hbm4b:s25+s1], $0x80, s14, s1, $0xb8;
	[tilespmem:$0x19800] =	vst v63  }
0x12d: {  	_ = 	snop  }
0x12e: {  	[tilespmem:s11], [sflag:$0x3] =	stream.indirect.gather [hbm4b:s26+s1], $0x10, s0, s1, $0xb8;
	[tilespmem:$0x19800] =	vst v63  }
0x12f: {  	_ = 	snop  }
0x130: {  	[tilespmem:s9], [sflag:$0x4] =	stream.indirect.gather [hbm4b:s26+s1], $0x10, s14, s1, $0xb8;
	[tilespmem:$0x19800] =	vst v63  }
0x131: {  	_ = 	snop  }
0x132: {  	[tilespmem:s22], [sflag:$0x5] =	stream.indirect.gather [hbm4b:s24+s1], $0x80, s1, s1, $0xb8;
	[tilespmem:$0x19800] =	vst v63  }
0x133: {  	s5 =	simm.s32 $0x3C80  }
0x134: {  	[tilespmem:s12], [sflag:$0x6] =	stream.indirect.gather [hbm4b:s25+s1], $0x80, s5, s1, $0xb8;
	[tilespmem:$0x19800] =	vst v63  }
0x135: {  	_ = 	snop  }
0x136: {  	[tilespmem:s13], [sflag:$0x7] =	stream.indirect.gather [hbm4b:s26+s1], $0x10, s1, s1, $0xb8;
	[tilespmem:$0x19800] =	vst v63  }
0x137: {  	_ = 	snop  }
0x138: {  	[tilespmem:s7], [sflag:$0x8] =	stream.indirect.gather [hbm4b:s26+s1], $0x10, s5, s1, $0xb8;
	[tilespmem:$0x19800] =	vst v63  }
0x139: {  	_ =	swait.ge [sflag:s15], $0x4000  }
0x13a: {  	[sflag:s15] =	ssyncset.done $0x0  }
0x13b: {  	[sflag:s15] =	ssyncadd.s32 $0xFFFFC000  }
0x13c: {  	_ =	swait.ge [sflag:s17], $0x4000  }
0x13d: {  	[sflag:s17] =	ssyncset.done $0x0  }
0x13e: {  	[sflag:s17] =	ssyncadd.s32 $0xFFFFC000  }
0x13f: {  	_ =	swait.ge [sflag:s18], $0x800  }
0x140: {  	[sflag:s18] =	ssyncset.done $0x0  }
0x141: {  	[sflag:s18] =	ssyncadd.s32 $0xFFFFF800  }
0x142: {  	_ =	swait.ge [sflag:s19], $0x800  }
0x143: {  	[sflag:s19] =	ssyncset.done $0x0  }
0x144: {  	s14 =	rddreg [dreg:$0x7];
	[sflag:s19] =	ssyncadd.s32 $0xFFFFF800  }
0x145: {  	[hbm4b:s14+s0] =	stream.linear.scatter [tilespmem:s10], [sflag:$0x9], $0x4000, $0x38;
	[tilespmem:$0x19800] =	vst v63  }
0x146: {  	s5 =	rddreg [dreg:$0x8]  }
0x147: {  	[hbm4b:s5+s0] =	stream.linear.scatter [tilespmem:s31], [sflag:$0x9], $0x4000, $0x38;
	[tilespmem:$0x19800] =	vst v63  }
0x148: {  	s14 =	rddreg [dreg:$0x9]  }
0x149: {  	[hbm4b:s14+s16] =	stream.strided.scatter [tilespmem:s11], [sflag:$0xA], $0x800, s1, s16, $0x38;
	[tilespmem:$0x19800] =	vst v63  }
0x14a: {  	s5 =	rddreg [dreg:$0xa]  }
0x14b: {  	[hbm4b:s5+s16] =	stream.strided.scatter [tilespmem:s9], [sflag:$0xA], $0x800, s1, s16, $0x38;
	[tilespmem:$0x19800] =	vst v63  }
0x14c: {  	_ =	swait.ge [sflag:s29], $0x4000  }
0x14d: {  	[sflag:s29] =	ssyncset.done $0x0  }
0x14e: {  	s5 =	simm.s32 $0x6;
	[sflag:s29] =	ssyncadd.s32 $0xFFFFC000  }
0x14f: {  	_ =	swait.ge [sflag:s5], $0x4000  }
0x150: {  	[sflag:s5] =	ssyncset.done $0x0  }
0x151: {  	[sflag:s5] =	ssyncadd.s32 $0xFFFFC000  }
0x152: {  	_ =	swait.ge [sflag:s20], $0x800  }
0x153: {  	[sflag:s20] =	ssyncset.done $0x0  }
0x154: {  	s14 =	simm.s32 $0x8;
	[sflag:s20] =	ssyncadd.s32 $0xFFFFF800  }
0x155: {  	_ =	swait.ge [sflag:s14], $0x800  }
0x156: {  	[sflag:s14] =	ssyncset.done $0x0  }
0x157: {  	s20 =	rddreg [dreg:$0xb];
	[sflag:s14] =	ssyncadd.s32 $0xFFFFF800  }
0x158: {  	[hbm4b:s20+s0] =	stream.linear.scatter [tilespmem:s22], [sflag:$0xB], $0x4000, $0x38;
	[tilespmem:$0x19800] =	vst v63  }
0x159: {  	s22 =	rddreg [dreg:$0xc]  }
0x15a: {  	[hbm4b:s22+s0] =	stream.linear.scatter [tilespmem:s12], [sflag:$0xB], $0x4000, $0x38;
	[tilespmem:$0x19800] =	vst v63  }
0x15b: {  	s2 =	rddreg [dreg:$0xd]  }
0x15c: {  	[hbm4b:s2+s16] =	stream.strided.scatter [tilespmem:s13], [sflag:$0xC], $0x800, s1, s16, $0x38;
	[tilespmem:$0x19800] =	vst v63  }
0x15d: {  	s12 =	rddreg [dreg:$0x18]  }
0x15e: {  	[hbm4b:s12+s16] =	stream.strided.scatter [tilespmem:s7], [sflag:$0xC], $0x800, s1, s16, $0x38;
	[tilespmem:$0x19800] =	vst v63  }
0x15f: {  	_ =	swait.ge [sflag:s30], $0x4000  }
0x160: {  	[sflag:s30] =	ssyncset.done $0x0  }
0x161: {  	[sflag:s30] =	ssyncadd.s32 $0xFFFFC000  }
0x162: {  	_ =	swait.ge [sflag:s30], $0x4000  }
0x163: {  	[sflag:s30] =	ssyncset.done $0x0  }
0x164: {  	[sflag:s30] =	ssyncadd.s32 $0xFFFFC000  }
0x165: {  	_ =	swait.ge [sflag:s6], $0x800  }
0x166: {  	[sflag:s6] =	ssyncset.done $0x0  }
0x167: {  	[sflag:s6] =	ssyncadd.s32 $0xFFFFF800  }
0x168: {  	_ =	swait.ge [sflag:s6], $0x800  }
0x169: {  	[sflag:s6] =	ssyncset.done $0x0  }
0x16a: {  	s14 =	simm.s32 $0x100;
	[sflag:s6] =	ssyncadd.s32 $0xFFFFF800  }
0x16b: {  	[tilespmem:s10], [sflag:$0x1] =	stream.indirect.gather [hbm4b:s24+s1], $0x80, s14, s1, $0xb8;
	[tilespmem:$0x19800] =	vst v63  }
0x16c: {  	s20 =	simm.s32 $0x3D00  }
0x16d: {  	[tilespmem:s31], [sflag:$0x2] =	stream.indirect.gather [hbm4b:s25+s1], $0x80, s20, s1, $0xb8;
	[tilespmem:$0x19800] =	vst v63  }
0x16e: {  	_ = 	snop  }
0x16f: {  	[tilespmem:s11], [sflag:$0x3] =	stream.indirect.gather [hbm4b:s26+s1], $0x10, s14, s1, $0xb8;
	[tilespmem:$0x19800] =	vst v63  }
0x170: {  	_ = 	snop  }
0x171: {  	[tilespmem:s9], [sflag:$0x4] =	stream.indirect.gather [hbm4b:s26+s1], $0x10, s20, s1, $0xb8;
	[tilespmem:$0x19800] =	vst v63  }
0x172: {  	_ =	swait.ge [sflag:s15], $0x4000  }
0x173: {  	[sflag:s15] =	ssyncset.done $0x0  }
0x174: {  	[sflag:s15] =	ssyncadd.s32 $0xFFFFC000  }
0x175: {  	_ =	swait.ge [sflag:s17], $0x4000  }
0x176: {  	[sflag:s17] =	ssyncset.done $0x0  }
0x177: {  	[sflag:s17] =	ssyncadd.s32 $0xFFFFC000  }
0x178: {  	_ =	swait.ge [sflag:s18], $0x800  }
0x179: {  	[sflag:s18] =	ssyncset.done $0x0  }
0x17a: {  	[sflag:s18] =	ssyncadd.s32 $0xFFFFF800  }
0x17b: {  	_ =	swait.ge [sflag:s19], $0x800  }
0x17c: {  	s0 =	sadd.s32 $0x0, s3;
	[sflag:s19] =	ssyncset.done $0x0  }
0x17d: {  	s22 =	sadd.s32 $0x1000, s0;
	s20 =	sadd.s32 $0x0, s23;
	[sflag:s19] =	ssyncadd.s32 $0xFFFFF800  }
0x17e: {  	[hbm4b:s22+s21] =	stream.linear.scatter [tilespmem:s10], [sflag:$0x9], $0x4000, $0x38;
	[tilespmem:$0x19800] =	vst v63  }
0x17f: {  	s23 =	sadd.s32 $0x1000, s20;
	s22 =	sadd.s32 $0x0, s4  }
0x180: {  	[hbm4b:s23+s21] =	stream.linear.scatter [tilespmem:s31], [sflag:$0x9], $0x4000, $0x38;
	[tilespmem:$0x19800] =	vst v63  }
0x181: {  	s23 =	sadd.s32 $0x1000, s22  }
0x182: {  	[hbm4b:s23+s16] =	stream.strided.scatter [tilespmem:s11], [sflag:$0xA], $0x800, s1, s16, $0x38;
	[tilespmem:$0x19800] =	vst v63  }
0x183: {  	s9 =	simm.s32 $0x10000;
	s11 =	sadd.s32 $0x1002, s22  }
0x184: {  	[hbm4b:s11+s16] =	stream.strided.scatter [tilespmem:s9], [sflag:$0xA], $0x800, s1, s16, $0x38;
	[tilespmem:$0x19800] =	vst v63  }
0x185: {  	_ =	swait.ge [sflag:s28], $0x4000  }
0x186: {  	[sflag:s28] =	ssyncset.done $0x0  }
0x187: {  	[sflag:s28] =	ssyncadd.s32 $0xFFFFC000  }
0x188: {  	_ =	swait.ge [sflag:s28], $0x4000  }
0x189: {  	[sflag:s28] =	ssyncset.done $0x0  }
0x18a: {  	[sflag:s28] =	ssyncadd.s32 $0xFFFFC000  }
0x18b: {  	_ =	swait.ge [sflag:s8], $0x800  }
0x18c: {  	[sflag:s8] =	ssyncset.done $0x0  }
0x18d: {  	[sflag:s8] =	ssyncadd.s32 $0xFFFFF800  }
0x18e: {  	_ =	swait.ge [sflag:s8], $0x800  }
0x18f: {  	[sflag:s8] =	ssyncset.done $0x0  }
0x190: {  	s10 =	simm.s32 $0x10800;
	s23 =	simm.s32 $0x180;
	[sflag:s8] =	ssyncadd.s32 $0xFFFFF800  }
0x191: {  	[tilespmem:s10], [sflag:$0x5] =	stream.indirect.gather [hbm4b:s24+s1], $0x80, s23, s1, $0xb8;
	[tilespmem:$0x19800] =	vst v63  }
0x192: {  	s14 =	simm.s32 $0x14800;
	s9 =	simm.s32 $0x3D80  }
0x193: {  	[tilespmem:s14], [sflag:$0x6] =	stream.indirect.gather [hbm4b:s25+s1], $0x80, s9, s1, $0xb8;
	[tilespmem:$0x19800] =	vst v63  }
0x194: {  	_ = 	snop  }
0x195: {  	[tilespmem:s13], [sflag:$0x7] =	stream.indirect.gather [hbm4b:s26+s1], $0x10, s23, s1, $0xb8;
	[tilespmem:$0x19800] =	vst v63  }
0x196: {  	_ = 	snop  }
0x197: {  	[tilespmem:s7], [sflag:$0x8] =	stream.indirect.gather [hbm4b:s26+s1], $0x10, s9, s1, $0xb8;
	[tilespmem:$0x19800] =	vst v63  }
0x198: {  	_ =	swait.ge [sflag:s29], $0x4000  }
0x199: {  	[sflag:s29] =	ssyncset.done $0x0  }
0x19a: {  	[sflag:s29] =	ssyncadd.s32 $0xFFFFC000  }
0x19b: {  	_ =	swait.ge [sflag:s5], $0x4000  }
0x19c: {  	[sflag:s5] =	ssyncset.done $0x0  }
0x19d: {  	s12 =	simm.s32 $0x7;
	[sflag:s5] =	ssyncadd.s32 $0xFFFFC000  }
0x19e: {  	_ =	swait.ge [sflag:s12], $0x800  }
0x19f: {  	[sflag:s12] =	ssyncset.done $0x0  }
0x1a0: {  	s11 =	simm.s32 $0x8;
	[sflag:s12] =	ssyncadd.s32 $0xFFFFF800  }
0x1a1: {  	_ =	swait.ge [sflag:s11], $0x800  }
0x1a2: {  	s0 =	sadd.s32 $0x1800, s0;
	[sflag:s11] =	ssyncset.done $0x0  }
0x1a3: {  	s20 =	sadd.s32 $0x1800, s20;
	s2 =	sadd.s32 $0x1802, s22;
	[sflag:s11] =	ssyncadd.s32 $0xFFFFF800  }
0x1a4: {  	[hbm4b:s0+s21] =	stream.linear.scatter [tilespmem:s10], [sflag:$0xB], $0x4000, $0x38;
	[tilespmem:$0x19800] =	vst v63  }
0x1a5: {  	s31 =	simm.s32 $0x1000;
	s23 =	sadd.s32 $0x1800, s22;
	s11 =	simm.s32 $0xB800  }
0x1a6: {  	[hbm4b:s20+s21] =	stream.linear.scatter [tilespmem:s14], [sflag:$0xB], $0x4000, $0x38;
	[tilespmem:$0x19800] =	vst v63  }
0x1a7: {  	s10 =	simm.s32 $0xF800;
	s0 =	simm.s32 $0x200;
	s20 =	simm.s32 $0x3E00  }
0x1a8: {  	[hbm4b:s23+s16] =	stream.strided.scatter [tilespmem:s13], [sflag:$0xC], $0x800, s1, s16, $0x38;
	[tilespmem:$0x19800] =	vst v63  }
.LBB2_3:
0x1a9: {  	[hbm4b:s2+s16] =	stream.strided.scatter [tilespmem:s7], [sflag:$0xC], $0x800, s1, s16, $0x38;
	[tilespmem:$0x19800] =	vst v63  }
0x1aa: {  	_ =	swait.ge [sflag:s30], $0x4000  }
0x1ab: {  	[sflag:s30] =	ssyncset.done $0x0  }
0x1ac: {  	[sflag:s30] =	ssyncadd.s32 $0xFFFFC000  }
0x1ad: {  	_ =	swait.ge [sflag:s30], $0x4000  }
0x1ae: {  	[sflag:s30] =	ssyncset.done $0x0  }
0x1af: {  	[sflag:s30] =	ssyncadd.s32 $0xFFFFC000  }
0x1b0: {  	_ =	swait.ge [sflag:s6], $0x800  }
0x1b1: {  	[sflag:s6] =	ssyncset.done $0x0  }
0x1b2: {  	[sflag:s6] =	ssyncadd.s32 $0xFFFFF800  }
0x1b3: {  	_ =	swait.ge [sflag:s6], $0x800  }
0x1b4: {  	[sflag:s6] =	ssyncset.done $0x0  }
0x1b5: {  	s14 =	simm.s32 $0x7800;
	[sflag:s6] =	ssyncadd.s32 $0xFFFFF800  }
0x1b6: {  	[tilespmem:s14], [sflag:$0x1] =	stream.indirect.gather [hbm4b:s24+s1], $0x80, s0, s1, $0xb8;
	[tilespmem:$0x19800] =	vst v63  }
0x1b7: {  	_ = 	snop  }
0x1b8: {  	[tilespmem:s11], [sflag:$0x2] =	stream.indirect.gather [hbm4b:s25+s1], $0x80, s20, s1, $0xb8;
	[tilespmem:$0x19800] =	vst v63  }
0x1b9: {  	_ = 	snop  }
0x1ba: {  	[tilespmem:s10], [sflag:$0x3] =	stream.indirect.gather [hbm4b:s26+s1], $0x10, s0, s1, $0xb8;
	[tilespmem:$0x19800] =	vst v63  }
0x1bb: {  	s5 =	simm.s32 $0x10000  }
0x1bc: {  	[tilespmem:s5], [sflag:$0x4] =	stream.indirect.gather [hbm4b:s26+s1], $0x10, s20, s1, $0xb8;
	[tilespmem:$0x19800] =	vst v63  }
0x1bd: {  	_ =	swait.ge [sflag:s15], $0x4000  }
0x1be: {  	[sflag:s15] =	ssyncset.done $0x0  }
0x1bf: {  	[sflag:s15] =	ssyncadd.s32 $0xFFFFC000  }
0x1c0: {  	_ =	swait.ge [sflag:s17], $0x4000  }
0x1c1: {  	[sflag:s17] =	ssyncset.done $0x0  }
0x1c2: {  	[sflag:s17] =	ssyncadd.s32 $0xFFFFC000  }
0x1c3: {  	_ =	swait.ge [sflag:s18], $0x800  }
0x1c4: {  	[sflag:s18] =	ssyncset.done $0x0  }
0x1c5: {  	[sflag:s18] =	ssyncadd.s32 $0xFFFFF800  }
0x1c6: {  	s22 =	smov.u32 s31;
	_ =	swait.ge [sflag:s19], $0x800  }
0x1c7: {  	s2 =	sadd.s32 s22, s3;
	[sflag:s19] =	ssyncset.done $0x0;
	s23 =	rddreg [dreg:$0x4]  }
0x1c8: {  	s13 =	sadd.s32 $0x1000, s2;
	s23 =	sadd.s32 s22, s23;
	[sflag:s19] =	ssyncadd.s32 $0xFFFFF800  }
0x1c9: {  	[hbm4b:s13+s21] =	stream.linear.scatter [tilespmem:s14], [sflag:$0x9], $0x4000, $0x38;
	[tilespmem:$0x19800] =	vst v63  }
0x1ca: {  	s22 =	sadd.s32 s22, s4;
	s13 =	sadd.s32 $0x1000, s23  }
0x1cb: {  	[hbm4b:s13+s21] =	stream.linear.scatter [tilespmem:s11], [sflag:$0x9], $0x4000, $0x38;
	[tilespmem:$0x19800] =	vst v63  }
0x1cc: {  	s14 =	sadd.s32 $0x1000, s22  }
0x1cd: {  	[hbm4b:s14+s16] =	stream.strided.scatter [tilespmem:s10], [sflag:$0xA], $0x800, s1, s16, $0x38;
	[tilespmem:$0x19800] =	vst v63  }
0x1ce: {  	s7 =	sadd.s32 $0x1002, s22  }
0x1cf: {  	[hbm4b:s7+s16] =	stream.strided.scatter [tilespmem:s5], [sflag:$0xA], $0x800, s1, s16, $0x38;
	[tilespmem:$0x19800] =	vst v63  }
0x1d0: {  	_ =	swait.ge [sflag:s28], $0x4000  }
0x1d1: {  	[sflag:s28] =	ssyncset.done $0x0  }
0x1d2: {  	[sflag:s28] =	ssyncadd.s32 $0xFFFFC000  }
0x1d3: {  	_ =	swait.ge [sflag:s28], $0x4000  }
0x1d4: {  	[sflag:s28] =	ssyncset.done $0x0  }
0x1d5: {  	[sflag:s28] =	ssyncadd.s32 $0xFFFFC000  }
0x1d6: {  	_ =	swait.ge [sflag:s8], $0x800  }
0x1d7: {  	[sflag:s8] =	ssyncset.done $0x0  }
0x1d8: {  	[sflag:s8] =	ssyncadd.s32 $0xFFFFF800  }
0x1d9: {  	_ =	swait.ge [sflag:s8], $0x800  }
0x1da: {  	s9 =	smov.u32 s3;
	[sflag:s8] =	ssyncset.done $0x0  }
0x1db: {  	s3 =	sadd.s32 $0x80, s0;
	s13 =	simm.s32 $0x10800;
	[sflag:s8] =	ssyncadd.s32 $0xFFFFF800  }
0x1dc: {  	[tilespmem:s13], [sflag:$0x5] =	stream.indirect.gather [hbm4b:s24+s1], $0x80, s3, s1, $0xb8;
	[tilespmem:$0x19800] =	vst v63  }
0x1dd: {  	s14 =	simm.s32 $0x14800;
	s5 =	smov.u32 s4;
	s4 =	sadd.s32 $0x80, s20  }
0x1de: {  	[tilespmem:s14], [sflag:$0x6] =	stream.indirect.gather [hbm4b:s25+s1], $0x80, s4, s1, $0xb8;
	[tilespmem:$0x19800] =	vst v63  }
0x1df: {  	s7 =	simm.s32 $0x18800  }
0x1e0: {  	[tilespmem:s7], [sflag:$0x7] =	stream.indirect.gather [hbm4b:s26+s1], $0x10, s3, s1, $0xb8;
	[tilespmem:$0x19800] =	vst v63  }
0x1e1: {  	s7 =	simm.s32 $0x19000  }
0x1e2: {  	[tilespmem:s7], [sflag:$0x8] =	stream.indirect.gather [hbm4b:s26+s1], $0x10, s4, s1, $0xb8;
	[tilespmem:$0x19800] =	vst v63  }
0x1e3: {  	_ =	swait.ge [sflag:s29], $0x4000  }
0x1e4: {  	[sflag:s29] =	ssyncset.done $0x0  }
0x1e5: {  	s3 =	smov.u32 s9;
	s9 =	simm.s32 $0x6;
	[sflag:s29] =	ssyncadd.s32 $0xFFFFC000  }
0x1e6: {  	_ =	swait.ge [sflag:s9], $0x4000  }
0x1e7: {  	[sflag:s9] =	ssyncset.done $0x0  }
0x1e8: {  	[sflag:s9] =	ssyncadd.s32 $0xFFFFC000  }
0x1e9: {  	_ =	swait.ge [sflag:s12], $0x800  }
0x1ea: {  	[sflag:s12] =	ssyncset.done $0x0  }
0x1eb: {  	s9 =	simm.s32 $0x8;
	[sflag:s12] =	ssyncadd.s32 $0xFFFFF800  }
0x1ec: {  	_ =	swait.ge [sflag:s9], $0x800  }
0x1ed: {  	[sflag:s9] =	ssyncset.done $0x0  }
0x1ee: {  	p1 =	seq.s32 s31, $0x3A000;
	s2 =	sadd.s32 $0x1800, s2;
	[sflag:s9] =	ssyncadd.s32 $0xFFFFF800  }
0x1ef: {  	[hbm4b:s2+s21] =	stream.linear.scatter [tilespmem:s13], [sflag:$0xB], $0x4000, $0x38;
	[tilespmem:$0x19800] =	vst v63  }
.Ltmp5:
0x1f0: {  	s31 =	sadd.s32 $0x1000, s31;
	s0 =	sadd.s32 $0x100, s0;
	(pc) =	sbr.rel @!p1 .LBB2_3-.Ltmp5, $4  }
0x1f1: {  	s20 =	sadd.s32 $0x100, s20;
	s4 =	smov.u32 s5;
	s9 =	sadd.s32 $0x1800, s23  }
0x1f2: {  	[hbm4b:s9+s21] =	stream.linear.scatter [tilespmem:s14], [sflag:$0xB], $0x4000, $0x38;
	[tilespmem:$0x19800] =	vst v63  }
0x1f3: {  	s23 =	sadd.s32 $0x1800, s22;
	s13 =	simm.s32 $0x18800;
	s2 =	sadd.s32 $0x1802, s22  }
0x1f4: {  	[hbm4b:s23+s16] =	stream.strided.scatter [tilespmem:s13], [sflag:$0xC], $0x800, s1, s16, $0x38;
	[tilespmem:$0x19800] =	vst v63  }
.Ltmp6:
0x1f5: {  	(pc) =	sbr.rel .LBB2_8-.Ltmp6, $4  }
0x1f6: {  	_ = 	snop  }
0x1f7: {  	[hbm4b:s2+s16] =	stream.strided.scatter [tilespmem:s7], [sflag:$0xC], $0x800, s1, s16, $0x38;
	[tilespmem:$0x19800] =	vst v63  }
0x1f8: {  	s23 =	rddreg [dreg:$0x4]  }
0x1f9: {  	s2 =	rddreg [dreg:$0x1a]  }
.LBB2_9:
0x1fa: {  	_ =	sfence.sel $0x180000  }
0x1fb: {  	[bflag:$0x0] =	sbarrier.arrive $0xFFFF  }
0x1fc: {  	_ =	strace $0x90000047  }
0x1fd: {  	s0 =	stileid.u32;
	[bflag:$0x2] =	sbarrier.arrive $0xFFFF  }
0x1fe: {  	p0 =	sne.s32 s0, $0x0;
	s0 =	rddreg [dreg:$0x1]  }
0x1ff: {  	s0 =	sadd.s32 @!p0 $0x100000, s0  }
0x200: {  	[sflag:s0] =	ssyncadd.tile.s32 @!p0 $0x1;
	_ =	shalt  }
.Lfunc_end2:
_tile_overlayer_lowered:
.L_overlay_start_2:
0x201: {  	(tag) =	ssettag $0x2  }
0x202: {  	s0 =	rddreg [dreg:$0x0];
	s2 =	stileid.u32  }
0x203: {  	s1 =	rddreg [dreg:$0x1];
	p0 =	sne.s32 s2, $0x0  }
0x204: {  	s3 =	rddreg [dreg:$0x2];
	[bflag:$0x3] =	sbarrier.arrive $0xFFFF;
	s2 =	simm.s32 @!p0 $0x1C0E  }
0x205: {  	[timem:s3], [sflag:s2] =	dma.local @!p0 [hbm:s0], s1  }
0x206: {  	s0 =	simm.s32 @!p0 $0xE  }
0x207: {  	_ =	swait.ge @!p0 [sflag:s0], s1  }
0x208: {  	s1 =	ssub.s32 @!p0 $0x0, s1;
	[sflag:s0] =	ssyncset.done @!p0 $0x0  }
0x209: {  	[sflag:s0] =	ssyncadd.s32 @!p0 s1  }
0x20a: {  	[bflag:$0x3] =	sbarrier.arrive $0xFFFF  }
0x20b: {  	_ =	shalt  }

</sc_bundles>
